<compile_context>
chip_gen: v7x
topology: tpu7x:2x2x1
jax: 0.10.2.dev20260603
libtpu: 0.0.44.dev20260713+nightly
codegen_flags: <defaults>
</compile_context>

<pallas_src>
import jax
import jax.numpy as jnp
from jax import lax
from jax.experimental import pallas as pl
from jax.experimental.pallas import tpu as pltpu
from jax.experimental.pallas import tpu_sc as plsc

N_NODES = 10000
N_EDGES = 320000
DIM = 128
EDGE_DIM = 16

NC = 2
NS = 16
NW = NC * NS
CHUNK = 48
NCHUNKS = 208
EPW = NCHUNKS * CHUNK
ETAIL = (N_EDGES - NW * EPW) // NW
TAIL_BASE = NW * EPW
RPT = 624
TAIL = N_NODES - NS * RPT



def _xw1_body(x_ref, w_ref, b_ref, o_ref):
    o_ref[...] = (
        jnp.dot(x_ref[...], w_ref[...], preferred_element_type=jnp.float32)
        + b_ref[...]
    )


def _efw_body(et_ref, w_ref, o_ref):
    o_ref[...] = lax.dot_general(
        et_ref[...], w_ref[...],
        dimension_numbers=(((0,), (0,)), ((), ())),
        preferred_element_type=jnp.float32)


def _final_body(x_ref, a2_ref, c_ref, w2_ref, b2_ref, w3x_ref, w3a_ref,
                b3_ref, g_ref, be_ref, o_ref):
    agg_h = a2_ref[0] + a2_ref[1]
    cnt = jnp.sum(c_ref[...], axis=1, keepdims=True)
    agg = (jnp.dot(agg_h, w2_ref[...], preferred_element_type=jnp.float32)
           + cnt * b2_ref[...]) / (cnt + 1e-8)
    u = jnp.dot(x_ref[...], w3x_ref[...], preferred_element_type=jnp.float32)
    u = u + jnp.dot(agg, w3a_ref[...], preferred_element_type=jnp.float32)
    u = u + b3_ref[...]
    y = jnp.maximum(u, 0.0) + x_ref[...]
    m = jnp.mean(y, axis=1, keepdims=True)
    v = jnp.mean(jnp.square(y - m), axis=1, keepdims=True)
    y = (y - m) * lax.rsqrt(v + 1e-5)
    o_ref[...] = y * g_ref[...] + be_ref[...]



def _edge_body(xw1, efw, src, dst, zacc,
               agg_out, cnt_out,
               idx_s, idx_d, idxT_s, idxT_d, rows_v, ef_v, cnt_v, acc_s,
               sem_g0, sem_g1, sem_e0, sem_e1,
               sem_is0, sem_is1, sem_id0, sem_id1):
    c = lax.axis_index("c")
    s = lax.axis_index("s")
    wid = s * NC + c
    sem_g = (sem_g0, sem_g1)
    sem_e = (sem_e0, sem_e1)
    sem_is = (sem_is0, sem_is1)
    sem_id = (sem_id0, sem_id1)

    pltpu.sync_copy(zacc.at[pl.ds(s * RPT, RPT)], acc_s.at[pl.ds(s * RPT, RPT)])

    @pl.when(s == NS - 1)
    def _zero_tail():
        pltpu.sync_copy(zacc.at[pl.ds(NS * RPT, TAIL)],
                        acc_s.at[pl.ds(NS * RPT, TAIL)])

    zero16 = jnp.zeros((16,), jnp.float32)

    def zero_body(i, _):
        cnt_v[pl.ds(i * 16, 16)] = zero16
        return ()

    lax.fori_loop(0, N_NODES // 16, zero_body, (), unroll=8)
    plsc.subcore_barrier()

    one16 = jnp.full((16,), 1.0, jnp.float32)

    ebase = wid * EPW

    def start_idx_s(t, b):
        pltpu.async_copy(src.at[pl.ds(ebase + t * CHUNK, CHUNK)],
                         idx_s.at[b], sem_is[b])

    def start_idx_d(t, b):
        pltpu.async_copy(dst.at[pl.ds(ebase + t * CHUNK, CHUNK)],
                         idx_d.at[b], sem_id[b])

    def wait_idx(t, b):
        pltpu.make_async_copy(src.at[pl.ds(ebase + t * CHUNK, CHUNK)],
                              idx_s.at[b], sem_is[b]).wait()
        pltpu.make_async_copy(dst.at[pl.ds(ebase + t * CHUNK, CHUNK)],
                              idx_d.at[b], sem_id[b]).wait()

    def start(t, b):
        pltpu.async_copy(efw.at[pl.ds(ebase + t * CHUNK, CHUNK)],
                         ef_v.at[b], sem_e[b])
        pltpu.async_copy(xw1.at[idx_s.at[b]], rows_v.at[b], sem_g[b])

    def finish(t, b):
        pltpu.make_async_copy(efw.at[pl.ds(ebase + t * CHUNK, CHUNK)],
                              ef_v.at[b], sem_e[b]).wait()
        pltpu.make_async_copy(xw1.at[idx_s.at[b]], rows_v.at[b],
                              sem_g[b]).wait()

    def compute(t, b):
        @plsc.parallel_loop(0, CHUNK, step=1, unroll=8)
        def _relu(i):
            for j in range(DIM // 16):
                sl = pl.ds(j * 16, 16)
                v = rows_v[b, i, sl] + ef_v[b, i, sl]
                rows_v[b, i, sl] = jnp.maximum(v, 0.0)

        pltpu.sync_copy(rows_v.at[b], acc_s.at[idx_d.at[b]], add=True)

        for k in range(CHUNK // 16):
            idx = idx_d[b, pl.ds(k * 16, 16)]
            plsc.addupdate_scatter(cnt_v, [idx], one16)

    start_idx_s(0, 0)
    start_idx_d(0, 0)
    start_idx_s(1, 1)
    start_idx_d(1, 1)
    wait_idx(0, 0)
    start(0, 0)

    def pair_body(u, _):
        t0 = 2 * u
        last = NCHUNKS // 2 - 1

        finish(t0, 0)

        @pl.when(u < last)
        def _():
            start_idx_s(t0 + 2, 0)

        wait_idx(t0 + 1, 1)
        start(t0 + 1, 1)
        compute(t0, 0)

        @pl.when(u < last)
        def _():
            start_idx_d(t0 + 2, 0)

        finish(t0 + 1, 1)

        @pl.when(u < last)
        def _():
            start_idx_s(t0 + 3, 1)
            wait_idx(t0 + 2, 0)
            start(t0 + 2, 0)

        compute(t0 + 1, 1)

        @pl.when(u < last)
        def _():
            start_idx_d(t0 + 3, 1)

        return ()

    lax.fori_loop(0, NCHUNKS // 2, pair_body, ())

    tbase = TAIL_BASE + wid * ETAIL
    pltpu.sync_copy(src.at[pl.ds(tbase, ETAIL)], idxT_s)
    pltpu.sync_copy(dst.at[pl.ds(tbase, ETAIL)], idxT_d)
    pltpu.sync_copy(efw.at[pl.ds(tbase, ETAIL)],
                    ef_v.at[0, pl.ds(0, ETAIL)])
    pltpu.async_copy(xw1.at[idxT_s], rows_v.at[0, pl.ds(0, ETAIL)],
                     sem_g0).wait()

    def tail_body(i, _):
        for j in range(DIM // 16):
            sl = pl.ds(j * 16, 16)
            v = rows_v[0, i, sl] + ef_v[0, i, sl]
            rows_v[0, i, sl] = jnp.maximum(v, 0.0)
        return ()

    lax.fori_loop(0, ETAIL, tail_body, ())
    pltpu.sync_copy(rows_v.at[0, pl.ds(0, ETAIL)], acc_s.at[idxT_d], add=True)
    plsc.addupdate_scatter(cnt_v, [idxT_d[...]], one16)

    plsc.subcore_barrier()

    pltpu.sync_copy(acc_s.at[pl.ds(s * RPT, RPT)],
                    agg_out.at[c, pl.ds(s * RPT, RPT)])

    @pl.when(s == NS - 1)
    def _write_tail():
        pltpu.sync_copy(acc_s.at[pl.ds(NS * RPT, TAIL)],
                        agg_out.at[c, pl.ds(NS * RPT, TAIL)])

    pltpu.sync_copy(cnt_v, cnt_out.at[pl.ds(wid * N_NODES, N_NODES)])



def kernel(x, edge_index, edge_features, W1, b1, W2, b2, W3, b3, gamma, beta):
    x = x.astype(jnp.float32)
    src = edge_index[0].astype(jnp.int32)
    dst = edge_index[1].astype(jnp.int32)

    w1xT = W1[:, :DIM].T
    w1eT = W1[:, DIM:].T
    w2T = W2.T
    w3xT = W3[:, :DIM].T
    w3aT = W3[:, DIM:].T
    b1r = b1.reshape(1, DIM)
    b2r = b2.reshape(1, DIM)
    b3r = b3.reshape(1, DIM)
    gr = gamma.reshape(1, DIM)
    br = beta.reshape(1, DIM)

    xw1 = pl.pallas_call(
        _xw1_body,
        grid=(5,),
        in_specs=[
            pl.BlockSpec((2000, DIM), lambda i: (i, 0)),
            pl.BlockSpec((DIM, DIM), lambda i: (0, 0)),
            pl.BlockSpec((1, DIM), lambda i: (0, 0)),
        ],
        out_specs=pl.BlockSpec((2000, DIM), lambda i: (i, 0)),
        out_shape=jax.ShapeDtypeStruct((N_NODES, DIM), jnp.float32),
    )(x, w1xT, b1r)

    efw = pl.pallas_call(
        _efw_body,
        grid=(20,),
        in_specs=[
            pl.BlockSpec((EDGE_DIM, 16000), lambda i: (0, i)),
            pl.BlockSpec((EDGE_DIM, DIM), lambda i: (0, 0)),
        ],
        out_specs=pl.BlockSpec((16000, DIM), lambda i: (i, 0)),
        out_shape=jax.ShapeDtypeStruct((N_EDGES, DIM), jnp.float32),
    )(edge_features.T, w1eT)

    zacc = jnp.zeros((N_NODES, DIM), jnp.float32)

    agg2, cnt_flat = pl.kernel(
        _edge_body,
        out_type=(
            jax.ShapeDtypeStruct((NC, N_NODES, DIM), jnp.float32),
            jax.ShapeDtypeStruct((NW * N_NODES,), jnp.float32),
        ),
        mesh=plsc.VectorSubcoreMesh(core_axis_name="c", subcore_axis_name="s"),
        compiler_params=pltpu.CompilerParams(needs_layout_passes=False),
        scratch_types=[
            pltpu.VMEM((2, CHUNK), jnp.int32),
            pltpu.VMEM((2, CHUNK), jnp.int32),
            pltpu.VMEM((ETAIL,), jnp.int32),
            pltpu.VMEM((ETAIL,), jnp.int32),
            pltpu.VMEM((2, CHUNK, DIM), jnp.float32),
            pltpu.VMEM((2, CHUNK, DIM), jnp.float32),
            pltpu.VMEM((N_NODES,), jnp.float32),
            pltpu.VMEM_SHARED((N_NODES, DIM), jnp.float32),
        ] + [pltpu.SemaphoreType.DMA] * 8,
    )(xw1, efw, src, dst, zacc)
    cnt32 = cnt_flat.reshape(NW, N_NODES)

    y = pl.pallas_call(
        _final_body,
        grid=(5,),
        in_specs=[
            pl.BlockSpec((2000, DIM), lambda i: (i, 0)),
            pl.BlockSpec((NC, 2000, DIM), lambda i: (0, i, 0)),
            pl.BlockSpec((2000, NW), lambda i: (i, 0)),
            pl.BlockSpec((DIM, DIM), lambda i: (0, 0)),
            pl.BlockSpec((1, DIM), lambda i: (0, 0)),
            pl.BlockSpec((DIM, DIM), lambda i: (0, 0)),
            pl.BlockSpec((DIM, DIM), lambda i: (0, 0)),
            pl.BlockSpec((1, DIM), lambda i: (0, 0)),
            pl.BlockSpec((1, DIM), lambda i: (0, 0)),
            pl.BlockSpec((1, DIM), lambda i: (0, 0)),
        ],
        out_specs=pl.BlockSpec((2000, DIM), lambda i: (i, 0)),
        out_shape=jax.ShapeDtypeStruct((N_NODES, DIM), jnp.float32),
    )(x, agg2, cnt32.T, w2T, b2r, w3xT, w3aT, b3r, gr, br)

    return y

# --- scband reference (transcript-rebuilt; emitter-appended) ---
"""Pipeline reference for scband-graph-sagelayer-66005057405019 (READ-ONLY COPY).

The authoritative reference and input builder live on the scoring server;
editing this copy changes nothing except your own understanding.
"""

import jax, jax.numpy as jnp
import numpy as np

N_NODES = 10000
N_EDGES = 320000
IN_DIM = 128
OUT_DIM = 128
EDGE_DIM = 16


def setup_inputs(seed: int = 0) -> dict:
    key = jax.random.key(seed)
    ks = jax.random.split(key, 12)
    x = jax.random.normal(ks[0], (N_NODES, IN_DIM), dtype=jnp.float32)
    edge_index = jax.random.randint(ks[1], (2, N_EDGES), 0, N_NODES)
    edge_features = jax.random.normal(ks[2], (N_EDGES, EDGE_DIM), dtype=jnp.float32)
    # msg_mlp: Linear(in_dim+edge_dim, out_dim) -> ReLU -> Linear(out_dim, out_dim)
    f1 = IN_DIM + EDGE_DIM
    b = 1.0 / np.sqrt(f1)
    W1 = jax.random.uniform(ks[3], (OUT_DIM, f1), minval=-b, maxval=b, dtype=jnp.float32)
    b1 = jax.random.uniform(ks[4], (OUT_DIM,), minval=-b, maxval=b, dtype=jnp.float32)
    b = 1.0 / np.sqrt(OUT_DIM)
    W2 = jax.random.uniform(ks[5], (OUT_DIM, OUT_DIM), minval=-b, maxval=b, dtype=jnp.float32)
    b2 = jax.random.uniform(ks[6], (OUT_DIM,), minval=-b, maxval=b, dtype=jnp.float32)
    # update_mlp: Linear(in_dim+out_dim, out_dim) -> ReLU
    f3 = IN_DIM + OUT_DIM
    b = 1.0 / np.sqrt(f3)
    W3 = jax.random.uniform(ks[7], (OUT_DIM, f3), minval=-b, maxval=b, dtype=jnp.float32)
    b3 = jax.random.uniform(ks[8], (OUT_DIM,), minval=-b, maxval=b, dtype=jnp.float32)
    gamma = jnp.ones((OUT_DIM,), dtype=jnp.float32)
    beta = jnp.zeros((OUT_DIM,), dtype=jnp.float32)
    return {"x": x, "edge_index": edge_index, "edge_features": edge_features,
            "W1": W1, "b1": b1, "W2": W2, "b2": b2, "W3": W3, "b3": b3,
            "gamma": gamma, "beta": beta}


def reference(x, edge_index, edge_features, W1, b1, W2, b2, W3, b3, gamma, beta):
    src = edge_index[0]
    dst = edge_index[1]
    num_nodes = x.shape[0]
    src_feat = jnp.take(x, src, axis=0)
    msg_input = jnp.concatenate([src_feat, edge_features], axis=-1)
    h = jax.nn.relu(msg_input @ W1.T + b1)
    messages = h @ W2.T + b2
    agg = jnp.zeros((num_nodes, messages.shape[1]), dtype=x.dtype).at[dst].add(messages)
    count = jnp.zeros((num_nodes, 1), dtype=x.dtype).at[dst].add(
        jnp.ones((dst.shape[0], 1), dtype=x.dtype))
    agg = agg / (count + 1e-08)
    updated = jax.nn.relu(jnp.concatenate([x, agg], axis=-1) @ W3.T + b3)
    residual = x  # in_dim == out_dim -> Identity
    y = updated + residual
    mean = jnp.mean(y, axis=-1, keepdims=True)
    var = jnp.var(y, axis=-1, keepdims=True)
    y = (y - mean) / jnp.sqrt(var + 1e-05)
    y = y * gamma + beta
    # dropout is identity in eval mode
    return y

if __name__ == "__main__":
    import jax
    _d = setup_inputs()
    print(jax.jit(kernel)(*tuple(_d.values())))

</pallas_src>

<mosaic_0001>
#map = affine_map<(d0, d1) -> (0, 0)>
#map1 = affine_map<(d0, d1) -> (0)>
#map2 = affine_map<(d0, d1) -> (0, 0, 0)>
module attributes {stable_mosaic.version = 14 : i64} {
  func.func @_edge_body(%arg0: i32, %arg1: i32, %arg2: memref<10000x128xf32, #tpu.memory_space<hbm>>, %arg3: memref<320000x128xf32, #tpu.memory_space<hbm>>, %arg4: memref<320000xi32, #tpu.memory_space<hbm>>, %arg5: memref<320000xi32, #tpu.memory_space<hbm>>, %arg6: memref<10000x128xf32, #tpu.memory_space<hbm>>, %arg7: memref<2x10000x128xf32, #tpu.memory_space<hbm>>, %arg8: memref<320000xf32, #tpu.memory_space<hbm>>, %arg9: memref<2x48xi32, #tpu.memory_space<vmem>>, %arg10: memref<2x48xi32, #tpu.memory_space<vmem>>, %arg11: memref<16xi32, #tpu.memory_space<vmem>>, %arg12: memref<16xi32, #tpu.memory_space<vmem>>, %arg13: memref<2x48x128xf32, #tpu.memory_space<vmem>>, %arg14: memref<2x48x128xf32, #tpu.memory_space<vmem>>, %arg15: memref<10000xf32, #tpu.memory_space<vmem>>, %arg16: memref<10000x128xf32, #tpu.memory_space<vmem_shared>>, %arg17: memref<!tpu.dma_semaphore, #tpu.memory_space<semaphore_mem>>, %arg18: memref<!tpu.dma_semaphore, #tpu.memory_space<semaphore_mem>>, %arg19: memref<!tpu.dma_semaphore, #tpu.memory_space<semaphore_mem>>, %arg20: memref<!tpu.dma_semaphore, #tpu.memory_space<semaphore_mem>>, %arg21: memref<!tpu.dma_semaphore, #tpu.memory_space<semaphore_mem>>, %arg22: memref<!tpu.dma_semaphore, #tpu.memory_space<semaphore_mem>>, %arg23: memref<!tpu.dma_semaphore, #tpu.memory_space<semaphore_mem>>, %arg24: memref<!tpu.dma_semaphore, #tpu.memory_space<semaphore_mem>>) attributes {dimension_semantics = [#tpu.dimension_semantics<core_parallel>, #tpu.dimension_semantics<subcore_parallel>], iteration_bounds = array<i64: 2, 16>, scalar_prefetch = 0 : i64, scratch_operands = 16 : i64, tpu.core_type = #tpu.core_type<sc_vector_subcore>, window_params = [{transform_indices = #map}, {transform_indices = #map}, {transform_indices = #map1}, {transform_indices = #map1}, {transform_indices = #map}, {transform_indices = #map2}, {transform_indices = #map1}]} {
    %mul3A = arith.constant 2 : i32
    %mul3A_0 = arith.muli %arg1, %mul3A : i32
    %add3A = arith.addi %mul3A_0, %arg0 : i32
    %mul3A_1 = arith.constant 624 : i32
    %mul3A_2 = arith.muli %arg1, %mul3A_1 : i32
    %mul3A_3 = arith.constant 624 : i32
    %mul3A_4 = arith.muli %arg1, %mul3A_3 : i32
    "tpu.region"() ({
      %run_scoped3A_156 = tpu.sem_alloc : memref<!tpu.dma_semaphore, #tpu.memory_space<semaphore_mem>>
      %dma_start3A_157 = arith.constant 0 : i32
      %dma_start3A_158 = tpu.memref_slice %arg16[%mul3A_4, %dma_start3A_157] : memref<10000x128xf32, #tpu.memory_space<vmem_shared>> -> memref<624x128xf32, #tpu.memory_space<vmem_shared>>
      %dma_start3A_159 = arith.constant 0 : i32
      %dma_start3A_160 = tpu.memref_slice %arg6[%mul3A_2, %dma_start3A_159] : memref<10000x128xf32, #tpu.memory_space<hbm>> -> memref<624x128xf32, #tpu.memory_space<hbm>>
      tpu.enqueue_dma source(%dma_start3A_160 : memref<624x128xf32, #tpu.memory_space<hbm>>) target(%dma_start3A_158 : memref<624x128xf32, #tpu.memory_space<vmem_shared>>) target_semaphore(%run_scoped3A_156 : memref<!tpu.dma_semaphore, #tpu.memory_space<semaphore_mem>>)
      %dma_wait3A_161 = arith.constant 0 : i32
      %dma_wait3A_162 = tpu.memref_slice %arg16[%mul3A_4, %dma_wait3A_161] : memref<10000x128xf32, #tpu.memory_space<vmem_shared>> -> memref<624x128xf32, #tpu.memory_space<vmem_shared>>
      %dma_wait3A_163 = arith.constant 0 : i32
      %dma_wait3A_164 = tpu.memref_slice %arg6[%mul3A_2, %dma_wait3A_163] : memref<10000x128xf32, #tpu.memory_space<hbm>> -> memref<624x128xf32, #tpu.memory_space<hbm>>
      tpu.wait_dma2 semaphore(%run_scoped3A_156 : memref<!tpu.dma_semaphore, #tpu.memory_space<semaphore_mem>>) src(%dma_wait3A_164 : memref<624x128xf32, #tpu.memory_space<hbm>>) dst(%dma_wait3A_162 : memref<624x128xf32, #tpu.memory_space<vmem_shared>>)
      tpu.yield
    }) : () -> ()
    %eq3A = arith.constant 15 : i32
    %eq3A_5 = arith.cmpi eq, %arg1, %eq3A : i32
    %convert_element_type3A = arith.extui %eq3A_5 : i1 to i32
    %cond3A = arith.constant 0 : i32
    %cond3A_6 = arith.cmpi ne, %convert_element_type3A, %cond3A : i32
    scf.if %cond3A_6 {
      "tpu.region"() ({
        %run_scoped3A_156 = tpu.sem_alloc : memref<!tpu.dma_semaphore, #tpu.memory_space<semaphore_mem>>
        %dma_start3A_157 = arith.constant 9984 : i32
        %dma_start3A_158 = arith.constant 0 : i32
        %dma_start3A_159 = tpu.memref_slice %arg16[%dma_start3A_157, %dma_start3A_158] : memref<10000x128xf32, #tpu.memory_space<vmem_shared>> -> memref<16x128xf32, #tpu.memory_space<vmem_shared>>
        %dma_start3A_160 = arith.constant 9984 : i32
        %dma_start3A_161 = arith.constant 0 : i32
        %dma_start3A_162 = tpu.memref_slice %arg6[%dma_start3A_160, %dma_start3A_161] : memref<10000x128xf32, #tpu.memory_space<hbm>> -> memref<16x128xf32, #tpu.memory_space<hbm>>
        tpu.enqueue_dma source(%dma_start3A_162 : memref<16x128xf32, #tpu.memory_space<hbm>>) target(%dma_start3A_159 : memref<16x128xf32, #tpu.memory_space<vmem_shared>>) target_semaphore(%run_scoped3A_156 : memref<!tpu.dma_semaphore, #tpu.memory_space<semaphore_mem>>)
        %dma_wait3A_163 = arith.constant 9984 : i32
        %dma_wait3A_164 = arith.constant 0 : i32
        %dma_wait3A_165 = tpu.memref_slice %arg16[%dma_wait3A_163, %dma_wait3A_164] : memref<10000x128xf32, #tpu.memory_space<vmem_shared>> -> memref<16x128xf32, #tpu.memory_space<vmem_shared>>
        %dma_wait3A_166 = arith.constant 9984 : i32
        %dma_wait3A_167 = arith.constant 0 : i32
        %dma_wait3A_168 = tpu.memref_slice %arg6[%dma_wait3A_166, %dma_wait3A_167] : memref<10000x128xf32, #tpu.memory_space<hbm>> -> memref<16x128xf32, #tpu.memory_space<hbm>>
        tpu.wait_dma2 semaphore(%run_scoped3A_156 : memref<!tpu.dma_semaphore, #tpu.memory_space<semaphore_mem>>) src(%dma_wait3A_168 : memref<16x128xf32, #tpu.memory_space<hbm>>) dst(%dma_wait3A_165 : memref<16x128xf32, #tpu.memory_space<vmem_shared>>)
        tpu.yield
      }) : () -> ()
    } else {
    }
    %broadcast_in_dim3A = arith.constant 0.000000e+00 : f32
    %broadcast_in_dim3A_7 = vector.broadcast %broadcast_in_dim3A : f32 to vector<16xf32>
    %scan3A = arith.constant 0 : i32
    %scan3A_8 = arith.constant 624 : i32
    %scan3A_9 = arith.addi %scan3A, %scan3A_8 : i32
    %scan3A_10 = arith.constant 8 : i32
    scf.for %scan3A_156 = %scan3A to %scan3A_9 step %scan3A_10  : i32 {
      %mul3A_157 = arith.constant 16 : i32
      %mul3A_158 = arith.muli %scan3A_156, %mul3A_157 : i32
      %swap3A_159 = arith.index_cast %mul3A_158 : i32 to index
      %swap3A_160 = tpu.vector_load %arg15[%swap3A_159] {strides = array<i32>} : memref<10000xf32, #tpu.memory_space<vmem>>, vector<16xf32>,
      tpu.vector_store %arg15[%swap3A_159], %broadcast_in_dim3A_7 {strides = array<i32>} : memref<10000xf32, #tpu.memory_space<vmem>>, vector<16xf32>,
      %scan3A_161 = arith.constant 1 : i32
      %scan3A_162 = arith.addi %scan3A_156, %scan3A_161 : i32
      %mul3A_163 = arith.constant 16 : i32
      %mul3A_164 = arith.muli %scan3A_162, %mul3A_163 : i32
      %swap3A_165 = arith.index_cast %mul3A_164 : i32 to index
      %swap3A_166 = tpu.vector_load %arg15[%swap3A_165] {strides = array<i32>} : memref<10000xf32, #tpu.memory_space<vmem>>, vector<16xf32>,
      tpu.vector_store %arg15[%swap3A_165], %broadcast_in_dim3A_7 {strides = array<i32>} : memref<10000xf32, #tpu.memory_space<vmem>>, vector<16xf32>,
      %scan3A_167 = arith.constant 2 : i32
      %scan3A_168 = arith.addi %scan3A_156, %scan3A_167 : i32
      %mul3A_169 = arith.constant 16 : i32
      %mul3A_170 = arith.muli %scan3A_168, %mul3A_169 : i32
      %swap3A_171 = arith.index_cast %mul3A_170 : i32 to index
      %swap3A_172 = tpu.vector_load %arg15[%swap3A_171] {strides = array<i32>} : memref<10000xf32, #tpu.memory_space<vmem>>, vector<16xf32>,
      tpu.vector_store %arg15[%swap3A_171], %broadcast_in_dim3A_7 {strides = array<i32>} : memref<10000xf32, #tpu.memory_space<vmem>>, vector<16xf32>,
      %scan3A_173 = arith.constant 3 : i32
      %scan3A_174 = arith.addi %scan3A_156, %scan3A_173 : i32
      %mul3A_175 = arith.constant 16 : i32
      %mul3A_176 = arith.muli %scan3A_174, %mul3A_175 : i32
      %swap3A_177 = arith.index_cast %mul3A_176 : i32 to index
      %swap3A_178 = tpu.vector_load %arg15[%swap3A_177] {strides = array<i32>} : memref<10000xf32, #tpu.memory_space<vmem>>, vector<16xf32>,
      tpu.vector_store %arg15[%swap3A_177], %broadcast_in_dim3A_7 {strides = array<i32>} : memref<10000xf32, #tpu.memory_space<vmem>>, vector<16xf32>,
      %scan3A_179 = arith.constant 4 : i32
      %scan3A_180 = arith.addi %scan3A_156, %scan3A_179 : i32
      %mul3A_181 = arith.constant 16 : i32
      %mul3A_182 = arith.muli %scan3A_180, %mul3A_181 : i32
      %swap3A_183 = arith.index_cast %mul3A_182 : i32 to index
      %swap3A_184 = tpu.vector_load %arg15[%swap3A_183] {strides = array<i32>} : memref<10000xf32, #tpu.memory_space<vmem>>, vector<16xf32>,
      tpu.vector_store %arg15[%swap3A_183], %broadcast_in_dim3A_7 {strides = array<i32>} : memref<10000xf32, #tpu.memory_space<vmem>>, vector<16xf32>,
      %scan3A_185 = arith.constant 5 : i32
      %scan3A_186 = arith.addi %scan3A_156, %scan3A_185 : i32
      %mul3A_187 = arith.constant 16 : i32
      %mul3A_188 = arith.muli %scan3A_186, %mul3A_187 : i32
      %swap3A_189 = arith.index_cast %mul3A_188 : i32 to index
      %swap3A_190 = tpu.vector_load %arg15[%swap3A_189] {strides = array<i32>} : memref<10000xf32, #tpu.memory_space<vmem>>, vector<16xf32>,
      tpu.vector_store %arg15[%swap3A_189], %broadcast_in_dim3A_7 {strides = array<i32>} : memref<10000xf32, #tpu.memory_space<vmem>>, vector<16xf32>,
      %scan3A_191 = arith.constant 6 : i32
      %scan3A_192 = arith.addi %scan3A_156, %scan3A_191 : i32
      %mul3A_193 = arith.constant 16 : i32
      %mul3A_194 = arith.muli %scan3A_192, %mul3A_193 : i32
      %swap3A_195 = arith.index_cast %mul3A_194 : i32 to index
      %swap3A_196 = tpu.vector_load %arg15[%swap3A_195] {strides = array<i32>} : memref<10000xf32, #tpu.memory_space<vmem>>, vector<16xf32>,
      tpu.vector_store %arg15[%swap3A_195], %broadcast_in_dim3A_7 {strides = array<i32>} : memref<10000xf32, #tpu.memory_space<vmem>>, vector<16xf32>,
      %scan3A_197 = arith.constant 7 : i32
      %scan3A_198 = arith.addi %scan3A_156, %scan3A_197 : i32
      %mul3A_199 = arith.constant 16 : i32
      %mul3A_200 = arith.muli %scan3A_198, %mul3A_199 : i32
      %swap3A_201 = arith.index_cast %mul3A_200 : i32 to index
      %swap3A_202 = tpu.vector_load %arg15[%swap3A_201] {strides = array<i32>} : memref<10000xf32, #tpu.memory_space<vmem>>, vector<16xf32>,
      tpu.vector_store %arg15[%swap3A_201], %broadcast_in_dim3A_7 {strides = array<i32>} : memref<10000xf32, #tpu.memory_space<vmem>>, vector<16xf32>,
    }
    %scan3A_11 = arith.constant 624 : i32
    %scan3A_12 = arith.addi %scan3A, %scan3A_11 : i32
    %mul3A_13 = arith.constant 16 : i32
    %mul3A_14 = arith.muli %scan3A_12, %mul3A_13 : i32
    %swap3A = arith.index_cast %mul3A_14 : i32 to index
    %swap3A_15 = tpu.vector_load %arg15[%swap3A] {strides = array<i32>} : memref<10000xf32, #tpu.memory_space<vmem>>, vector<16xf32>,
    tpu.vector_store %arg15[%swap3A], %broadcast_in_dim3A_7 {strides = array<i32>} : memref<10000xf32, #tpu.memory_space<vmem>>, vector<16xf32>,
    %scan3A_16 = arith.constant 625 : i32
    %barrier3A = arith.constant 0 : index
    tpu.barrier barrier_id(%barrier3A)
    %broadcast_in_dim3A_17 = arith.constant 1.000000e+00 : f32
    %broadcast_in_dim3A_18 = vector.broadcast %broadcast_in_dim3A_17 : f32 to vector<16xf32>
    %mul3A_19 = arith.constant 9984 : i32
    %mul3A_20 = arith.muli %add3A, %mul3A_19 : i32
    %add3A_21 = arith.constant 0 : i32
    %add3A_22 = arith.addi %mul3A_20, %add3A_21 : i32
    %dma_start3A = arith.constant 0 : i32
    %dma_start3A_23 = arith.constant 0 : i32
    %dma_start3A_24 = tpu.memref_slice %arg9[%dma_start3A, %dma_start3A_23] : memref<2x48xi32, #tpu.memory_space<vmem>> -> memref<1x48xi32, #tpu.memory_space<vmem>>
    %dma_start3A_25 = tpu.memref_squeeze %dma_start3A_24 : memref<1x48xi32, #tpu.memory_space<vmem>> -> memref<48xi32, #tpu.memory_space<vmem>>
    %dma_start3A_26 = tpu.memref_slice %arg4[%add3A_22] : memref<320000xi32, #tpu.memory_space<hbm>> -> memref<48xi32, #tpu.memory_space<hbm>>
    %dma_start3A_27 = arith.constant 0 : i32
    %dma_start3A_28 = tpu.memref_slice %arg9[%dma_start3A, %dma_start3A_27] : memref<2x48xi32, #tpu.memory_space<vmem>> -> memref<1x48xi32, #tpu.memory_space<vmem>>
    %dma_start3A_29 = tpu.memref_squeeze %dma_start3A_28 : memref<1x48xi32, #tpu.memory_space<vmem>> -> memref<48xi32, #tpu.memory_space<vmem>>
    %dma_start3A_30 = tpu.memref_slice %arg4[%add3A_22] : memref<320000xi32, #tpu.memory_space<hbm>> -> memref<48xi32, #tpu.memory_space<hbm>>
    tpu.enqueue_dma source(%dma_start3A_30 : memref<48xi32, #tpu.memory_space<hbm>>) target(%dma_start3A_29 : memref<48xi32, #tpu.memory_space<vmem>>) target_semaphore(%arg21 : memref<!tpu.dma_semaphore, #tpu.memory_space<semaphore_mem>>)
    %add3A_31 = arith.constant 0 : i32
    %add3A_32 = arith.addi %mul3A_20, %add3A_31 : i32
    %dma_start3A_33 = arith.constant 0 : i32
    %dma_start3A_34 = arith.constant 0 : i32
    %dma_start3A_35 = tpu.memref_slice %arg10[%dma_start3A_33, %dma_start3A_34] : memref<2x48xi32, #tpu.memory_space<vmem>> -> memref<1x48xi32, #tpu.memory_space<vmem>>
    %dma_start3A_36 = tpu.memref_squeeze %dma_start3A_35 : memref<1x48xi32, #tpu.memory_space<vmem>> -> memref<48xi32, #tpu.memory_space<vmem>>
    %dma_start3A_37 = tpu.memref_slice %arg5[%add3A_32] : memref<320000xi32, #tpu.memory_space<hbm>> -> memref<48xi32, #tpu.memory_space<hbm>>
    %dma_start3A_38 = arith.constant 0 : i32
    %dma_start3A_39 = tpu.memref_slice %arg10[%dma_start3A_33, %dma_start3A_38] : memref<2x48xi32, #tpu.memory_space<vmem>> -> memref<1x48xi32, #tpu.memory_space<vmem>>
    %dma_start3A_40 = tpu.memref_squeeze %dma_start3A_39 : memref<1x48xi32, #tpu.memory_space<vmem>> -> memref<48xi32, #tpu.memory_space<vmem>>
    %dma_start3A_41 = tpu.memref_slice %arg5[%add3A_32] : memref<320000xi32, #tpu.memory_space<hbm>> -> memref<48xi32, #tpu.memory_space<hbm>>
    tpu.enqueue_dma source(%dma_start3A_41 : memref<48xi32, #tpu.memory_space<hbm>>) target(%dma_start3A_40 : memref<48xi32, #tpu.memory_space<vmem>>) target_semaphore(%arg23 : memref<!tpu.dma_semaphore, #tpu.memory_space<semaphore_mem>>)
    %add3A_42 = arith.constant 48 : i32
    %add3A_43 = arith.addi %mul3A_20, %add3A_42 : i32
    %dma_start3A_44 = arith.constant 1 : i32
    %dma_start3A_45 = arith.constant 0 : i32
    %dma_start3A_46 = tpu.memref_slice %arg9[%dma_start3A_44, %dma_start3A_45] : memref<2x48xi32, #tpu.memory_space<vmem>> -> memref<1x48xi32, #tpu.memory_space<vmem>>
    %dma_start3A_47 = tpu.memref_squeeze %dma_start3A_46 : memref<1x48xi32, #tpu.memory_space<vmem>> -> memref<48xi32, #tpu.memory_space<vmem>>
    %dma_start3A_48 = tpu.memref_slice %arg4[%add3A_43] : memref<320000xi32, #tpu.memory_space<hbm>> -> memref<48xi32, #tpu.memory_space<hbm>>
    %dma_start3A_49 = arith.constant 0 : i32
    %dma_start3A_50 = tpu.memref_slice %arg9[%dma_start3A_44, %dma_start3A_49] : memref<2x48xi32, #tpu.memory_space<vmem>> -> memref<1x48xi32, #tpu.memory_space<vmem>>
    %dma_start3A_51 = tpu.memref_squeeze %dma_start3A_50 : memref<1x48xi32, #tpu.memory_space<vmem>> -> memref<48xi32, #tpu.memory_space<vmem>>
    %dma_start3A_52 = tpu.memref_slice %arg4[%add3A_43] : memref<320000xi32, #tpu.memory_space<hbm>> -> memref<48xi32, #tpu.memory_space<hbm>>
    tpu.enqueue_dma source(%dma_start3A_52 : memref<48xi32, #tpu.memory_space<hbm>>) target(%dma_start3A_51 : memref<48xi32, #tpu.memory_space<vmem>>) target_semaphore(%arg22 : memref<!tpu.dma_semaphore, #tpu.memory_space<semaphore_mem>>)
    %add3A_53 = arith.constant 48 : i32
    %add3A_54 = arith.addi %mul3A_20, %add3A_53 : i32
    %dma_start3A_55 = arith.constant 1 : i32
    %dma_start3A_56 = arith.constant 0 : i32
    %dma_start3A_57 = tpu.memref_slice %arg10[%dma_start3A_55, %dma_start3A_56] : memref<2x48xi32, #tpu.memory_space<vmem>> -> memref<1x48xi32, #tpu.memory_space<vmem>>
    %dma_start3A_58 = tpu.memref_squeeze %dma_start3A_57 : memref<1x48xi32, #tpu.memory_space<vmem>> -> memref<48xi32, #tpu.memory_space<vmem>>
    %dma_start3A_59 = tpu.memref_slice %arg5[%add3A_54] : memref<320000xi32, #tpu.memory_space<hbm>> -> memref<48xi32, #tpu.memory_space<hbm>>
    %dma_start3A_60 = arith.constant 0 : i32
    %dma_start3A_61 = tpu.memref_slice %arg10[%dma_start3A_55, %dma_start3A_60] : memref<2x48xi32, #tpu.memory_space<vmem>> -> memref<1x48xi32, #tpu.memory_space<vmem>>
    %dma_start3A_62 = tpu.memref_squeeze %dma_start3A_61 : memref<1x48xi32, #tpu.memory_space<vmem>> -> memref<48xi32, #tpu.memory_space<vmem>>
    %dma_start3A_63 = tpu.memref_slice %arg5[%add3A_54] : memref<320000xi32, #tpu.memory_space<hbm>> -> memref<48xi32, #tpu.memory_space<hbm>>
    tpu.enqueue_dma source(%dma_start3A_63 : memref<48xi32, #tpu.memory_space<hbm>>) target(%dma_start3A_62 : memref<48xi32, #tpu.memory_space<vmem>>) target_semaphore(%arg24 : memref<!tpu.dma_semaphore, #tpu.memory_space<semaphore_mem>>)
    %add3A_64 = arith.constant 0 : i32
    %add3A_65 = arith.addi %mul3A_20, %add3A_64 : i32
    %dma_wait3A = arith.constant 0 : i32
    %dma_wait3A_66 = arith.constant 0 : i32
    %dma_wait3A_67 = tpu.memref_slice %arg9[%dma_wait3A, %dma_wait3A_66] : memref<2x48xi32, #tpu.memory_space<vmem>> -> memref<1x48xi32, #tpu.memory_space<vmem>>
    %dma_wait3A_68 = tpu.memref_squeeze %dma_wait3A_67 : memref<1x48xi32, #tpu.memory_space<vmem>> -> memref<48xi32, #tpu.memory_space<vmem>>
    %dma_wait3A_69 = tpu.memref_slice %arg4[%add3A_65] : memref<320000xi32, #tpu.memory_space<hbm>> -> memref<48xi32, #tpu.memory_space<hbm>>
    %dma_wait3A_70 = arith.constant 0 : i32
    %dma_wait3A_71 = tpu.memref_slice %arg9[%dma_wait3A, %dma_wait3A_70] : memref<2x48xi32, #tpu.memory_space<vmem>> -> memref<1x48xi32, #tpu.memory_space<vmem>>
    %dma_wait3A_72 = tpu.memref_squeeze %dma_wait3A_71 : memref<1x48xi32, #tpu.memory_space<vmem>> -> memref<48xi32, #tpu.memory_space<vmem>>
    %dma_wait3A_73 = tpu.memref_slice %arg4[%add3A_65] : memref<320000xi32, #tpu.memory_space<hbm>> -> memref<48xi32, #tpu.memory_space<hbm>>
    tpu.wait_dma2 semaphore(%arg21 : memref<!tpu.dma_semaphore, #tpu.memory_space<semaphore_mem>>) src(%dma_wait3A_73 : memref<48xi32, #tpu.memory_space<hbm>>) dst(%dma_wait3A_72 : memref<48xi32, #tpu.memory_space<vmem>>)
    %add3A_74 = arith.constant 0 : i32
    %add3A_75 = arith.addi %mul3A_20, %add3A_74 : i32
    %dma_wait3A_76 = arith.constant 0 : i32
    %dma_wait3A_77 = arith.constant 0 : i32
    %dma_wait3A_78 = tpu.memref_slice %arg10[%dma_wait3A_76, %dma_wait3A_77] : memref<2x48xi32, #tpu.memory_space<vmem>> -> memref<1x48xi32, #tpu.memory_space<vmem>>
    %dma_wait3A_79 = tpu.memref_squeeze %dma_wait3A_78 : memref<1x48xi32, #tpu.memory_space<vmem>> -> memref<48xi32, #tpu.memory_space<vmem>>
    %dma_wait3A_80 = tpu.memref_slice %arg5[%add3A_75] : memref<320000xi32, #tpu.memory_space<hbm>> -> memref<48xi32, #tpu.memory_space<hbm>>
    %dma_wait3A_81 = arith.constant 0 : i32
    %dma_wait3A_82 = tpu.memref_slice %arg10[%dma_wait3A_76, %dma_wait3A_81] : memref<2x48xi32, #tpu.memory_space<vmem>> -> memref<1x48xi32, #tpu.memory_space<vmem>>
    %dma_wait3A_83 = tpu.memref_squeeze %dma_wait3A_82 : memref<1x48xi32, #tpu.memory_space<vmem>> -> memref<48xi32, #tpu.memory_space<vmem>>
    %dma_wait3A_84 = tpu.memref_slice %arg5[%add3A_75] : memref<320000xi32, #tpu.memory_space<hbm>> -> memref<48xi32, #tpu.memory_space<hbm>>
    tpu.wait_dma2 semaphore(%arg23 : memref<!tpu.dma_semaphore, #tpu.memory_space<semaphore_mem>>) src(%dma_wait3A_84 : memref<48xi32, #tpu.memory_space<hbm>>) dst(%dma_wait3A_83 : memref<48xi32, #tpu.memory_space<vmem>>)
    %add3A_85 = arith.constant 0 : i32
    %add3A_86 = arith.addi %mul3A_20, %add3A_85 : i32
    %dma_start3A_87 = arith.constant 0 : i32
    %dma_start3A_88 = arith.constant 0 : i32
    %dma_start3A_89 = arith.constant 0 : i32
    %dma_start3A_90 = tpu.memref_slice %arg14[%dma_start3A_87, %dma_start3A_88, %dma_start3A_89] : memref<2x48x128xf32, #tpu.memory_space<vmem>> -> memref<1x48x128xf32, #tpu.memory_space<vmem>>
    %dma_start3A_91 = tpu.memref_squeeze %dma_start3A_90 : memref<1x48x128xf32, #tpu.memory_space<vmem>> -> memref<48x128xf32, #tpu.memory_space<vmem>>
    %dma_start3A_92 = arith.constant 0 : i32
    %dma_start3A_93 = tpu.memref_slice %arg3[%add3A_86, %dma_start3A_92] : memref<320000x128xf32, #tpu.memory_space<hbm>> -> memref<48x128xf32, #tpu.memory_space<hbm>>
    %dma_start3A_94 = arith.constant 0 : i32
    %dma_start3A_95 = arith.constant 0 : i32
    %dma_start3A_96 = tpu.memref_slice %arg14[%dma_start3A_87, %dma_start3A_94, %dma_start3A_95] : memref<2x48x128xf32, #tpu.memory_space<vmem>> -> memref<1x48x128xf32, #tpu.memory_space<vmem>>
    %dma_start3A_97 = tpu.memref_squeeze %dma_start3A_96 : memref<1x48x128xf32, #tpu.memory_space<vmem>> -> memref<48x128xf32, #tpu.memory_space<vmem>>
    %dma_start3A_98 = arith.constant 0 : i32
    %dma_start3A_99 = tpu.memref_slice %arg3[%add3A_86, %dma_start3A_98] : memref<320000x128xf32, #tpu.memory_space<hbm>> -> memref<48x128xf32, #tpu.memory_space<hbm>>
    tpu.enqueue_dma source(%dma_start3A_99 : memref<48x128xf32, #tpu.memory_space<hbm>>) target(%dma_start3A_97 : memref<48x128xf32, #tpu.memory_space<vmem>>) target_semaphore(%arg19 : memref<!tpu.dma_semaphore, #tpu.memory_space<semaphore_mem>>)
    %dma_start3A_100 = arith.constant 0 : i32
    %dma_start3A_101 = arith.constant 0 : i32
    %dma_start3A_102 = arith.constant 0 : i32
    %dma_start3A_103 = arith.constant 0 : i32
    %dma_start3A_104 = tpu.memref_slice %arg13[%dma_start3A_101, %dma_start3A_102, %dma_start3A_103] : memref<2x48x128xf32, #tpu.memory_space<vmem>> -> memref<1x48x128xf32, #tpu.memory_space<vmem>>
    %dma_start3A_105 = tpu.memref_squeeze %dma_start3A_104 : memref<1x48x128xf32, #tpu.memory_space<vmem>> -> memref<48x128xf32, #tpu.memory_space<vmem>>
    %dma_start3A_106 = arith.constant 0 : i32
    %dma_start3A_107 = tpu.memref_slice %arg9[%dma_start3A_100, %dma_start3A_106] : memref<2x48xi32, #tpu.memory_space<vmem>> -> memref<1x48xi32, #tpu.memory_space<vmem>>
    %dma_start3A_108 = tpu.memref_squeeze %dma_start3A_107 : memref<1x48xi32, #tpu.memory_space<vmem>> -> memref<48xi32, #tpu.memory_space<vmem>>
    %dma_start3A_109 = arith.constant 0 : i32
    %dma_start3A_110 = arith.constant 0 : i32
    %dma_start3A_111 = tpu.memref_slice %arg2[%dma_start3A_109, %dma_start3A_110] : memref<10000x128xf32, #tpu.memory_space<hbm>> -> memref<10000x128xf32, #tpu.memory_space<hbm>>
    tpu.enqueue_indirect_dma source(%dma_start3A_111 : memref<10000x128xf32, #tpu.memory_space<hbm>>) target(%dma_start3A_105 : memref<48x128xf32, #tpu.memory_space<vmem>>) offsets(%dma_start3A_108 : memref<48xi32, #tpu.memory_space<vmem>>) semaphore(%arg17 : memref<!tpu.dma_semaphore, #tpu.memory_space<semaphore_mem>>)
    %scan3A_112 = arith.constant 0 : i32
    %scan3A_113 = arith.constant 104 : i32
    %scan3A_114 = arith.addi %scan3A_112, %scan3A_113 : i32
    %scan3A_115 = arith.constant 1 : i32
    scf.for %scan3A_156 = %scan3A_112 to %scan3A_114 step %scan3A_115  : i32 {
      %mul3A_157 = arith.constant 2 : i32
      %mul3A_158 = arith.muli %mul3A_157, %scan3A_156 : i32
      %mul3A_159 = arith.constant 48 : i32
      %mul3A_160 = arith.muli %mul3A_158, %mul3A_159 : i32
      %add3A_161 = arith.addi %mul3A_20, %mul3A_160 : i32
      %dma_wait3A_162 = arith.constant 0 : i32
      %dma_wait3A_163 = arith.constant 0 : i32
      %dma_wait3A_164 = arith.constant 0 : i32
      %dma_wait3A_165 = tpu.memref_slice %arg14[%dma_wait3A_162, %dma_wait3A_163, %dma_wait3A_164] : memref<2x48x128xf32, #tpu.memory_space<vmem>> -> memref<1x48x128xf32, #tpu.memory_space<vmem>>
      %dma_wait3A_166 = tpu.memref_squeeze %dma_wait3A_165 : memref<1x48x128xf32, #tpu.memory_space<vmem>> -> memref<48x128xf32, #tpu.memory_space<vmem>>
      %dma_wait3A_167 = arith.constant 0 : i32
      %dma_wait3A_168 = tpu.memref_slice %arg3[%add3A_161, %dma_wait3A_167] : memref<320000x128xf32, #tpu.memory_space<hbm>> -> memref<48x128xf32, #tpu.memory_space<hbm>>
      %dma_wait3A_169 = arith.constant 0 : i32
      %dma_wait3A_170 = arith.constant 0 : i32
      %dma_wait3A_171 = tpu.memref_slice %arg14[%dma_wait3A_162, %dma_wait3A_169, %dma_wait3A_170] : memref<2x48x128xf32, #tpu.memory_space<vmem>> -> memref<1x48x128xf32, #tpu.memory_space<vmem>>
      %dma_wait3A_172 = tpu.memref_squeeze %dma_wait3A_171 : memref<1x48x128xf32, #tpu.memory_space<vmem>> -> memref<48x128xf32, #tpu.memory_space<vmem>>
      %dma_wait3A_173 = arith.constant 0 : i32
      %dma_wait3A_174 = tpu.memref_slice %arg3[%add3A_161, %dma_wait3A_173] : memref<320000x128xf32, #tpu.memory_space<hbm>> -> memref<48x128xf32, #tpu.memory_space<hbm>>
      tpu.wait_dma2 semaphore(%arg19 : memref<!tpu.dma_semaphore, #tpu.memory_space<semaphore_mem>>) src(%dma_wait3A_174 : memref<48x128xf32, #tpu.memory_space<hbm>>) dst(%dma_wait3A_172 : memref<48x128xf32, #tpu.memory_space<vmem>>)
      %dma_wait3A_175 = arith.constant 0 : i32
      %dma_wait3A_176 = arith.constant 0 : i32
      %dma_wait3A_177 = arith.constant 0 : i32
      %dma_wait3A_178 = arith.constant 0 : i32
      %dma_wait3A_179 = tpu.memref_slice %arg13[%dma_wait3A_176, %dma_wait3A_177, %dma_wait3A_178] : memref<2x48x128xf32, #tpu.memory_space<vmem>> -> memref<1x48x128xf32, #tpu.memory_space<vmem>>
      %dma_wait3A_180 = tpu.memref_squeeze %dma_wait3A_179 : memref<1x48x128xf32, #tpu.memory_space<vmem>> -> memref<48x128xf32, #tpu.memory_space<vmem>>
      %dma_wait3A_181 = arith.constant 0 : i32
      %dma_wait3A_182 = tpu.memref_slice %arg9[%dma_wait3A_175, %dma_wait3A_181] : memref<2x48xi32, #tpu.memory_space<vmem>> -> memref<1x48xi32, #tpu.memory_space<vmem>>
      %dma_wait3A_183 = tpu.memref_squeeze %dma_wait3A_182 : memref<1x48xi32, #tpu.memory_space<vmem>> -> memref<48xi32, #tpu.memory_space<vmem>>
      %dma_wait3A_184 = arith.constant 0 : i32
      %dma_wait3A_185 = arith.constant 0 : i32
      %dma_wait3A_186 = tpu.memref_slice %arg2[%dma_wait3A_184, %dma_wait3A_185] : memref<10000x128xf32, #tpu.memory_space<hbm>> -> memref<10000x128xf32, #tpu.memory_space<hbm>>
      tpu.wait_indirect_dma semaphore(%arg17 : memref<!tpu.dma_semaphore, #tpu.memory_space<semaphore_mem>>) src(%dma_wait3A_186 : memref<10000x128xf32, #tpu.memory_space<hbm>>) dst(%dma_wait3A_180 : memref<48x128xf32, #tpu.memory_space<vmem>>)
      %lt3A = arith.constant 103 : i32
      %lt3A_187 = arith.cmpi slt, %scan3A_156, %lt3A : i32
      %convert_element_type3A_188 = arith.extui %lt3A_187 : i1 to i32
      %cond3A_189 = arith.constant 0 : i32
      %cond3A_190 = arith.cmpi ne, %convert_element_type3A_188, %cond3A_189 : i32
      scf.if %cond3A_190 {
        %add3A_327 = arith.constant 2 : i32
        %add3A_328 = arith.addi %mul3A_158, %add3A_327 : i32
        %mul3A_329 = arith.constant 48 : i32
        %mul3A_330 = arith.muli %add3A_328, %mul3A_329 : i32
        %add3A_331 = arith.addi %mul3A_20, %mul3A_330 : i32
        %dma_start3A_332 = arith.constant 0 : i32
        %dma_start3A_333 = arith.constant 0 : i32
        %dma_start3A_334 = tpu.memref_slice %arg9[%dma_start3A_332, %dma_start3A_333] : memref<2x48xi32, #tpu.memory_space<vmem>> -> memref<1x48xi32, #tpu.memory_space<vmem>>
        %dma_start3A_335 = tpu.memref_squeeze %dma_start3A_334 : memref<1x48xi32, #tpu.memory_space<vmem>> -> memref<48xi32, #tpu.memory_space<vmem>>
        %dma_start3A_336 = tpu.memref_slice %arg4[%add3A_331] : memref<320000xi32, #tpu.memory_space<hbm>> -> memref<48xi32, #tpu.memory_space<hbm>>
        %dma_start3A_337 = arith.constant 0 : i32
        %dma_start3A_338 = tpu.memref_slice %arg9[%dma_start3A_332, %dma_start3A_337] : memref<2x48xi32, #tpu.memory_space<vmem>> -> memref<1x48xi32, #tpu.memory_space<vmem>>
        %dma_start3A_339 = tpu.memref_squeeze %dma_start3A_338 : memref<1x48xi32, #tpu.memory_space<vmem>> -> memref<48xi32, #tpu.memory_space<vmem>>
        %dma_start3A_340 = tpu.memref_slice %arg4[%add3A_331] : memref<320000xi32, #tpu.memory_space<hbm>> -> memref<48xi32, #tpu.memory_space<hbm>>
        tpu.enqueue_dma source(%dma_start3A_340 : memref<48xi32, #tpu.memory_space<hbm>>) target(%dma_start3A_339 : memref<48xi32, #tpu.memory_space<vmem>>) target_semaphore(%arg21 : memref<!tpu.dma_semaphore, #tpu.memory_space<semaphore_mem>>)
      } else {
      }
      %add3A_191 = arith.constant 1 : i32
      %add3A_192 = arith.addi %mul3A_158, %add3A_191 : i32
      %mul3A_193 = arith.constant 48 : i32
      %mul3A_194 = arith.muli %add3A_192, %mul3A_193 : i32
      %add3A_195 = arith.addi %mul3A_20, %mul3A_194 : i32
      %dma_wait3A_196 = arith.constant 1 : i32
      %dma_wait3A_197 = arith.constant 0 : i32
      %dma_wait3A_198 = tpu.memref_slice %arg9[%dma_wait3A_196, %dma_wait3A_197] : memref<2x48xi32, #tpu.memory_space<vmem>> -> memref<1x48xi32, #tpu.memory_space<vmem>>
      %dma_wait3A_199 = tpu.memref_squeeze %dma_wait3A_198 : memref<1x48xi32, #tpu.memory_space<vmem>> -> memref<48xi32, #tpu.memory_space<vmem>>
      %dma_wait3A_200 = tpu.memref_slice %arg4[%add3A_195] : memref<320000xi32, #tpu.memory_space<hbm>> -> memref<48xi32, #tpu.memory_space<hbm>>
      %dma_wait3A_201 = arith.constant 0 : i32
      %dma_wait3A_202 = tpu.memref_slice %arg9[%dma_wait3A_196, %dma_wait3A_201] : memref<2x48xi32, #tpu.memory_space<vmem>> -> memref<1x48xi32, #tpu.memory_space<vmem>>
      %dma_wait3A_203 = tpu.memref_squeeze %dma_wait3A_202 : memref<1x48xi32, #tpu.memory_space<vmem>> -> memref<48xi32, #tpu.memory_space<vmem>>
      %dma_wait3A_204 = tpu.memref_slice %arg4[%add3A_195] : memref<320000xi32, #tpu.memory_space<hbm>> -> memref<48xi32, #tpu.memory_space<hbm>>
      tpu.wait_dma2 semaphore(%arg22 : memref<!tpu.dma_semaphore, #tpu.memory_space<semaphore_mem>>) src(%dma_wait3A_204 : memref<48xi32, #tpu.memory_space<hbm>>) dst(%dma_wait3A_203 : memref<48xi32, #tpu.memory_space<vmem>>)
      %mul3A_205 = arith.constant 48 : i32
      %mul3A_206 = arith.muli %add3A_192, %mul3A_205 : i32
      %add3A_207 = arith.addi %mul3A_20, %mul3A_206 : i32
      %dma_wait3A_208 = arith.constant 1 : i32
      %dma_wait3A_209 = arith.constant 0 : i32
      %dma_wait3A_210 = tpu.memref_slice %arg10[%dma_wait3A_208, %dma_wait3A_209] : memref<2x48xi32, #tpu.memory_space<vmem>> -> memref<1x48xi32, #tpu.memory_space<vmem>>
      %dma_wait3A_211 = tpu.memref_squeeze %dma_wait3A_210 : memref<1x48xi32, #tpu.memory_space<vmem>> -> memref<48xi32, #tpu.memory_space<vmem>>
      %dma_wait3A_212 = tpu.memref_slice %arg5[%add3A_207] : memref<320000xi32, #tpu.memory_space<hbm>> -> memref<48xi32, #tpu.memory_space<hbm>>
      %dma_wait3A_213 = arith.constant 0 : i32
      %dma_wait3A_214 = tpu.memref_slice %arg10[%dma_wait3A_208, %dma_wait3A_213] : memref<2x48xi32, #tpu.memory_space<vmem>> -> memref<1x48xi32, #tpu.memory_space<vmem>>
      %dma_wait3A_215 = tpu.memref_squeeze %dma_wait3A_214 : memref<1x48xi32, #tpu.memory_space<vmem>> -> memref<48xi32, #tpu.memory_space<vmem>>
      %dma_wait3A_216 = tpu.memref_slice %arg5[%add3A_207] : memref<320000xi32, #tpu.memory_space<hbm>> -> memref<48xi32, #tpu.memory_space<hbm>>
      tpu.wait_dma2 semaphore(%arg24 : memref<!tpu.dma_semaphore, #tpu.memory_space<semaphore_mem>>) src(%dma_wait3A_216 : memref<48xi32, #tpu.memory_space<hbm>>) dst(%dma_wait3A_215 : memref<48xi32, #tpu.memory_space<vmem>>)
      %add3A_217 = arith.constant 1 : i32
      %add3A_218 = arith.addi %mul3A_158, %add3A_217 : i32
      %mul3A_219 = arith.constant 48 : i32
      %mul3A_220 = arith.muli %add3A_218, %mul3A_219 : i32
      %add3A_221 = arith.addi %mul3A_20, %mul3A_220 : i32
      %dma_start3A_222 = arith.constant 1 : i32
      %dma_start3A_223 = arith.constant 0 : i32
      %dma_start3A_224 = arith.constant 0 : i32
      %dma_start3A_225 = tpu.memref_slice %arg14[%dma_start3A_222, %dma_start3A_223, %dma_start3A_224] : memref<2x48x128xf32, #tpu.memory_space<vmem>> -> memref<1x48x128xf32, #tpu.memory_space<vmem>>
      %dma_start3A_226 = tpu.memref_squeeze %dma_start3A_225 : memref<1x48x128xf32, #tpu.memory_space<vmem>> -> memref<48x128xf32, #tpu.memory_space<vmem>>
      %dma_start3A_227 = arith.constant 0 : i32
      %dma_start3A_228 = tpu.memref_slice %arg3[%add3A_221, %dma_start3A_227] : memref<320000x128xf32, #tpu.memory_space<hbm>> -> memref<48x128xf32, #tpu.memory_space<hbm>>
      %dma_start3A_229 = arith.constant 0 : i32
      %dma_start3A_230 = arith.constant 0 : i32
      %dma_start3A_231 = tpu.memref_slice %arg14[%dma_start3A_222, %dma_start3A_229, %dma_start3A_230] : memref<2x48x128xf32, #tpu.memory_space<vmem>> -> memref<1x48x128xf32, #tpu.memory_space<vmem>>
      %dma_start3A_232 = tpu.memref_squeeze %dma_start3A_231 : memref<1x48x128xf32, #tpu.memory_space<vmem>> -> memref<48x128xf32, #tpu.memory_space<vmem>>
      %dma_start3A_233 = arith.constant 0 : i32
      %dma_start3A_234 = tpu.memref_slice %arg3[%add3A_221, %dma_start3A_233] : memref<320000x128xf32, #tpu.memory_space<hbm>> -> memref<48x128xf32, #tpu.memory_space<hbm>>
      tpu.enqueue_dma source(%dma_start3A_234 : memref<48x128xf32, #tpu.memory_space<hbm>>) target(%dma_start3A_232 : memref<48x128xf32, #tpu.memory_space<vmem>>) target_semaphore(%arg20 : memref<!tpu.dma_semaphore, #tpu.memory_space<semaphore_mem>>)
      %dma_start3A_235 = arith.constant 1 : i32
      %dma_start3A_236 = arith.constant 1 : i32
      %dma_start3A_237 = arith.constant 0 : i32
      %dma_start3A_238 = arith.constant 0 : i32
      %dma_start3A_239 = tpu.memref_slice %arg13[%dma_start3A_236, %dma_start3A_237, %dma_start3A_238] : memref<2x48x128xf32, #tpu.memory_space<vmem>> -> memref<1x48x128xf32, #tpu.memory_space<vmem>>
      %dma_start3A_240 = tpu.memref_squeeze %dma_start3A_239 : memref<1x48x128xf32, #tpu.memory_space<vmem>> -> memref<48x128xf32, #tpu.memory_space<vmem>>
      %dma_start3A_241 = arith.constant 0 : i32
      %dma_start3A_242 = tpu.memref_slice %arg9[%dma_start3A_235, %dma_start3A_241] : memref<2x48xi32, #tpu.memory_space<vmem>> -> memref<1x48xi32, #tpu.memory_space<vmem>>
      %dma_start3A_243 = tpu.memref_squeeze %dma_start3A_242 : memref<1x48xi32, #tpu.memory_space<vmem>> -> memref<48xi32, #tpu.memory_space<vmem>>
      %dma_start3A_244 = arith.constant 0 : i32
      %dma_start3A_245 = arith.constant 0 : i32
      %dma_start3A_246 = tpu.memref_slice %arg2[%dma_start3A_244, %dma_start3A_245] : memref<10000x128xf32, #tpu.memory_space<hbm>> -> memref<10000x128xf32, #tpu.memory_space<hbm>>
      tpu.enqueue_indirect_dma source(%dma_start3A_246 : memref<10000x128xf32, #tpu.memory_space<hbm>>) target(%dma_start3A_240 : memref<48x128xf32, #tpu.memory_space<vmem>>) offsets(%dma_start3A_243 : memref<48xi32, #tpu.memory_space<vmem>>) semaphore(%arg18 : memref<!tpu.dma_semaphore, #tpu.memory_space<semaphore_mem>>)
      %parallel_loop3A = arith.constant 0 : i32
      %parallel_loop3A_247 = arith.constant 48 : i32
      %parallel_loop3A_248 = arith.constant 1 : i32
      scf.for %parallel_loop3A_327 = %parallel_loop3A to %parallel_loop3A_247 step %parallel_loop3A_248  : i32 {
        %parallel_loop3A_328 = arith.constant 0 : i32
        %parallel_loop3A_329 = arith.index_cast %parallel_loop3A_328 : i32 to index
        %parallel_loop3A_330 = arith.index_cast %parallel_loop3A_327 : i32 to index
        %parallel_loop3A_331 = arith.constant 0 : index
        %parallel_loop3A_332 = tpu.vector_load %arg13[%parallel_loop3A_329, %parallel_loop3A_330, %parallel_loop3A_331] {strides = array<i32>} : memref<2x48x128xf32, #tpu.memory_space<vmem>>, vector<16xf32>,
        %parallel_loop3A_333 = arith.constant 0 : i32
        %parallel_loop3A_334 = arith.index_cast %parallel_loop3A_333 : i32 to index
        %parallel_loop3A_335 = arith.index_cast %parallel_loop3A_327 : i32 to index
        %parallel_loop3A_336 = arith.constant 0 : index
        %parallel_loop3A_337 = tpu.vector_load %arg14[%parallel_loop3A_334, %parallel_loop3A_335, %parallel_loop3A_336] {strides = array<i32>} : memref<2x48x128xf32, #tpu.memory_space<vmem>>, vector<16xf32>,
        %parallel_loop3A_338 = arith.addf %parallel_loop3A_332, %parallel_loop3A_337 : vector<16xf32>
        %parallel_loop3A_339 = arith.constant 0.000000e+00 : f32
        %parallel_loop3A_340 = vector.broadcast %parallel_loop3A_339 : f32 to vector<16xf32>
        %parallel_loop3A_341 = arith.maximumf %parallel_loop3A_338, %parallel_loop3A_340 : vector<16xf32>
        %parallel_loop3A_342 = arith.constant 0 : i32
        %parallel_loop3A_343 = arith.index_cast %parallel_loop3A_342 : i32 to index
        %parallel_loop3A_344 = arith.index_cast %parallel_loop3A_327 : i32 to index
        %parallel_loop3A_345 = arith.constant 0 : index
        %parallel_loop3A_346 = tpu.vector_load %arg13[%parallel_loop3A_343, %parallel_loop3A_344, %parallel_loop3A_345] {strides = array<i32>} : memref<2x48x128xf32, #tpu.memory_space<vmem>>, vector<16xf32>,
        tpu.vector_store %arg13[%parallel_loop3A_343, %parallel_loop3A_344, %parallel_loop3A_345], %parallel_loop3A_341 {strides = array<i32>} : memref<2x48x128xf32, #tpu.memory_space<vmem>>, vector<16xf32>,
        %parallel_loop3A_347 = arith.constant 0 : i32
        %parallel_loop3A_348 = arith.index_cast %parallel_loop3A_347 : i32 to index
        %parallel_loop3A_349 = arith.index_cast %parallel_loop3A_327 : i32 to index
        %parallel_loop3A_350 = arith.constant 16 : index
        %parallel_loop3A_351 = tpu.vector_load %arg13[%parallel_loop3A_348, %parallel_loop3A_349, %parallel_loop3A_350] {strides = array<i32>} : memref<2x48x128xf32, #tpu.memory_space<vmem>>, vector<16xf32>,
        %parallel_loop3A_352 = arith.constant 0 : i32
        %parallel_loop3A_353 = arith.index_cast %parallel_loop3A_352 : i32 to index
        %parallel_loop3A_354 = arith.index_cast %parallel_loop3A_327 : i32 to index
        %parallel_loop3A_355 = arith.constant 16 : index
        %parallel_loop3A_356 = tpu.vector_load %arg14[%parallel_loop3A_353, %parallel_loop3A_354, %parallel_loop3A_355] {strides = array<i32>} : memref<2x48x128xf32, #tpu.memory_space<vmem>>, vector<16xf32>,
        %parallel_loop3A_357 = arith.addf %parallel_loop3A_351, %parallel_loop3A_356 : vector<16xf32>
        %parallel_loop3A_358 = arith.constant 0.000000e+00 : f32
        %parallel_loop3A_359 = vector.broadcast %parallel_loop3A_358 : f32 to vector<16xf32>
        %parallel_loop3A_360 = arith.maximumf %parallel_loop3A_357, %parallel_loop3A_359 : vector<16xf32>
        %parallel_loop3A_361 = arith.constant 0 : i32
        %parallel_loop3A_362 = arith.index_cast %parallel_loop3A_361 : i32 to index
        %parallel_loop3A_363 = arith.index_cast %parallel_loop3A_327 : i32 to index
        %parallel_loop3A_364 = arith.constant 16 : index
        %parallel_loop3A_365 = tpu.vector_load %arg13[%parallel_loop3A_362, %parallel_loop3A_363, %parallel_loop3A_364] {strides = array<i32>} : memref<2x48x128xf32, #tpu.memory_space<vmem>>, vector<16xf32>,
        tpu.vector_store %arg13[%parallel_loop3A_362, %parallel_loop3A_363, %parallel_loop3A_364], %parallel_loop3A_360 {strides = array<i32>} : memref<2x48x128xf32, #tpu.memory_space<vmem>>, vector<16xf32>,
        %parallel_loop3A_366 = arith.constant 0 : i32
        %parallel_loop3A_367 = arith.index_cast %parallel_loop3A_366 : i32 to index
        %parallel_loop3A_368 = arith.index_cast %parallel_loop3A_327 : i32 to index
        %parallel_loop3A_369 = arith.constant 32 : index
        %parallel_loop3A_370 = tpu.vector_load %arg13[%parallel_loop3A_367, %parallel_loop3A_368, %parallel_loop3A_369] {strides = array<i32>} : memref<2x48x128xf32, #tpu.memory_space<vmem>>, vector<16xf32>,
        %parallel_loop3A_371 = arith.constant 0 : i32
        %parallel_loop3A_372 = arith.index_cast %parallel_loop3A_371 : i32 to index
        %parallel_loop3A_373 = arith.index_cast %parallel_loop3A_327 : i32 to index
        %parallel_loop3A_374 = arith.constant 32 : index
        %parallel_loop3A_375 = tpu.vector_load %arg14[%parallel_loop3A_372, %parallel_loop3A_373, %parallel_loop3A_374] {strides = array<i32>} : memref<2x48x128xf32, #tpu.memory_space<vmem>>, vector<16xf32>,
        %parallel_loop3A_376 = arith.addf %parallel_loop3A_370, %parallel_loop3A_375 : vector<16xf32>
        %parallel_loop3A_377 = arith.constant 0.000000e+00 : f32
        %parallel_loop3A_378 = vector.broadcast %parallel_loop3A_377 : f32 to vector<16xf32>
        %parallel_loop3A_379 = arith.maximumf %parallel_loop3A_376, %parallel_loop3A_378 : vector<16xf32>
        %parallel_loop3A_380 = arith.constant 0 : i32
        %parallel_loop3A_381 = arith.index_cast %parallel_loop3A_380 : i32 to index
        %parallel_loop3A_382 = arith.index_cast %parallel_loop3A_327 : i32 to index
        %parallel_loop3A_383 = arith.constant 32 : index
        %parallel_loop3A_384 = tpu.vector_load %arg13[%parallel_loop3A_381, %parallel_loop3A_382, %parallel_loop3A_383] {strides = array<i32>} : memref<2x48x128xf32, #tpu.memory_space<vmem>>, vector<16xf32>,
        tpu.vector_store %arg13[%parallel_loop3A_381, %parallel_loop3A_382, %parallel_loop3A_383], %parallel_loop3A_379 {strides = array<i32>} : memref<2x48x128xf32, #tpu.memory_space<vmem>>, vector<16xf32>,
        %parallel_loop3A_385 = arith.constant 0 : i32
        %parallel_loop3A_386 = arith.index_cast %parallel_loop3A_385 : i32 to index
        %parallel_loop3A_387 = arith.index_cast %parallel_loop3A_327 : i32 to index
        %parallel_loop3A_388 = arith.constant 48 : index
        %parallel_loop3A_389 = tpu.vector_load %arg13[%parallel_loop3A_386, %parallel_loop3A_387, %parallel_loop3A_388] {strides = array<i32>} : memref<2x48x128xf32, #tpu.memory_space<vmem>>, vector<16xf32>,
        %parallel_loop3A_390 = arith.constant 0 : i32
        %parallel_loop3A_391 = arith.index_cast %parallel_loop3A_390 : i32 to index
        %parallel_loop3A_392 = arith.index_cast %parallel_loop3A_327 : i32 to index
        %parallel_loop3A_393 = arith.constant 48 : index
        %parallel_loop3A_394 = tpu.vector_load %arg14[%parallel_loop3A_391, %parallel_loop3A_392, %parallel_loop3A_393] {strides = array<i32>} : memref<2x48x128xf32, #tpu.memory_space<vmem>>, vector<16xf32>,
        %parallel_loop3A_395 = arith.addf %parallel_loop3A_389, %parallel_loop3A_394 : vector<16xf32>
        %parallel_loop3A_396 = arith.constant 0.000000e+00 : f32
        %parallel_loop3A_397 = vector.broadcast %parallel_loop3A_396 : f32 to vector<16xf32>
        %parallel_loop3A_398 = arith.maximumf %parallel_loop3A_395, %parallel_loop3A_397 : vector<16xf32>
        %parallel_loop3A_399 = arith.constant 0 : i32
        %parallel_loop3A_400 = arith.index_cast %parallel_loop3A_399 : i32 to index
        %parallel_loop3A_401 = arith.index_cast %parallel_loop3A_327 : i32 to index
        %parallel_loop3A_402 = arith.constant 48 : index
        %parallel_loop3A_403 = tpu.vector_load %arg13[%parallel_loop3A_400, %parallel_loop3A_401, %parallel_loop3A_402] {strides = array<i32>} : memref<2x48x128xf32, #tpu.memory_space<vmem>>, vector<16xf32>,
        tpu.vector_store %arg13[%parallel_loop3A_400, %parallel_loop3A_401, %parallel_loop3A_402], %parallel_loop3A_398 {strides = array<i32>} : memref<2x48x128xf32, #tpu.memory_space<vmem>>, vector<16xf32>,
        %parallel_loop3A_404 = arith.constant 0 : i32
        %parallel_loop3A_405 = arith.index_cast %parallel_loop3A_404 : i32 to index
        %parallel_loop3A_406 = arith.index_cast %parallel_loop3A_327 : i32 to index
        %parallel_loop3A_407 = arith.constant 64 : index
        %parallel_loop3A_408 = tpu.vector_load %arg13[%parallel_loop3A_405, %parallel_loop3A_406, %parallel_loop3A_407] {strides = array<i32>} : memref<2x48x128xf32, #tpu.memory_space<vmem>>, vector<16xf32>,
        %parallel_loop3A_409 = arith.constant 0 : i32
        %parallel_loop3A_410 = arith.index_cast %parallel_loop3A_409 : i32 to index
        %parallel_loop3A_411 = arith.index_cast %parallel_loop3A_327 : i32 to index
        %parallel_loop3A_412 = arith.constant 64 : index
        %parallel_loop3A_413 = tpu.vector_load %arg14[%parallel_loop3A_410, %parallel_loop3A_411, %parallel_loop3A_412] {strides = array<i32>} : memref<2x48x128xf32, #tpu.memory_space<vmem>>, vector<16xf32>,
        %parallel_loop3A_414 = arith.addf %parallel_loop3A_408, %parallel_loop3A_413 : vector<16xf32>
        %parallel_loop3A_415 = arith.constant 0.000000e+00 : f32
        %parallel_loop3A_416 = vector.broadcast %parallel_loop3A_415 : f32 to vector<16xf32>
        %parallel_loop3A_417 = arith.maximumf %parallel_loop3A_414, %parallel_loop3A_416 : vector<16xf32>
        %parallel_loop3A_418 = arith.constant 0 : i32
        %parallel_loop3A_419 = arith.index_cast %parallel_loop3A_418 : i32 to index
        %parallel_loop3A_420 = arith.index_cast %parallel_loop3A_327 : i32 to index
        %parallel_loop3A_421 = arith.constant 64 : index
        %parallel_loop3A_422 = tpu.vector_load %arg13[%parallel_loop3A_419, %parallel_loop3A_420, %parallel_loop3A_421] {strides = array<i32>} : memref<2x48x128xf32, #tpu.memory_space<vmem>>, vector<16xf32>,
        tpu.vector_store %arg13[%parallel_loop3A_419, %parallel_loop3A_420, %parallel_loop3A_421], %parallel_loop3A_417 {strides = array<i32>} : memref<2x48x128xf32, #tpu.memory_space<vmem>>, vector<16xf32>,
        %parallel_loop3A_423 = arith.constant 0 : i32
        %parallel_loop3A_424 = arith.index_cast %parallel_loop3A_423 : i32 to index
        %parallel_loop3A_425 = arith.index_cast %parallel_loop3A_327 : i32 to index
        %parallel_loop3A_426 = arith.constant 80 : index
        %parallel_loop3A_427 = tpu.vector_load %arg13[%parallel_loop3A_424, %parallel_loop3A_425, %parallel_loop3A_426] {strides = array<i32>} : memref<2x48x128xf32, #tpu.memory_space<vmem>>, vector<16xf32>,
        %parallel_loop3A_428 = arith.constant 0 : i32
        %parallel_loop3A_429 = arith.index_cast %parallel_loop3A_428 : i32 to index
        %parallel_loop3A_430 = arith.index_cast %parallel_loop3A_327 : i32 to index
        %parallel_loop3A_431 = arith.constant 80 : index
        %parallel_loop3A_432 = tpu.vector_load %arg14[%parallel_loop3A_429, %parallel_loop3A_430, %parallel_loop3A_431] {strides = array<i32>} : memref<2x48x128xf32, #tpu.memory_space<vmem>>, vector<16xf32>,
        %parallel_loop3A_433 = arith.addf %parallel_loop3A_427, %parallel_loop3A_432 : vector<16xf32>
        %parallel_loop3A_434 = arith.constant 0.000000e+00 : f32
        %parallel_loop3A_435 = vector.broadcast %parallel_loop3A_434 : f32 to vector<16xf32>
        %parallel_loop3A_436 = arith.maximumf %parallel_loop3A_433, %parallel_loop3A_435 : vector<16xf32>
        %parallel_loop3A_437 = arith.constant 0 : i32
        %parallel_loop3A_438 = arith.index_cast %parallel_loop3A_437 : i32 to index
        %parallel_loop3A_439 = arith.index_cast %parallel_loop3A_327 : i32 to index
        %parallel_loop3A_440 = arith.constant 80 : index
        %parallel_loop3A_441 = tpu.vector_load %arg13[%parallel_loop3A_438, %parallel_loop3A_439, %parallel_loop3A_440] {strides = array<i32>} : memref<2x48x128xf32, #tpu.memory_space<vmem>>, vector<16xf32>,
        tpu.vector_store %arg13[%parallel_loop3A_438, %parallel_loop3A_439, %parallel_loop3A_440], %parallel_loop3A_436 {strides = array<i32>} : memref<2x48x128xf32, #tpu.memory_space<vmem>>, vector<16xf32>,
        %parallel_loop3A_442 = arith.constant 0 : i32
        %parallel_loop3A_443 = arith.index_cast %parallel_loop3A_442 : i32 to index
        %parallel_loop3A_444 = arith.index_cast %parallel_loop3A_327 : i32 to index
        %parallel_loop3A_445 = arith.constant 96 : index
        %parallel_loop3A_446 = tpu.vector_load %arg13[%parallel_loop3A_443, %parallel_loop3A_444, %parallel_loop3A_445] {strides = array<i32>} : memref<2x48x128xf32, #tpu.memory_space<vmem>>, vector<16xf32>,
        %parallel_loop3A_447 = arith.constant 0 : i32
        %parallel_loop3A_448 = arith.index_cast %parallel_loop3A_447 : i32 to index
        %parallel_loop3A_449 = arith.index_cast %parallel_loop3A_327 : i32 to index
        %parallel_loop3A_450 = arith.constant 96 : index
        %parallel_loop3A_451 = tpu.vector_load %arg14[%parallel_loop3A_448, %parallel_loop3A_449, %parallel_loop3A_450] {strides = array<i32>} : memref<2x48x128xf32, #tpu.memory_space<vmem>>, vector<16xf32>,
        %parallel_loop3A_452 = arith.addf %parallel_loop3A_446, %parallel_loop3A_451 : vector<16xf32>
        %parallel_loop3A_453 = arith.constant 0.000000e+00 : f32
        %parallel_loop3A_454 = vector.broadcast %parallel_loop3A_453 : f32 to vector<16xf32>
        %parallel_loop3A_455 = arith.maximumf %parallel_loop3A_452, %parallel_loop3A_454 : vector<16xf32>
        %parallel_loop3A_456 = arith.constant 0 : i32
        %parallel_loop3A_457 = arith.index_cast %parallel_loop3A_456 : i32 to index
        %parallel_loop3A_458 = arith.index_cast %parallel_loop3A_327 : i32 to index
        %parallel_loop3A_459 = arith.constant 96 : index
        %parallel_loop3A_460 = tpu.vector_load %arg13[%parallel_loop3A_457, %parallel_loop3A_458, %parallel_loop3A_459] {strides = array<i32>} : memref<2x48x128xf32, #tpu.memory_space<vmem>>, vector<16xf32>,
        tpu.vector_store %arg13[%parallel_loop3A_457, %parallel_loop3A_458, %parallel_loop3A_459], %parallel_loop3A_455 {strides = array<i32>} : memref<2x48x128xf32, #tpu.memory_space<vmem>>, vector<16xf32>,
        %parallel_loop3A_461 = arith.constant 0 : i32
        %parallel_loop3A_462 = arith.index_cast %parallel_loop3A_461 : i32 to index
        %parallel_loop3A_463 = arith.index_cast %parallel_loop3A_327 : i32 to index
        %parallel_loop3A_464 = arith.constant 112 : index
        %parallel_loop3A_465 = tpu.vector_load %arg13[%parallel_loop3A_462, %parallel_loop3A_463, %parallel_loop3A_464] {strides = array<i32>} : memref<2x48x128xf32, #tpu.memory_space<vmem>>, vector<16xf32>,
        %parallel_loop3A_466 = arith.constant 0 : i32
        %parallel_loop3A_467 = arith.index_cast %parallel_loop3A_466 : i32 to index
        %parallel_loop3A_468 = arith.index_cast %parallel_loop3A_327 : i32 to index
        %parallel_loop3A_469 = arith.constant 112 : index
        %parallel_loop3A_470 = tpu.vector_load %arg14[%parallel_loop3A_467, %parallel_loop3A_468, %parallel_loop3A_469] {strides = array<i32>} : memref<2x48x128xf32, #tpu.memory_space<vmem>>, vector<16xf32>,
        %parallel_loop3A_471 = arith.addf %parallel_loop3A_465, %parallel_loop3A_470 : vector<16xf32>
        %parallel_loop3A_472 = arith.constant 0.000000e+00 : f32
        %parallel_loop3A_473 = vector.broadcast %parallel_loop3A_472 : f32 to vector<16xf32>
        %parallel_loop3A_474 = arith.maximumf %parallel_loop3A_471, %parallel_loop3A_473 : vector<16xf32>
        %parallel_loop3A_475 = arith.constant 0 : i32
        %parallel_loop3A_476 = arith.index_cast %parallel_loop3A_475 : i32 to index
        %parallel_loop3A_477 = arith.index_cast %parallel_loop3A_327 : i32 to index
        %parallel_loop3A_478 = arith.constant 112 : index
        %parallel_loop3A_479 = tpu.vector_load %arg13[%parallel_loop3A_476, %parallel_loop3A_477, %parallel_loop3A_478] {strides = array<i32>} : memref<2x48x128xf32, #tpu.memory_space<vmem>>, vector<16xf32>,
        tpu.vector_store %arg13[%parallel_loop3A_476, %parallel_loop3A_477, %parallel_loop3A_478], %parallel_loop3A_474 {strides = array<i32>} : memref<2x48x128xf32, #tpu.memory_space<vmem>>, vector<16xf32>,
      } {sc.loop_unroll_factor = 8 : i64, sc.parallel_access}
      %run_scoped3A_249 = arith.constant 0 : i32
      %run_scoped3A_250 = arith.constant 0 : i32
      "tpu.region"() ({
        %run_scoped3A_327 = tpu.sem_alloc : memref<!tpu.dma_semaphore, #tpu.memory_space<semaphore_mem>>
        %dma_start3A_328 = arith.constant 0 : i32
        %dma_start3A_329 = arith.constant 0 : i32
        %dma_start3A_330 = tpu.memref_slice %arg13[%run_scoped3A_249, %dma_start3A_328, %dma_start3A_329] : memref<2x48x128xf32, #tpu.memory_space<vmem>> -> memref<1x48x128xf32, #tpu.memory_space<vmem>>
        %dma_start3A_331 = tpu.memref_squeeze %dma_start3A_330 : memref<1x48x128xf32, #tpu.memory_space<vmem>> -> memref<48x128xf32, #tpu.memory_space<vmem>>
        %dma_start3A_332 = arith.constant 0 : i32
        %dma_start3A_333 = tpu.memref_slice %arg10[%run_scoped3A_250, %dma_start3A_332] : memref<2x48xi32, #tpu.memory_space<vmem>> -> memref<1x48xi32, #tpu.memory_space<vmem>>
        %dma_start3A_334 = tpu.memref_squeeze %dma_start3A_333 : memref<1x48xi32, #tpu.memory_space<vmem>> -> memref<48xi32, #tpu.memory_space<vmem>>
        %dma_start3A_335 = arith.constant 0 : i32
        %dma_start3A_336 = arith.constant 0 : i32
        %dma_start3A_337 = tpu.memref_slice %arg16[%dma_start3A_335, %dma_start3A_336] : memref<10000x128xf32, #tpu.memory_space<vmem_shared>> -> memref<10000x128xf32, #tpu.memory_space<vmem_shared>>
        tpu.enqueue_indirect_dma source(%dma_start3A_331 : memref<48x128xf32, #tpu.memory_space<vmem>>) target(%dma_start3A_337 : memref<10000x128xf32, #tpu.memory_space<vmem_shared>>) offsets(%dma_start3A_334 : memref<48xi32, #tpu.memory_space<vmem>>) semaphore(%run_scoped3A_327 : memref<!tpu.dma_semaphore, #tpu.memory_space<semaphore_mem>>) {add = true}
        %dma_wait3A_338 = arith.constant 0 : i32
        %dma_wait3A_339 = arith.constant 0 : i32
        %dma_wait3A_340 = tpu.memref_slice %arg13[%run_scoped3A_249, %dma_wait3A_338, %dma_wait3A_339] : memref<2x48x128xf32, #tpu.memory_space<vmem>> -> memref<1x48x128xf32, #tpu.memory_space<vmem>>
        %dma_wait3A_341 = tpu.memref_squeeze %dma_wait3A_340 : memref<1x48x128xf32, #tpu.memory_space<vmem>> -> memref<48x128xf32, #tpu.memory_space<vmem>>
        %dma_wait3A_342 = arith.constant 0 : i32
        %dma_wait3A_343 = tpu.memref_slice %arg10[%run_scoped3A_250, %dma_wait3A_342] : memref<2x48xi32, #tpu.memory_space<vmem>> -> memref<1x48xi32, #tpu.memory_space<vmem>>
        %dma_wait3A_344 = tpu.memref_squeeze %dma_wait3A_343 : memref<1x48xi32, #tpu.memory_space<vmem>> -> memref<48xi32, #tpu.memory_space<vmem>>
        %dma_wait3A_345 = arith.constant 0 : i32
        %dma_wait3A_346 = arith.constant 0 : i32
        %dma_wait3A_347 = tpu.memref_slice %arg16[%dma_wait3A_345, %dma_wait3A_346] : memref<10000x128xf32, #tpu.memory_space<vmem_shared>> -> memref<10000x128xf32, #tpu.memory_space<vmem_shared>>
        tpu.wait_indirect_dma semaphore(%run_scoped3A_327 : memref<!tpu.dma_semaphore, #tpu.memory_space<semaphore_mem>>) src(%dma_wait3A_341 : memref<48x128xf32, #tpu.memory_space<vmem>>) dst(%dma_wait3A_347 : memref<10000x128xf32, #tpu.memory_space<vmem_shared>>)
        tpu.yield
      }) : () -> ()
      %get3A_251 = arith.constant 0 : i32
      %get3A_252 = arith.index_cast %get3A_251 : i32 to index
      %get3A_253 = arith.constant 0 : index
      %get3A_254 = tpu.vector_load %arg10[%get3A_252, %get3A_253] {strides = array<i32>} : memref<2x48xi32, #tpu.memory_space<vmem>>, vector<16xi32>,
      tpu.vector_store_idx %arg15[%get3A_254], %broadcast_in_dim3A_18 {add = true} : memref<10000xf32, #tpu.memory_space<vmem>>[vector<16xi32>], vector<16xf32>,
      %get3A_255 = arith.constant 0 : i32
      %get3A_256 = arith.index_cast %get3A_255 : i32 to index
      %get3A_257 = arith.constant 16 : index
      %get3A_258 = tpu.vector_load %arg10[%get3A_256, %get3A_257] {strides = array<i32>} : memref<2x48xi32, #tpu.memory_space<vmem>>, vector<16xi32>,
      tpu.vector_store_idx %arg15[%get3A_258], %broadcast_in_dim3A_18 {add = true} : memref<10000xf32, #tpu.memory_space<vmem>>[vector<16xi32>], vector<16xf32>,
      %get3A_259 = arith.constant 0 : i32
      %get3A_260 = arith.index_cast %get3A_259 : i32 to index
      %get3A_261 = arith.constant 32 : index
      %get3A_262 = tpu.vector_load %arg10[%get3A_260, %get3A_261] {strides = array<i32>} : memref<2x48xi32, #tpu.memory_space<vmem>>, vector<16xi32>,
      tpu.vector_store_idx %arg15[%get3A_262], %broadcast_in_dim3A_18 {add = true} : memref<10000xf32, #tpu.memory_space<vmem>>[vector<16xi32>], vector<16xf32>,
      %lt3A_263 = arith.constant 103 : i32
      %lt3A_264 = arith.cmpi slt, %scan3A_156, %lt3A_263 : i32
      %convert_element_type3A_265 = arith.extui %lt3A_264 : i1 to i32
      %cond3A_266 = arith.constant 0 : i32
      %cond3A_267 = arith.cmpi ne, %convert_element_type3A_265, %cond3A_266 : i32
      scf.if %cond3A_267 {
        %add3A_327 = arith.constant 2 : i32
        %add3A_328 = arith.addi %mul3A_158, %add3A_327 : i32
        %mul3A_329 = arith.constant 48 : i32
        %mul3A_330 = arith.muli %add3A_328, %mul3A_329 : i32
        %add3A_331 = arith.addi %mul3A_20, %mul3A_330 : i32
        %dma_start3A_332 = arith.constant 0 : i32
        %dma_start3A_333 = arith.constant 0 : i32
        %dma_start3A_334 = tpu.memref_slice %arg10[%dma_start3A_332, %dma_start3A_333] : memref<2x48xi32, #tpu.memory_space<vmem>> -> memref<1x48xi32, #tpu.memory_space<vmem>>
        %dma_start3A_335 = tpu.memref_squeeze %dma_start3A_334 : memref<1x48xi32, #tpu.memory_space<vmem>> -> memref<48xi32, #tpu.memory_space<vmem>>
        %dma_start3A_336 = tpu.memref_slice %arg5[%add3A_331] : memref<320000xi32, #tpu.memory_space<hbm>> -> memref<48xi32, #tpu.memory_space<hbm>>
        %dma_start3A_337 = arith.constant 0 : i32
        %dma_start3A_338 = tpu.memref_slice %arg10[%dma_start3A_332, %dma_start3A_337] : memref<2x48xi32, #tpu.memory_space<vmem>> -> memref<1x48xi32, #tpu.memory_space<vmem>>
        %dma_start3A_339 = tpu.memref_squeeze %dma_start3A_338 : memref<1x48xi32, #tpu.memory_space<vmem>> -> memref<48xi32, #tpu.memory_space<vmem>>
        %dma_start3A_340 = tpu.memref_slice %arg5[%add3A_331] : memref<320000xi32, #tpu.memory_space<hbm>> -> memref<48xi32, #tpu.memory_space<hbm>>
        tpu.enqueue_dma source(%dma_start3A_340 : memref<48xi32, #tpu.memory_space<hbm>>) target(%dma_start3A_339 : memref<48xi32, #tpu.memory_space<vmem>>) target_semaphore(%arg23 : memref<!tpu.dma_semaphore, #tpu.memory_space<semaphore_mem>>)
      } else {
      }
      %add3A_268 = arith.constant 1 : i32
      %add3A_269 = arith.addi %mul3A_158, %add3A_268 : i32
      %mul3A_270 = arith.constant 48 : i32
      %mul3A_271 = arith.muli %add3A_269, %mul3A_270 : i32
      %add3A_272 = arith.addi %mul3A_20, %mul3A_271 : i32
      %dma_wait3A_273 = arith.constant 1 : i32
      %dma_wait3A_274 = arith.constant 0 : i32
      %dma_wait3A_275 = arith.constant 0 : i32
      %dma_wait3A_276 = tpu.memref_slice %arg14[%dma_wait3A_273, %dma_wait3A_274, %dma_wait3A_275] : memref<2x48x128xf32, #tpu.memory_space<vmem>> -> memref<1x48x128xf32, #tpu.memory_space<vmem>>
      %dma_wait3A_277 = tpu.memref_squeeze %dma_wait3A_276 : memref<1x48x128xf32, #tpu.memory_space<vmem>> -> memref<48x128xf32, #tpu.memory_space<vmem>>
      %dma_wait3A_278 = arith.constant 0 : i32
      %dma_wait3A_279 = tpu.memref_slice %arg3[%add3A_272, %dma_wait3A_278] : memref<320000x128xf32, #tpu.memory_space<hbm>> -> memref<48x128xf32, #tpu.memory_space<hbm>>
      %dma_wait3A_280 = arith.constant 0 : i32
      %dma_wait3A_281 = arith.constant 0 : i32
      %dma_wait3A_282 = tpu.memref_slice %arg14[%dma_wait3A_273, %dma_wait3A_280, %dma_wait3A_281] : memref<2x48x128xf32, #tpu.memory_space<vmem>> -> memref<1x48x128xf32, #tpu.memory_space<vmem>>
      %dma_wait3A_283 = tpu.memref_squeeze %dma_wait3A_282 : memref<1x48x128xf32, #tpu.memory_space<vmem>> -> memref<48x128xf32, #tpu.memory_space<vmem>>
      %dma_wait3A_284 = arith.constant 0 : i32
      %dma_wait3A_285 = tpu.memref_slice %arg3[%add3A_272, %dma_wait3A_284] : memref<320000x128xf32, #tpu.memory_space<hbm>> -> memref<48x128xf32, #tpu.memory_space<hbm>>
      tpu.wait_dma2 semaphore(%arg20 : memref<!tpu.dma_semaphore, #tpu.memory_space<semaphore_mem>>) src(%dma_wait3A_285 : memref<48x128xf32, #tpu.memory_space<hbm>>) dst(%dma_wait3A_283 : memref<48x128xf32, #tpu.memory_space<vmem>>)
      %dma_wait3A_286 = arith.constant 1 : i32
      %dma_wait3A_287 = arith.constant 1 : i32
      %dma_wait3A_288 = arith.constant 0 : i32
      %dma_wait3A_289 = arith.constant 0 : i32
      %dma_wait3A_290 = tpu.memref_slice %arg13[%dma_wait3A_287, %dma_wait3A_288, %dma_wait3A_289] : memref<2x48x128xf32, #tpu.memory_space<vmem>> -> memref<1x48x128xf32, #tpu.memory_space<vmem>>
      %dma_wait3A_291 = tpu.memref_squeeze %dma_wait3A_290 : memref<1x48x128xf32, #tpu.memory_space<vmem>> -> memref<48x128xf32, #tpu.memory_space<vmem>>
      %dma_wait3A_292 = arith.constant 0 : i32
      %dma_wait3A_293 = tpu.memref_slice %arg9[%dma_wait3A_286, %dma_wait3A_292] : memref<2x48xi32, #tpu.memory_space<vmem>> -> memref<1x48xi32, #tpu.memory_space<vmem>>
      %dma_wait3A_294 = tpu.memref_squeeze %dma_wait3A_293 : memref<1x48xi32, #tpu.memory_space<vmem>> -> memref<48xi32, #tpu.memory_space<vmem>>
      %dma_wait3A_295 = arith.constant 0 : i32
      %dma_wait3A_296 = arith.constant 0 : i32
      %dma_wait3A_297 = tpu.memref_slice %arg2[%dma_wait3A_295, %dma_wait3A_296] : memref<10000x128xf32, #tpu.memory_space<hbm>> -> memref<10000x128xf32, #tpu.memory_space<hbm>>
      tpu.wait_indirect_dma semaphore(%arg18 : memref<!tpu.dma_semaphore, #tpu.memory_space<semaphore_mem>>) src(%dma_wait3A_297 : memref<10000x128xf32, #tpu.memory_space<hbm>>) dst(%dma_wait3A_291 : memref<48x128xf32, #tpu.memory_space<vmem>>)
      %lt3A_298 = arith.constant 103 : i32
      %lt3A_299 = arith.cmpi slt, %scan3A_156, %lt3A_298 : i32
      %convert_element_type3A_300 = arith.extui %lt3A_299 : i1 to i32
      %cond3A_301 = arith.constant 0 : i32
      %cond3A_302 = arith.cmpi ne, %convert_element_type3A_300, %cond3A_301 : i32
      scf.if %cond3A_302 {
        %add3A_327 = arith.constant 3 : i32
        %add3A_328 = arith.addi %mul3A_158, %add3A_327 : i32
        %mul3A_329 = arith.constant 48 : i32
        %mul3A_330 = arith.muli %add3A_328, %mul3A_329 : i32
        %add3A_331 = arith.addi %mul3A_20, %mul3A_330 : i32
        %dma_start3A_332 = arith.constant 1 : i32
        %dma_start3A_333 = arith.constant 0 : i32
        %dma_start3A_334 = tpu.memref_slice %arg9[%dma_start3A_332, %dma_start3A_333] : memref<2x48xi32, #tpu.memory_space<vmem>> -> memref<1x48xi32, #tpu.memory_space<vmem>>
        %dma_start3A_335 = tpu.memref_squeeze %dma_start3A_334 : memref<1x48xi32, #tpu.memory_space<vmem>> -> memref<48xi32, #tpu.memory_space<vmem>>
        %dma_start3A_336 = tpu.memref_slice %arg4[%add3A_331] : memref<320000xi32, #tpu.memory_space<hbm>> -> memref<48xi32, #tpu.memory_space<hbm>>
        %dma_start3A_337 = arith.constant 0 : i32
        %dma_start3A_338 = tpu.memref_slice %arg9[%dma_start3A_332, %dma_start3A_337] : memref<2x48xi32, #tpu.memory_space<vmem>> -> memref<1x48xi32, #tpu.memory_space<vmem>>
        %dma_start3A_339 = tpu.memref_squeeze %dma_start3A_338 : memref<1x48xi32, #tpu.memory_space<vmem>> -> memref<48xi32, #tpu.memory_space<vmem>>
        %dma_start3A_340 = tpu.memref_slice %arg4[%add3A_331] : memref<320000xi32, #tpu.memory_space<hbm>> -> memref<48xi32, #tpu.memory_space<hbm>>
        tpu.enqueue_dma source(%dma_start3A_340 : memref<48xi32, #tpu.memory_space<hbm>>) target(%dma_start3A_339 : memref<48xi32, #tpu.memory_space<vmem>>) target_semaphore(%arg22 : memref<!tpu.dma_semaphore, #tpu.memory_space<semaphore_mem>>)
        %add3A_341 = arith.constant 2 : i32
        %add3A_342 = arith.addi %mul3A_158, %add3A_341 : i32
        %mul3A_343 = arith.constant 48 : i32
        %mul3A_344 = arith.muli %add3A_342, %mul3A_343 : i32
        %add3A_345 = arith.addi %mul3A_20, %mul3A_344 : i32
        %dma_wait3A_346 = arith.constant 0 : i32
        %dma_wait3A_347 = arith.constant 0 : i32
        %dma_wait3A_348 = tpu.memref_slice %arg9[%dma_wait3A_346, %dma_wait3A_347] : memref<2x48xi32, #tpu.memory_space<vmem>> -> memref<1x48xi32, #tpu.memory_space<vmem>>
        %dma_wait3A_349 = tpu.memref_squeeze %dma_wait3A_348 : memref<1x48xi32, #tpu.memory_space<vmem>> -> memref<48xi32, #tpu.memory_space<vmem>>
        %dma_wait3A_350 = tpu.memref_slice %arg4[%add3A_345] : memref<320000xi32, #tpu.memory_space<hbm>> -> memref<48xi32, #tpu.memory_space<hbm>>
        %dma_wait3A_351 = arith.constant 0 : i32
        %dma_wait3A_352 = tpu.memref_slice %arg9[%dma_wait3A_346, %dma_wait3A_351] : memref<2x48xi32, #tpu.memory_space<vmem>> -> memref<1x48xi32, #tpu.memory_space<vmem>>
        %dma_wait3A_353 = tpu.memref_squeeze %dma_wait3A_352 : memref<1x48xi32, #tpu.memory_space<vmem>> -> memref<48xi32, #tpu.memory_space<vmem>>
        %dma_wait3A_354 = tpu.memref_slice %arg4[%add3A_345] : memref<320000xi32, #tpu.memory_space<hbm>> -> memref<48xi32, #tpu.memory_space<hbm>>
        tpu.wait_dma2 semaphore(%arg21 : memref<!tpu.dma_semaphore, #tpu.memory_space<semaphore_mem>>) src(%dma_wait3A_354 : memref<48xi32, #tpu.memory_space<hbm>>) dst(%dma_wait3A_353 : memref<48xi32, #tpu.memory_space<vmem>>)
        %mul3A_355 = arith.constant 48 : i32
        %mul3A_356 = arith.muli %add3A_342, %mul3A_355 : i32
        %add3A_357 = arith.addi %mul3A_20, %mul3A_356 : i32
        %dma_wait3A_358 = arith.constant 0 : i32
        %dma_wait3A_359 = arith.constant 0 : i32
        %dma_wait3A_360 = tpu.memref_slice %arg10[%dma_wait3A_358, %dma_wait3A_359] : memref<2x48xi32, #tpu.memory_space<vmem>> -> memref<1x48xi32, #tpu.memory_space<vmem>>
        %dma_wait3A_361 = tpu.memref_squeeze %dma_wait3A_360 : memref<1x48xi32, #tpu.memory_space<vmem>> -> memref<48xi32, #tpu.memory_space<vmem>>
        %dma_wait3A_362 = tpu.memref_slice %arg5[%add3A_357] : memref<320000xi32, #tpu.memory_space<hbm>> -> memref<48xi32, #tpu.memory_space<hbm>>
        %dma_wait3A_363 = arith.constant 0 : i32
        %dma_wait3A_364 = tpu.memref_slice %arg10[%dma_wait3A_358, %dma_wait3A_363] : memref<2x48xi32, #tpu.memory_space<vmem>> -> memref<1x48xi32, #tpu.memory_space<vmem>>
        %dma_wait3A_365 = tpu.memref_squeeze %dma_wait3A_364 : memref<1x48xi32, #tpu.memory_space<vmem>> -> memref<48xi32, #tpu.memory_space<vmem>>
        %dma_wait3A_366 = tpu.memref_slice %arg5[%add3A_357] : memref<320000xi32, #tpu.memory_space<hbm>> -> memref<48xi32, #tpu.memory_space<hbm>>
        tpu.wait_dma2 semaphore(%arg23 : memref<!tpu.dma_semaphore, #tpu.memory_space<semaphore_mem>>) src(%dma_wait3A_366 : memref<48xi32, #tpu.memory_space<hbm>>) dst(%dma_wait3A_365 : memref<48xi32, #tpu.memory_space<vmem>>)
        %add3A_367 = arith.constant 2 : i32
        %add3A_368 = arith.addi %mul3A_158, %add3A_367 : i32
        %mul3A_369 = arith.constant 48 : i32
        %mul3A_370 = arith.muli %add3A_368, %mul3A_369 : i32
        %add3A_371 = arith.addi %mul3A_20, %mul3A_370 : i32
        %dma_start3A_372 = arith.constant 0 : i32
        %dma_start3A_373 = arith.constant 0 : i32
        %dma_start3A_374 = arith.constant 0 : i32
        %dma_start3A_375 = tpu.memref_slice %arg14[%dma_start3A_372, %dma_start3A_373, %dma_start3A_374] : memref<2x48x128xf32, #tpu.memory_space<vmem>> -> memref<1x48x128xf32, #tpu.memory_space<vmem>>
        %dma_start3A_376 = tpu.memref_squeeze %dma_start3A_375 : memref<1x48x128xf32, #tpu.memory_space<vmem>> -> memref<48x128xf32, #tpu.memory_space<vmem>>
        %dma_start3A_377 = arith.constant 0 : i32
        %dma_start3A_378 = tpu.memref_slice %arg3[%add3A_371, %dma_start3A_377] : memref<320000x128xf32, #tpu.memory_space<hbm>> -> memref<48x128xf32, #tpu.memory_space<hbm>>
        %dma_start3A_379 = arith.constant 0 : i32
        %dma_start3A_380 = arith.constant 0 : i32
        %dma_start3A_381 = tpu.memref_slice %arg14[%dma_start3A_372, %dma_start3A_379, %dma_start3A_380] : memref<2x48x128xf32, #tpu.memory_space<vmem>> -> memref<1x48x128xf32, #tpu.memory_space<vmem>>
        %dma_start3A_382 = tpu.memref_squeeze %dma_start3A_381 : memref<1x48x128xf32, #tpu.memory_space<vmem>> -> memref<48x128xf32, #tpu.memory_space<vmem>>
        %dma_start3A_383 = arith.constant 0 : i32
        %dma_start3A_384 = tpu.memref_slice %arg3[%add3A_371, %dma_start3A_383] : memref<320000x128xf32, #tpu.memory_space<hbm>> -> memref<48x128xf32, #tpu.memory_space<hbm>>
        tpu.enqueue_dma source(%dma_start3A_384 : memref<48x128xf32, #tpu.memory_space<hbm>>) target(%dma_start3A_382 : memref<48x128xf32, #tpu.memory_space<vmem>>) target_semaphore(%arg19 : memref<!tpu.dma_semaphore, #tpu.memory_space<semaphore_mem>>)
        %dma_start3A_385 = arith.constant 0 : i32
        %dma_start3A_386 = arith.constant 0 : i32
        %dma_start3A_387 = arith.constant 0 : i32
        %dma_start3A_388 = arith.constant 0 : i32
        %dma_start3A_389 = tpu.memref_slice %arg13[%dma_start3A_386, %dma_start3A_387, %dma_start3A_388] : memref<2x48x128xf32, #tpu.memory_space<vmem>> -> memref<1x48x128xf32, #tpu.memory_space<vmem>>
        %dma_start3A_390 = tpu.memref_squeeze %dma_start3A_389 : memref<1x48x128xf32, #tpu.memory_space<vmem>> -> memref<48x128xf32, #tpu.memory_space<vmem>>
        %dma_start3A_391 = arith.constant 0 : i32
        %dma_start3A_392 = tpu.memref_slice %arg9[%dma_start3A_385, %dma_start3A_391] : memref<2x48xi32, #tpu.memory_space<vmem>> -> memref<1x48xi32, #tpu.memory_space<vmem>>
        %dma_start3A_393 = tpu.memref_squeeze %dma_start3A_392 : memref<1x48xi32, #tpu.memory_space<vmem>> -> memref<48xi32, #tpu.memory_space<vmem>>
        %dma_start3A_394 = arith.constant 0 : i32
        %dma_start3A_395 = arith.constant 0 : i32
        %dma_start3A_396 = tpu.memref_slice %arg2[%dma_start3A_394, %dma_start3A_395] : memref<10000x128xf32, #tpu.memory_space<hbm>> -> memref<10000x128xf32, #tpu.memory_space<hbm>>
        tpu.enqueue_indirect_dma source(%dma_start3A_396 : memref<10000x128xf32, #tpu.memory_space<hbm>>) target(%dma_start3A_390 : memref<48x128xf32, #tpu.memory_space<vmem>>) offsets(%dma_start3A_393 : memref<48xi32, #tpu.memory_space<vmem>>) semaphore(%arg17 : memref<!tpu.dma_semaphore, #tpu.memory_space<semaphore_mem>>)
      } else {
      }
      %add3A_303 = arith.constant 1 : i32
      %add3A_304 = arith.addi %mul3A_158, %add3A_303 : i32
      %parallel_loop3A_305 = arith.constant 0 : i32
      %parallel_loop3A_306 = arith.constant 48 : i32
      %parallel_loop3A_307 = arith.constant 1 : i32
      scf.for %parallel_loop3A_327 = %parallel_loop3A_305 to %parallel_loop3A_306 step %parallel_loop3A_307  : i32 {
        %parallel_loop3A_328 = arith.constant 1 : i32
        %parallel_loop3A_329 = arith.index_cast %parallel_loop3A_328 : i32 to index
        %parallel_loop3A_330 = arith.index_cast %parallel_loop3A_327 : i32 to index
        %parallel_loop3A_331 = arith.constant 0 : index
        %parallel_loop3A_332 = tpu.vector_load %arg13[%parallel_loop3A_329, %parallel_loop3A_330, %parallel_loop3A_331] {strides = array<i32>} : memref<2x48x128xf32, #tpu.memory_space<vmem>>, vector<16xf32>,
        %parallel_loop3A_333 = arith.constant 1 : i32
        %parallel_loop3A_334 = arith.index_cast %parallel_loop3A_333 : i32 to index
        %parallel_loop3A_335 = arith.index_cast %parallel_loop3A_327 : i32 to index
        %parallel_loop3A_336 = arith.constant 0 : index
        %parallel_loop3A_337 = tpu.vector_load %arg14[%parallel_loop3A_334, %parallel_loop3A_335, %parallel_loop3A_336] {strides = array<i32>} : memref<2x48x128xf32, #tpu.memory_space<vmem>>, vector<16xf32>,
        %parallel_loop3A_338 = arith.addf %parallel_loop3A_332, %parallel_loop3A_337 : vector<16xf32>
        %parallel_loop3A_339 = arith.constant 0.000000e+00 : f32
        %parallel_loop3A_340 = vector.broadcast %parallel_loop3A_339 : f32 to vector<16xf32>
        %parallel_loop3A_341 = arith.maximumf %parallel_loop3A_338, %parallel_loop3A_340 : vector<16xf32>
        %parallel_loop3A_342 = arith.constant 1 : i32
        %parallel_loop3A_343 = arith.index_cast %parallel_loop3A_342 : i32 to index
        %parallel_loop3A_344 = arith.index_cast %parallel_loop3A_327 : i32 to index
        %parallel_loop3A_345 = arith.constant 0 : index
        %parallel_loop3A_346 = tpu.vector_load %arg13[%parallel_loop3A_343, %parallel_loop3A_344, %parallel_loop3A_345] {strides = array<i32>} : memref<2x48x128xf32, #tpu.memory_space<vmem>>, vector<16xf32>,
        tpu.vector_store %arg13[%parallel_loop3A_343, %parallel_loop3A_344, %parallel_loop3A_345], %parallel_loop3A_341 {strides = array<i32>} : memref<2x48x128xf32, #tpu.memory_space<vmem>>, vector<16xf32>,
        %parallel_loop3A_347 = arith.constant 1 : i32
        %parallel_loop3A_348 = arith.index_cast %parallel_loop3A_347 : i32 to index
        %parallel_loop3A_349 = arith.index_cast %parallel_loop3A_327 : i32 to index
        %parallel_loop3A_350 = arith.constant 16 : index
        %parallel_loop3A_351 = tpu.vector_load %arg13[%parallel_loop3A_348, %parallel_loop3A_349, %parallel_loop3A_350] {strides = array<i32>} : memref<2x48x128xf32, #tpu.memory_space<vmem>>, vector<16xf32>,
        %parallel_loop3A_352 = arith.constant 1 : i32
        %parallel_loop3A_353 = arith.index_cast %parallel_loop3A_352 : i32 to index
        %parallel_loop3A_354 = arith.index_cast %parallel_loop3A_327 : i32 to index
        %parallel_loop3A_355 = arith.constant 16 : index
        %parallel_loop3A_356 = tpu.vector_load %arg14[%parallel_loop3A_353, %parallel_loop3A_354, %parallel_loop3A_355] {strides = array<i32>} : memref<2x48x128xf32, #tpu.memory_space<vmem>>, vector<16xf32>,
        %parallel_loop3A_357 = arith.addf %parallel_loop3A_351, %parallel_loop3A_356 : vector<16xf32>
        %parallel_loop3A_358 = arith.constant 0.000000e+00 : f32
        %parallel_loop3A_359 = vector.broadcast %parallel_loop3A_358 : f32 to vector<16xf32>
        %parallel_loop3A_360 = arith.maximumf %parallel_loop3A_357, %parallel_loop3A_359 : vector<16xf32>
        %parallel_loop3A_361 = arith.constant 1 : i32
        %parallel_loop3A_362 = arith.index_cast %parallel_loop3A_361 : i32 to index
        %parallel_loop3A_363 = arith.index_cast %parallel_loop3A_327 : i32 to index
        %parallel_loop3A_364 = arith.constant 16 : index
        %parallel_loop3A_365 = tpu.vector_load %arg13[%parallel_loop3A_362, %parallel_loop3A_363, %parallel_loop3A_364] {strides = array<i32>} : memref<2x48x128xf32, #tpu.memory_space<vmem>>, vector<16xf32>,
        tpu.vector_store %arg13[%parallel_loop3A_362, %parallel_loop3A_363, %parallel_loop3A_364], %parallel_loop3A_360 {strides = array<i32>} : memref<2x48x128xf32, #tpu.memory_space<vmem>>, vector<16xf32>,
        %parallel_loop3A_366 = arith.constant 1 : i32
        %parallel_loop3A_367 = arith.index_cast %parallel_loop3A_366 : i32 to index
        %parallel_loop3A_368 = arith.index_cast %parallel_loop3A_327 : i32 to index
        %parallel_loop3A_369 = arith.constant 32 : index
        %parallel_loop3A_370 = tpu.vector_load %arg13[%parallel_loop3A_367, %parallel_loop3A_368, %parallel_loop3A_369] {strides = array<i32>} : memref<2x48x128xf32, #tpu.memory_space<vmem>>, vector<16xf32>,
        %parallel_loop3A_371 = arith.constant 1 : i32
        %parallel_loop3A_372 = arith.index_cast %parallel_loop3A_371 : i32 to index
        %parallel_loop3A_373 = arith.index_cast %parallel_loop3A_327 : i32 to index
        %parallel_loop3A_374 = arith.constant 32 : index
        %parallel_loop3A_375 = tpu.vector_load %arg14[%parallel_loop3A_372, %parallel_loop3A_373, %parallel_loop3A_374] {strides = array<i32>} : memref<2x48x128xf32, #tpu.memory_space<vmem>>, vector<16xf32>,
        %parallel_loop3A_376 = arith.addf %parallel_loop3A_370, %parallel_loop3A_375 : vector<16xf32>
        %parallel_loop3A_377 = arith.constant 0.000000e+00 : f32
        %parallel_loop3A_378 = vector.broadcast %parallel_loop3A_377 : f32 to vector<16xf32>
        %parallel_loop3A_379 = arith.maximumf %parallel_loop3A_376, %parallel_loop3A_378 : vector<16xf32>
        %parallel_loop3A_380 = arith.constant 1 : i32
        %parallel_loop3A_381 = arith.index_cast %parallel_loop3A_380 : i32 to index
        %parallel_loop3A_382 = arith.index_cast %parallel_loop3A_327 : i32 to index
        %parallel_loop3A_383 = arith.constant 32 : index
        %parallel_loop3A_384 = tpu.vector_load %arg13[%parallel_loop3A_381, %parallel_loop3A_382, %parallel_loop3A_383] {strides = array<i32>} : memref<2x48x128xf32, #tpu.memory_space<vmem>>, vector<16xf32>,
        tpu.vector_store %arg13[%parallel_loop3A_381, %parallel_loop3A_382, %parallel_loop3A_383], %parallel_loop3A_379 {strides = array<i32>} : memref<2x48x128xf32, #tpu.memory_space<vmem>>, vector<16xf32>,
        %parallel_loop3A_385 = arith.constant 1 : i32
        %parallel_loop3A_386 = arith.index_cast %parallel_loop3A_385 : i32 to index
        %parallel_loop3A_387 = arith.index_cast %parallel_loop3A_327 : i32 to index
        %parallel_loop3A_388 = arith.constant 48 : index
        %parallel_loop3A_389 = tpu.vector_load %arg13[%parallel_loop3A_386, %parallel_loop3A_387, %parallel_loop3A_388] {strides = array<i32>} : memref<2x48x128xf32, #tpu.memory_space<vmem>>, vector<16xf32>,
        %parallel_loop3A_390 = arith.constant 1 : i32
        %parallel_loop3A_391 = arith.index_cast %parallel_loop3A_390 : i32 to index
        %parallel_loop3A_392 = arith.index_cast %parallel_loop3A_327 : i32 to index
        %parallel_loop3A_393 = arith.constant 48 : index
        %parallel_loop3A_394 = tpu.vector_load %arg14[%parallel_loop3A_391, %parallel_loop3A_392, %parallel_loop3A_393] {strides = array<i32>} : memref<2x48x128xf32, #tpu.memory_space<vmem>>, vector<16xf32>,
        %parallel_loop3A_395 = arith.addf %parallel_loop3A_389, %parallel_loop3A_394 : vector<16xf32>
        %parallel_loop3A_396 = arith.constant 0.000000e+00 : f32
        %parallel_loop3A_397 = vector.broadcast %parallel_loop3A_396 : f32 to vector<16xf32>
        %parallel_loop3A_398 = arith.maximumf %parallel_loop3A_395, %parallel_loop3A_397 : vector<16xf32>
        %parallel_loop3A_399 = arith.constant 1 : i32
        %parallel_loop3A_400 = arith.index_cast %parallel_loop3A_399 : i32 to index
        %parallel_loop3A_401 = arith.index_cast %parallel_loop3A_327 : i32 to index
        %parallel_loop3A_402 = arith.constant 48 : index
        %parallel_loop3A_403 = tpu.vector_load %arg13[%parallel_loop3A_400, %parallel_loop3A_401, %parallel_loop3A_402] {strides = array<i32>} : memref<2x48x128xf32, #tpu.memory_space<vmem>>, vector<16xf32>,
        tpu.vector_store %arg13[%parallel_loop3A_400, %parallel_loop3A_401, %parallel_loop3A_402], %parallel_loop3A_398 {strides = array<i32>} : memref<2x48x128xf32, #tpu.memory_space<vmem>>, vector<16xf32>,
        %parallel_loop3A_404 = arith.constant 1 : i32
        %parallel_loop3A_405 = arith.index_cast %parallel_loop3A_404 : i32 to index
        %parallel_loop3A_406 = arith.index_cast %parallel_loop3A_327 : i32 to index
        %parallel_loop3A_407 = arith.constant 64 : index
        %parallel_loop3A_408 = tpu.vector_load %arg13[%parallel_loop3A_405, %parallel_loop3A_406, %parallel_loop3A_407] {strides = array<i32>} : memref<2x48x128xf32, #tpu.memory_space<vmem>>, vector<16xf32>,
        %parallel_loop3A_409 = arith.constant 1 : i32
        %parallel_loop3A_410 = arith.index_cast %parallel_loop3A_409 : i32 to index
        %parallel_loop3A_411 = arith.index_cast %parallel_loop3A_327 : i32 to index
        %parallel_loop3A_412 = arith.constant 64 : index
        %parallel_loop3A_413 = tpu.vector_load %arg14[%parallel_loop3A_410, %parallel_loop3A_411, %parallel_loop3A_412] {strides = array<i32>} : memref<2x48x128xf32, #tpu.memory_space<vmem>>, vector<16xf32>,
        %parallel_loop3A_414 = arith.addf %parallel_loop3A_408, %parallel_loop3A_413 : vector<16xf32>
        %parallel_loop3A_415 = arith.constant 0.000000e+00 : f32
        %parallel_loop3A_416 = vector.broadcast %parallel_loop3A_415 : f32 to vector<16xf32>
        %parallel_loop3A_417 = arith.maximumf %parallel_loop3A_414, %parallel_loop3A_416 : vector<16xf32>
        %parallel_loop3A_418 = arith.constant 1 : i32
        %parallel_loop3A_419 = arith.index_cast %parallel_loop3A_418 : i32 to index
        %parallel_loop3A_420 = arith.index_cast %parallel_loop3A_327 : i32 to index
        %parallel_loop3A_421 = arith.constant 64 : index
        %parallel_loop3A_422 = tpu.vector_load %arg13[%parallel_loop3A_419, %parallel_loop3A_420, %parallel_loop3A_421] {strides = array<i32>} : memref<2x48x128xf32, #tpu.memory_space<vmem>>, vector<16xf32>,
        tpu.vector_store %arg13[%parallel_loop3A_419, %parallel_loop3A_420, %parallel_loop3A_421], %parallel_loop3A_417 {strides = array<i32>} : memref<2x48x128xf32, #tpu.memory_space<vmem>>, vector<16xf32>,
        %parallel_loop3A_423 = arith.constant 1 : i32
        %parallel_loop3A_424 = arith.index_cast %parallel_loop3A_423 : i32 to index
        %parallel_loop3A_425 = arith.index_cast %parallel_loop3A_327 : i32 to index
        %parallel_loop3A_426 = arith.constant 80 : index
        %parallel_loop3A_427 = tpu.vector_load %arg13[%parallel_loop3A_424, %parallel_loop3A_425, %parallel_loop3A_426] {strides = array<i32>} : memref<2x48x128xf32, #tpu.memory_space<vmem>>, vector<16xf32>,
        %parallel_loop3A_428 = arith.constant 1 : i32
        %parallel_loop3A_429 = arith.index_cast %parallel_loop3A_428 : i32 to index
        %parallel_loop3A_430 = arith.index_cast %parallel_loop3A_327 : i32 to index
        %parallel_loop3A_431 = arith.constant 80 : index
        %parallel_loop3A_432 = tpu.vector_load %arg14[%parallel_loop3A_429, %parallel_loop3A_430, %parallel_loop3A_431] {strides = array<i32>} : memref<2x48x128xf32, #tpu.memory_space<vmem>>, vector<16xf32>,
        %parallel_loop3A_433 = arith.addf %parallel_loop3A_427, %parallel_loop3A_432 : vector<16xf32>
        %parallel_loop3A_434 = arith.constant 0.000000e+00 : f32
        %parallel_loop3A_435 = vector.broadcast %parallel_loop3A_434 : f32 to vector<16xf32>
        %parallel_loop3A_436 = arith.maximumf %parallel_loop3A_433, %parallel_loop3A_435 : vector<16xf32>
        %parallel_loop3A_437 = arith.constant 1 : i32
        %parallel_loop3A_438 = arith.index_cast %parallel_loop3A_437 : i32 to index
        %parallel_loop3A_439 = arith.index_cast %parallel_loop3A_327 : i32 to index
        %parallel_loop3A_440 = arith.constant 80 : index
        %parallel_loop3A_441 = tpu.vector_load %arg13[%parallel_loop3A_438, %parallel_loop3A_439, %parallel_loop3A_440] {strides = array<i32>} : memref<2x48x128xf32, #tpu.memory_space<vmem>>, vector<16xf32>,
        tpu.vector_store %arg13[%parallel_loop3A_438, %parallel_loop3A_439, %parallel_loop3A_440], %parallel_loop3A_436 {strides = array<i32>} : memref<2x48x128xf32, #tpu.memory_space<vmem>>, vector<16xf32>,
        %parallel_loop3A_442 = arith.constant 1 : i32
        %parallel_loop3A_443 = arith.index_cast %parallel_loop3A_442 : i32 to index
        %parallel_loop3A_444 = arith.index_cast %parallel_loop3A_327 : i32 to index
        %parallel_loop3A_445 = arith.constant 96 : index
        %parallel_loop3A_446 = tpu.vector_load %arg13[%parallel_loop3A_443, %parallel_loop3A_444, %parallel_loop3A_445] {strides = array<i32>} : memref<2x48x128xf32, #tpu.memory_space<vmem>>, vector<16xf32>,
        %parallel_loop3A_447 = arith.constant 1 : i32
        %parallel_loop3A_448 = arith.index_cast %parallel_loop3A_447 : i32 to index
        %parallel_loop3A_449 = arith.index_cast %parallel_loop3A_327 : i32 to index
        %parallel_loop3A_450 = arith.constant 96 : index
        %parallel_loop3A_451 = tpu.vector_load %arg14[%parallel_loop3A_448, %parallel_loop3A_449, %parallel_loop3A_450] {strides = array<i32>} : memref<2x48x128xf32, #tpu.memory_space<vmem>>, vector<16xf32>,
        %parallel_loop3A_452 = arith.addf %parallel_loop3A_446, %parallel_loop3A_451 : vector<16xf32>
        %parallel_loop3A_453 = arith.constant 0.000000e+00 : f32
        %parallel_loop3A_454 = vector.broadcast %parallel_loop3A_453 : f32 to vector<16xf32>
        %parallel_loop3A_455 = arith.maximumf %parallel_loop3A_452, %parallel_loop3A_454 : vector<16xf32>
        %parallel_loop3A_456 = arith.constant 1 : i32
        %parallel_loop3A_457 = arith.index_cast %parallel_loop3A_456 : i32 to index
        %parallel_loop3A_458 = arith.index_cast %parallel_loop3A_327 : i32 to index
        %parallel_loop3A_459 = arith.constant 96 : index
        %parallel_loop3A_460 = tpu.vector_load %arg13[%parallel_loop3A_457, %parallel_loop3A_458, %parallel_loop3A_459] {strides = array<i32>} : memref<2x48x128xf32, #tpu.memory_space<vmem>>, vector<16xf32>,
        tpu.vector_store %arg13[%parallel_loop3A_457, %parallel_loop3A_458, %parallel_loop3A_459], %parallel_loop3A_455 {strides = array<i32>} : memref<2x48x128xf32, #tpu.memory_space<vmem>>, vector<16xf32>,
        %parallel_loop3A_461 = arith.constant 1 : i32
        %parallel_loop3A_462 = arith.index_cast %parallel_loop3A_461 : i32 to index
        %parallel_loop3A_463 = arith.index_cast %parallel_loop3A_327 : i32 to index
        %parallel_loop3A_464 = arith.constant 112 : index
        %parallel_loop3A_465 = tpu.vector_load %arg13[%parallel_loop3A_462, %parallel_loop3A_463, %parallel_loop3A_464] {strides = array<i32>} : memref<2x48x128xf32, #tpu.memory_space<vmem>>, vector<16xf32>,
        %parallel_loop3A_466 = arith.constant 1 : i32
        %parallel_loop3A_467 = arith.index_cast %parallel_loop3A_466 : i32 to index
        %parallel_loop3A_468 = arith.index_cast %parallel_loop3A_327 : i32 to index
        %parallel_loop3A_469 = arith.constant 112 : index
        %parallel_loop3A_470 = tpu.vector_load %arg14[%parallel_loop3A_467, %parallel_loop3A_468, %parallel_loop3A_469] {strides = array<i32>} : memref<2x48x128xf32, #tpu.memory_space<vmem>>, vector<16xf32>,
        %parallel_loop3A_471 = arith.addf %parallel_loop3A_465, %parallel_loop3A_470 : vector<16xf32>
        %parallel_loop3A_472 = arith.constant 0.000000e+00 : f32
        %parallel_loop3A_473 = vector.broadcast %parallel_loop3A_472 : f32 to vector<16xf32>
        %parallel_loop3A_474 = arith.maximumf %parallel_loop3A_471, %parallel_loop3A_473 : vector<16xf32>
        %parallel_loop3A_475 = arith.constant 1 : i32
        %parallel_loop3A_476 = arith.index_cast %parallel_loop3A_475 : i32 to index
        %parallel_loop3A_477 = arith.index_cast %parallel_loop3A_327 : i32 to index
        %parallel_loop3A_478 = arith.constant 112 : index
        %parallel_loop3A_479 = tpu.vector_load %arg13[%parallel_loop3A_476, %parallel_loop3A_477, %parallel_loop3A_478] {strides = array<i32>} : memref<2x48x128xf32, #tpu.memory_space<vmem>>, vector<16xf32>,
        tpu.vector_store %arg13[%parallel_loop3A_476, %parallel_loop3A_477, %parallel_loop3A_478], %parallel_loop3A_474 {strides = array<i32>} : memref<2x48x128xf32, #tpu.memory_space<vmem>>, vector<16xf32>,
      } {sc.loop_unroll_factor = 8 : i64, sc.parallel_access}
      %run_scoped3A_308 = arith.constant 1 : i32
      %run_scoped3A_309 = arith.constant 1 : i32
      "tpu.region"() ({
        %run_scoped3A_327 = tpu.sem_alloc : memref<!tpu.dma_semaphore, #tpu.memory_space<semaphore_mem>>
        %dma_start3A_328 = arith.constant 0 : i32
        %dma_start3A_329 = arith.constant 0 : i32
        %dma_start3A_330 = tpu.memref_slice %arg13[%run_scoped3A_308, %dma_start3A_328, %dma_start3A_329] : memref<2x48x128xf32, #tpu.memory_space<vmem>> -> memref<1x48x128xf32, #tpu.memory_space<vmem>>
        %dma_start3A_331 = tpu.memref_squeeze %dma_start3A_330 : memref<1x48x128xf32, #tpu.memory_space<vmem>> -> memref<48x128xf32, #tpu.memory_space<vmem>>
        %dma_start3A_332 = arith.constant 0 : i32
        %dma_start3A_333 = tpu.memref_slice %arg10[%run_scoped3A_309, %dma_start3A_332] : memref<2x48xi32, #tpu.memory_space<vmem>> -> memref<1x48xi32, #tpu.memory_space<vmem>>
        %dma_start3A_334 = tpu.memref_squeeze %dma_start3A_333 : memref<1x48xi32, #tpu.memory_space<vmem>> -> memref<48xi32, #tpu.memory_space<vmem>>
        %dma_start3A_335 = arith.constant 0 : i32
        %dma_start3A_336 = arith.constant 0 : i32
        %dma_start3A_337 = tpu.memref_slice %arg16[%dma_start3A_335, %dma_start3A_336] : memref<10000x128xf32, #tpu.memory_space<vmem_shared>> -> memref<10000x128xf32, #tpu.memory_space<vmem_shared>>
        tpu.enqueue_indirect_dma source(%dma_start3A_331 : memref<48x128xf32, #tpu.memory_space<vmem>>) target(%dma_start3A_337 : memref<10000x128xf32, #tpu.memory_space<vmem_shared>>) offsets(%dma_start3A_334 : memref<48xi32, #tpu.memory_space<vmem>>) semaphore(%run_scoped3A_327 : memref<!tpu.dma_semaphore, #tpu.memory_space<semaphore_mem>>) {add = true}
        %dma_wait3A_338 = arith.constant 0 : i32
        %dma_wait3A_339 = arith.constant 0 : i32
        %dma_wait3A_340 = tpu.memref_slice %arg13[%run_scoped3A_308, %dma_wait3A_338, %dma_wait3A_339] : memref<2x48x128xf32, #tpu.memory_space<vmem>> -> memref<1x48x128xf32, #tpu.memory_space<vmem>>
        %dma_wait3A_341 = tpu.memref_squeeze %dma_wait3A_340 : memref<1x48x128xf32, #tpu.memory_space<vmem>> -> memref<48x128xf32, #tpu.memory_space<vmem>>
        %dma_wait3A_342 = arith.constant 0 : i32
        %dma_wait3A_343 = tpu.memref_slice %arg10[%run_scoped3A_309, %dma_wait3A_342] : memref<2x48xi32, #tpu.memory_space<vmem>> -> memref<1x48xi32, #tpu.memory_space<vmem>>
        %dma_wait3A_344 = tpu.memref_squeeze %dma_wait3A_343 : memref<1x48xi32, #tpu.memory_space<vmem>> -> memref<48xi32, #tpu.memory_space<vmem>>
        %dma_wait3A_345 = arith.constant 0 : i32
        %dma_wait3A_346 = arith.constant 0 : i32
        %dma_wait3A_347 = tpu.memref_slice %arg16[%dma_wait3A_345, %dma_wait3A_346] : memref<10000x128xf32, #tpu.memory_space<vmem_shared>> -> memref<10000x128xf32, #tpu.memory_space<vmem_shared>>
        tpu.wait_indirect_dma semaphore(%run_scoped3A_327 : memref<!tpu.dma_semaphore, #tpu.memory_space<semaphore_mem>>) src(%dma_wait3A_341 : memref<48x128xf32, #tpu.memory_space<vmem>>) dst(%dma_wait3A_347 : memref<10000x128xf32, #tpu.memory_space<vmem_shared>>)
        tpu.yield
      }) : () -> ()
      %get3A_310 = arith.constant 1 : i32
      %get3A_311 = arith.index_cast %get3A_310 : i32 to index
      %get3A_312 = arith.constant 0 : index
      %get3A_313 = tpu.vector_load %arg10[%get3A_311, %get3A_312] {strides = array<i32>} : memref<2x48xi32, #tpu.memory_space<vmem>>, vector<16xi32>,
      tpu.vector_store_idx %arg15[%get3A_313], %broadcast_in_dim3A_18 {add = true} : memref<10000xf32, #tpu.memory_space<vmem>>[vector<16xi32>], vector<16xf32>,
      %get3A_314 = arith.constant 1 : i32
      %get3A_315 = arith.index_cast %get3A_314 : i32 to index
      %get3A_316 = arith.constant 16 : index
      %get3A_317 = tpu.vector_load %arg10[%get3A_315, %get3A_316] {strides = array<i32>} : memref<2x48xi32, #tpu.memory_space<vmem>>, vector<16xi32>,
      tpu.vector_store_idx %arg15[%get3A_317], %broadcast_in_dim3A_18 {add = true} : memref<10000xf32, #tpu.memory_space<vmem>>[vector<16xi32>], vector<16xf32>,
      %get3A_318 = arith.constant 1 : i32
      %get3A_319 = arith.index_cast %get3A_318 : i32 to index
      %get3A_320 = arith.constant 32 : index
      %get3A_321 = tpu.vector_load %arg10[%get3A_319, %get3A_320] {strides = array<i32>} : memref<2x48xi32, #tpu.memory_space<vmem>>, vector<16xi32>,
      tpu.vector_store_idx %arg15[%get3A_321], %broadcast_in_dim3A_18 {add = true} : memref<10000xf32, #tpu.memory_space<vmem>>[vector<16xi32>], vector<16xf32>,
      %lt3A_322 = arith.constant 103 : i32
      %lt3A_323 = arith.cmpi slt, %scan3A_156, %lt3A_322 : i32
      %convert_element_type3A_324 = arith.extui %lt3A_323 : i1 to i32
      %cond3A_325 = arith.constant 0 : i32
      %cond3A_326 = arith.cmpi ne, %convert_element_type3A_324, %cond3A_325 : i32
      scf.if %cond3A_326 {
        %add3A_327 = arith.constant 3 : i32
        %add3A_328 = arith.addi %mul3A_158, %add3A_327 : i32
        %mul3A_329 = arith.constant 48 : i32
        %mul3A_330 = arith.muli %add3A_328, %mul3A_329 : i32
        %add3A_331 = arith.addi %mul3A_20, %mul3A_330 : i32
        %dma_start3A_332 = arith.constant 1 : i32
        %dma_start3A_333 = arith.constant 0 : i32
        %dma_start3A_334 = tpu.memref_slice %arg10[%dma_start3A_332, %dma_start3A_333] : memref<2x48xi32, #tpu.memory_space<vmem>> -> memref<1x48xi32, #tpu.memory_space<vmem>>
        %dma_start3A_335 = tpu.memref_squeeze %dma_start3A_334 : memref<1x48xi32, #tpu.memory_space<vmem>> -> memref<48xi32, #tpu.memory_space<vmem>>
        %dma_start3A_336 = tpu.memref_slice %arg5[%add3A_331] : memref<320000xi32, #tpu.memory_space<hbm>> -> memref<48xi32, #tpu.memory_space<hbm>>
        %dma_start3A_337 = arith.constant 0 : i32
        %dma_start3A_338 = tpu.memref_slice %arg10[%dma_start3A_332, %dma_start3A_337] : memref<2x48xi32, #tpu.memory_space<vmem>> -> memref<1x48xi32, #tpu.memory_space<vmem>>
        %dma_start3A_339 = tpu.memref_squeeze %dma_start3A_338 : memref<1x48xi32, #tpu.memory_space<vmem>> -> memref<48xi32, #tpu.memory_space<vmem>>
        %dma_start3A_340 = tpu.memref_slice %arg5[%add3A_331] : memref<320000xi32, #tpu.memory_space<hbm>> -> memref<48xi32, #tpu.memory_space<hbm>>
        tpu.enqueue_dma source(%dma_start3A_340 : memref<48xi32, #tpu.memory_space<hbm>>) target(%dma_start3A_339 : memref<48xi32, #tpu.memory_space<vmem>>) target_semaphore(%arg24 : memref<!tpu.dma_semaphore, #tpu.memory_space<semaphore_mem>>)
      } else {
      }
    }
    %scan3A_116 = arith.constant 104 : i32
    %mul3A_117 = arith.constant 16 : i32
    %mul3A_118 = arith.muli %add3A, %mul3A_117 : i32
    %add3A_119 = arith.constant 319488 : i32
    %add3A_120 = arith.addi %add3A_119, %mul3A_118 : i32
    "tpu.region"() ({
      %run_scoped3A_156 = tpu.sem_alloc : memref<!tpu.dma_semaphore, #tpu.memory_space<semaphore_mem>>
      %dma_start3A_157 = tpu.memref_slice %arg4[%add3A_120] : memref<320000xi32, #tpu.memory_space<hbm>> -> memref<16xi32, #tpu.memory_space<hbm>>
      %dma_start3A_158 = tpu.memref_slice %arg4[%add3A_120] : memref<320000xi32, #tpu.memory_space<hbm>> -> memref<16xi32, #tpu.memory_space<hbm>>
      tpu.enqueue_dma source(%dma_start3A_158 : memref<16xi32, #tpu.memory_space<hbm>>) target(%arg11 : memref<16xi32, #tpu.memory_space<vmem>>) target_semaphore(%run_scoped3A_156 : memref<!tpu.dma_semaphore, #tpu.memory_space<semaphore_mem>>)
      %dma_wait3A_159 = tpu.memref_slice %arg4[%add3A_120] : memref<320000xi32, #tpu.memory_space<hbm>> -> memref<16xi32, #tpu.memory_space<hbm>>
      %dma_wait3A_160 = tpu.memref_slice %arg4[%add3A_120] : memref<320000xi32, #tpu.memory_space<hbm>> -> memref<16xi32, #tpu.memory_space<hbm>>
      tpu.wait_dma2 semaphore(%run_scoped3A_156 : memref<!tpu.dma_semaphore, #tpu.memory_space<semaphore_mem>>) src(%dma_wait3A_160 : memref<16xi32, #tpu.memory_space<hbm>>) dst(%arg11 : memref<16xi32, #tpu.memory_space<vmem>>)
      tpu.yield
    }) : () -> ()
    "tpu.region"() ({
      %run_scoped3A_156 = tpu.sem_alloc : memref<!tpu.dma_semaphore, #tpu.memory_space<semaphore_mem>>
      %dma_start3A_157 = tpu.memref_slice %arg5[%add3A_120] : memref<320000xi32, #tpu.memory_space<hbm>> -> memref<16xi32, #tpu.memory_space<hbm>>
      %dma_start3A_158 = tpu.memref_slice %arg5[%add3A_120] : memref<320000xi32, #tpu.memory_space<hbm>> -> memref<16xi32, #tpu.memory_space<hbm>>
      tpu.enqueue_dma source(%dma_start3A_158 : memref<16xi32, #tpu.memory_space<hbm>>) target(%arg12 : memref<16xi32, #tpu.memory_space<vmem>>) target_semaphore(%run_scoped3A_156 : memref<!tpu.dma_semaphore, #tpu.memory_space<semaphore_mem>>)
      %dma_wait3A_159 = tpu.memref_slice %arg5[%add3A_120] : memref<320000xi32, #tpu.memory_space<hbm>> -> memref<16xi32, #tpu.memory_space<hbm>>
      %dma_wait3A_160 = tpu.memref_slice %arg5[%add3A_120] : memref<320000xi32, #tpu.memory_space<hbm>> -> memref<16xi32, #tpu.memory_space<hbm>>
      tpu.wait_dma2 semaphore(%run_scoped3A_156 : memref<!tpu.dma_semaphore, #tpu.memory_space<semaphore_mem>>) src(%dma_wait3A_160 : memref<16xi32, #tpu.memory_space<hbm>>) dst(%arg12 : memref<16xi32, #tpu.memory_space<vmem>>)
      tpu.yield
    }) : () -> ()
    %run_scoped3A = arith.constant 0 : i32
    "tpu.region"() ({
      %run_scoped3A_156 = tpu.sem_alloc : memref<!tpu.dma_semaphore, #tpu.memory_space<semaphore_mem>>
      %dma_start3A_157 = arith.constant 0 : i32
      %dma_start3A_158 = arith.constant 0 : i32
      %dma_start3A_159 = tpu.memref_slice %arg14[%run_scoped3A, %dma_start3A_157, %dma_start3A_158] : memref<2x48x128xf32, #tpu.memory_space<vmem>> -> memref<1x16x128xf32, #tpu.memory_space<vmem>>
      %dma_start3A_160 = tpu.memref_squeeze %dma_start3A_159 : memref<1x16x128xf32, #tpu.memory_space<vmem>> -> memref<16x128xf32, #tpu.memory_space<vmem>>
      %dma_start3A_161 = arith.constant 0 : i32
      %dma_start3A_162 = tpu.memref_slice %arg3[%add3A_120, %dma_start3A_161] : memref<320000x128xf32, #tpu.memory_space<hbm>> -> memref<16x128xf32, #tpu.memory_space<hbm>>
      %dma_start3A_163 = arith.constant 0 : i32
      %dma_start3A_164 = arith.constant 0 : i32
      %dma_start3A_165 = tpu.memref_slice %arg14[%run_scoped3A, %dma_start3A_163, %dma_start3A_164] : memref<2x48x128xf32, #tpu.memory_space<vmem>> -> memref<1x16x128xf32, #tpu.memory_space<vmem>>
      %dma_start3A_166 = tpu.memref_squeeze %dma_start3A_165 : memref<1x16x128xf32, #tpu.memory_space<vmem>> -> memref<16x128xf32, #tpu.memory_space<vmem>>
      %dma_start3A_167 = arith.constant 0 : i32
      %dma_start3A_168 = tpu.memref_slice %arg3[%add3A_120, %dma_start3A_167] : memref<320000x128xf32, #tpu.memory_space<hbm>> -> memref<16x128xf32, #tpu.memory_space<hbm>>
      tpu.enqueue_dma source(%dma_start3A_168 : memref<16x128xf32, #tpu.memory_space<hbm>>) target(%dma_start3A_166 : memref<16x128xf32, #tpu.memory_space<vmem>>) target_semaphore(%run_scoped3A_156 : memref<!tpu.dma_semaphore, #tpu.memory_space<semaphore_mem>>)
      %dma_wait3A_169 = arith.constant 0 : i32
      %dma_wait3A_170 = arith.constant 0 : i32
      %dma_wait3A_171 = tpu.memref_slice %arg14[%run_scoped3A, %dma_wait3A_169, %dma_wait3A_170] : memref<2x48x128xf32, #tpu.memory_space<vmem>> -> memref<1x16x128xf32, #tpu.memory_space<vmem>>
      %dma_wait3A_172 = tpu.memref_squeeze %dma_wait3A_171 : memref<1x16x128xf32, #tpu.memory_space<vmem>> -> memref<16x128xf32, #tpu.memory_space<vmem>>
      %dma_wait3A_173 = arith.constant 0 : i32
      %dma_wait3A_174 = tpu.memref_slice %arg3[%add3A_120, %dma_wait3A_173] : memref<320000x128xf32, #tpu.memory_space<hbm>> -> memref<16x128xf32, #tpu.memory_space<hbm>>
      %dma_wait3A_175 = arith.constant 0 : i32
      %dma_wait3A_176 = arith.constant 0 : i32
      %dma_wait3A_177 = tpu.memref_slice %arg14[%run_scoped3A, %dma_wait3A_175, %dma_wait3A_176] : memref<2x48x128xf32, #tpu.memory_space<vmem>> -> memref<1x16x128xf32, #tpu.memory_space<vmem>>
      %dma_wait3A_178 = tpu.memref_squeeze %dma_wait3A_177 : memref<1x16x128xf32, #tpu.memory_space<vmem>> -> memref<16x128xf32, #tpu.memory_space<vmem>>
      %dma_wait3A_179 = arith.constant 0 : i32
      %dma_wait3A_180 = tpu.memref_slice %arg3[%add3A_120, %dma_wait3A_179] : memref<320000x128xf32, #tpu.memory_space<hbm>> -> memref<16x128xf32, #tpu.memory_space<hbm>>
      tpu.wait_dma2 semaphore(%run_scoped3A_156 : memref<!tpu.dma_semaphore, #tpu.memory_space<semaphore_mem>>) src(%dma_wait3A_180 : memref<16x128xf32, #tpu.memory_space<hbm>>) dst(%dma_wait3A_178 : memref<16x128xf32, #tpu.memory_space<vmem>>)
      tpu.yield
    }) : () -> ()
    %dma_start3A_121 = arith.constant 0 : i32
    %dma_start3A_122 = arith.constant 0 : i32
    %dma_start3A_123 = arith.constant 0 : i32
    %dma_start3A_124 = tpu.memref_slice %arg13[%dma_start3A_121, %dma_start3A_122, %dma_start3A_123] : memref<2x48x128xf32, #tpu.memory_space<vmem>> -> memref<1x16x128xf32, #tpu.memory_space<vmem>>
    %dma_start3A_125 = tpu.memref_squeeze %dma_start3A_124 : memref<1x16x128xf32, #tpu.memory_space<vmem>> -> memref<16x128xf32, #tpu.memory_space<vmem>>
    %dma_start3A_126 = arith.constant 0 : i32
    %dma_start3A_127 = arith.constant 0 : i32
    %dma_start3A_128 = tpu.memref_slice %arg2[%dma_start3A_126, %dma_start3A_127] : memref<10000x128xf32, #tpu.memory_space<hbm>> -> memref<10000x128xf32, #tpu.memory_space<hbm>>
    tpu.enqueue_indirect_dma source(%dma_start3A_128 : memref<10000x128xf32, #tpu.memory_space<hbm>>) target(%dma_start3A_125 : memref<16x128xf32, #tpu.memory_space<vmem>>) offsets(%arg11 : memref<16xi32, #tpu.memory_space<vmem>>) semaphore(%arg17 : memref<!tpu.dma_semaphore, #tpu.memory_space<semaphore_mem>>)
    %dma_wait3A_129 = arith.constant 0 : i32
    %dma_wait3A_130 = arith.constant 0 : i32
    %dma_wait3A_131 = arith.constant 0 : i32
    %dma_wait3A_132 = tpu.memref_slice %arg13[%dma_wait3A_129, %dma_wait3A_130, %dma_wait3A_131] : memref<2x48x128xf32, #tpu.memory_space<vmem>> -> memref<1x16x128xf32, #tpu.memory_space<vmem>>
    %dma_wait3A_133 = tpu.memref_squeeze %dma_wait3A_132 : memref<1x16x128xf32, #tpu.memory_space<vmem>> -> memref<16x128xf32, #tpu.memory_space<vmem>>
    %dma_wait3A_134 = arith.constant 0 : i32
    %dma_wait3A_135 = arith.constant 0 : i32
    %dma_wait3A_136 = tpu.memref_slice %arg2[%dma_wait3A_134, %dma_wait3A_135] : memref<10000x128xf32, #tpu.memory_space<hbm>> -> memref<10000x128xf32, #tpu.memory_space<hbm>>
    tpu.wait_indirect_dma semaphore(%arg17 : memref<!tpu.dma_semaphore, #tpu.memory_space<semaphore_mem>>) src(%dma_wait3A_136 : memref<10000x128xf32, #tpu.memory_space<hbm>>) dst(%dma_wait3A_133 : memref<16x128xf32, #tpu.memory_space<vmem>>)
    %scan3A_137 = arith.constant 0 : i32
    %scan3A_138 = arith.constant 16 : i32
    %scan3A_139 = arith.addi %scan3A_137, %scan3A_138 : i32
    %scan3A_140 = arith.constant 1 : i32
    scf.for %scan3A_156 = %scan3A_137 to %scan3A_139 step %scan3A_140  : i32 {
      %get3A_157 = arith.constant 0 : i32
      %get3A_158 = arith.index_cast %get3A_157 : i32 to index
      %get3A_159 = arith.index_cast %scan3A_156 : i32 to index
      %get3A_160 = arith.constant 0 : index
      %get3A_161 = tpu.vector_load %arg13[%get3A_158, %get3A_159, %get3A_160] {strides = array<i32>} : memref<2x48x128xf32, #tpu.memory_space<vmem>>, vector<16xf32>,
      %get3A_162 = arith.constant 0 : i32
      %get3A_163 = arith.index_cast %get3A_162 : i32 to index
      %get3A_164 = arith.index_cast %scan3A_156 : i32 to index
      %get3A_165 = arith.constant 0 : index
      %get3A_166 = tpu.vector_load %arg14[%get3A_163, %get3A_164, %get3A_165] {strides = array<i32>} : memref<2x48x128xf32, #tpu.memory_space<vmem>>, vector<16xf32>,
      %add3A_167 = arith.addf %get3A_161, %get3A_166 : vector<16xf32>
      %max3A = arith.constant 0.000000e+00 : f32
      %max3A_168 = vector.broadcast %max3A : f32 to vector<16xf32>
      %max3A_169 = arith.maximumf %add3A_167, %max3A_168 : vector<16xf32>
      %swap3A_170 = arith.constant 0 : i32
      %swap3A_171 = arith.index_cast %swap3A_170 : i32 to index
      %swap3A_172 = arith.index_cast %scan3A_156 : i32 to index
      %swap3A_173 = arith.constant 0 : index
      %swap3A_174 = tpu.vector_load %arg13[%swap3A_171, %swap3A_172, %swap3A_173] {strides = array<i32>} : memref<2x48x128xf32, #tpu.memory_space<vmem>>, vector<16xf32>,
      tpu.vector_store %arg13[%swap3A_171, %swap3A_172, %swap3A_173], %max3A_169 {strides = array<i32>} : memref<2x48x128xf32, #tpu.memory_space<vmem>>, vector<16xf32>,
      %get3A_175 = arith.constant 0 : i32
      %get3A_176 = arith.index_cast %get3A_175 : i32 to index
      %get3A_177 = arith.index_cast %scan3A_156 : i32 to index
      %get3A_178 = arith.constant 16 : index
      %get3A_179 = tpu.vector_load %arg13[%get3A_176, %get3A_177, %get3A_178] {strides = array<i32>} : memref<2x48x128xf32, #tpu.memory_space<vmem>>, vector<16xf32>,
      %get3A_180 = arith.constant 0 : i32
      %get3A_181 = arith.index_cast %get3A_180 : i32 to index
      %get3A_182 = arith.index_cast %scan3A_156 : i32 to index
      %get3A_183 = arith.constant 16 : index
      %get3A_184 = tpu.vector_load %arg14[%get3A_181, %get3A_182, %get3A_183] {strides = array<i32>} : memref<2x48x128xf32, #tpu.memory_space<vmem>>, vector<16xf32>,
      %add3A_185 = arith.addf %get3A_179, %get3A_184 : vector<16xf32>
      %max3A_186 = arith.constant 0.000000e+00 : f32
      %max3A_187 = vector.broadcast %max3A_186 : f32 to vector<16xf32>
      %max3A_188 = arith.maximumf %add3A_185, %max3A_187 : vector<16xf32>
      %swap3A_189 = arith.constant 0 : i32
      %swap3A_190 = arith.index_cast %swap3A_189 : i32 to index
      %swap3A_191 = arith.index_cast %scan3A_156 : i32 to index
      %swap3A_192 = arith.constant 16 : index
      %swap3A_193 = tpu.vector_load %arg13[%swap3A_190, %swap3A_191, %swap3A_192] {strides = array<i32>} : memref<2x48x128xf32, #tpu.memory_space<vmem>>, vector<16xf32>,
      tpu.vector_store %arg13[%swap3A_190, %swap3A_191, %swap3A_192], %max3A_188 {strides = array<i32>} : memref<2x48x128xf32, #tpu.memory_space<vmem>>, vector<16xf32>,
      %get3A_194 = arith.constant 0 : i32
      %get3A_195 = arith.index_cast %get3A_194 : i32 to index
      %get3A_196 = arith.index_cast %scan3A_156 : i32 to index
      %get3A_197 = arith.constant 32 : index
      %get3A_198 = tpu.vector_load %arg13[%get3A_195, %get3A_196, %get3A_197] {strides = array<i32>} : memref<2x48x128xf32, #tpu.memory_space<vmem>>, vector<16xf32>,
      %get3A_199 = arith.constant 0 : i32
      %get3A_200 = arith.index_cast %get3A_199 : i32 to index
      %get3A_201 = arith.index_cast %scan3A_156 : i32 to index
      %get3A_202 = arith.constant 32 : index
      %get3A_203 = tpu.vector_load %arg14[%get3A_200, %get3A_201, %get3A_202] {strides = array<i32>} : memref<2x48x128xf32, #tpu.memory_space<vmem>>, vector<16xf32>,
      %add3A_204 = arith.addf %get3A_198, %get3A_203 : vector<16xf32>
      %max3A_205 = arith.constant 0.000000e+00 : f32
      %max3A_206 = vector.broadcast %max3A_205 : f32 to vector<16xf32>
      %max3A_207 = arith.maximumf %add3A_204, %max3A_206 : vector<16xf32>
      %swap3A_208 = arith.constant 0 : i32
      %swap3A_209 = arith.index_cast %swap3A_208 : i32 to index
      %swap3A_210 = arith.index_cast %scan3A_156 : i32 to index
      %swap3A_211 = arith.constant 32 : index
      %swap3A_212 = tpu.vector_load %arg13[%swap3A_209, %swap3A_210, %swap3A_211] {strides = array<i32>} : memref<2x48x128xf32, #tpu.memory_space<vmem>>, vector<16xf32>,
      tpu.vector_store %arg13[%swap3A_209, %swap3A_210, %swap3A_211], %max3A_207 {strides = array<i32>} : memref<2x48x128xf32, #tpu.memory_space<vmem>>, vector<16xf32>,
      %get3A_213 = arith.constant 0 : i32
      %get3A_214 = arith.index_cast %get3A_213 : i32 to index
      %get3A_215 = arith.index_cast %scan3A_156 : i32 to index
      %get3A_216 = arith.constant 48 : index
      %get3A_217 = tpu.vector_load %arg13[%get3A_214, %get3A_215, %get3A_216] {strides = array<i32>} : memref<2x48x128xf32, #tpu.memory_space<vmem>>, vector<16xf32>,
      %get3A_218 = arith.constant 0 : i32
      %get3A_219 = arith.index_cast %get3A_218 : i32 to index
      %get3A_220 = arith.index_cast %scan3A_156 : i32 to index
      %get3A_221 = arith.constant 48 : index
      %get3A_222 = tpu.vector_load %arg14[%get3A_219, %get3A_220, %get3A_221] {strides = array<i32>} : memref<2x48x128xf32, #tpu.memory_space<vmem>>, vector<16xf32>,
      %add3A_223 = arith.addf %get3A_217, %get3A_222 : vector<16xf32>
      %max3A_224 = arith.constant 0.000000e+00 : f32
      %max3A_225 = vector.broadcast %max3A_224 : f32 to vector<16xf32>
      %max3A_226 = arith.maximumf %add3A_223, %max3A_225 : vector<16xf32>
      %swap3A_227 = arith.constant 0 : i32
      %swap3A_228 = arith.index_cast %swap3A_227 : i32 to index
      %swap3A_229 = arith.index_cast %scan3A_156 : i32 to index
      %swap3A_230 = arith.constant 48 : index
      %swap3A_231 = tpu.vector_load %arg13[%swap3A_228, %swap3A_229, %swap3A_230] {strides = array<i32>} : memref<2x48x128xf32, #tpu.memory_space<vmem>>, vector<16xf32>,
      tpu.vector_store %arg13[%swap3A_228, %swap3A_229, %swap3A_230], %max3A_226 {strides = array<i32>} : memref<2x48x128xf32, #tpu.memory_space<vmem>>, vector<16xf32>,
      %get3A_232 = arith.constant 0 : i32
      %get3A_233 = arith.index_cast %get3A_232 : i32 to index
      %get3A_234 = arith.index_cast %scan3A_156 : i32 to index
      %get3A_235 = arith.constant 64 : index
      %get3A_236 = tpu.vector_load %arg13[%get3A_233, %get3A_234, %get3A_235] {strides = array<i32>} : memref<2x48x128xf32, #tpu.memory_space<vmem>>, vector<16xf32>,
      %get3A_237 = arith.constant 0 : i32
      %get3A_238 = arith.index_cast %get3A_237 : i32 to index
      %get3A_239 = arith.index_cast %scan3A_156 : i32 to index
      %get3A_240 = arith.constant 64 : index
      %get3A_241 = tpu.vector_load %arg14[%get3A_238, %get3A_239, %get3A_240] {strides = array<i32>} : memref<2x48x128xf32, #tpu.memory_space<vmem>>, vector<16xf32>,
      %add3A_242 = arith.addf %get3A_236, %get3A_241 : vector<16xf32>
      %max3A_243 = arith.constant 0.000000e+00 : f32
      %max3A_244 = vector.broadcast %max3A_243 : f32 to vector<16xf32>
      %max3A_245 = arith.maximumf %add3A_242, %max3A_244 : vector<16xf32>
      %swap3A_246 = arith.constant 0 : i32
      %swap3A_247 = arith.index_cast %swap3A_246 : i32 to index
      %swap3A_248 = arith.index_cast %scan3A_156 : i32 to index
      %swap3A_249 = arith.constant 64 : index
      %swap3A_250 = tpu.vector_load %arg13[%swap3A_247, %swap3A_248, %swap3A_249] {strides = array<i32>} : memref<2x48x128xf32, #tpu.memory_space<vmem>>, vector<16xf32>,
      tpu.vector_store %arg13[%swap3A_247, %swap3A_248, %swap3A_249], %max3A_245 {strides = array<i32>} : memref<2x48x128xf32, #tpu.memory_space<vmem>>, vector<16xf32>,
      %get3A_251 = arith.constant 0 : i32
      %get3A_252 = arith.index_cast %get3A_251 : i32 to index
      %get3A_253 = arith.index_cast %scan3A_156 : i32 to index
      %get3A_254 = arith.constant 80 : index
      %get3A_255 = tpu.vector_load %arg13[%get3A_252, %get3A_253, %get3A_254] {strides = array<i32>} : memref<2x48x128xf32, #tpu.memory_space<vmem>>, vector<16xf32>,
      %get3A_256 = arith.constant 0 : i32
      %get3A_257 = arith.index_cast %get3A_256 : i32 to index
      %get3A_258 = arith.index_cast %scan3A_156 : i32 to index
      %get3A_259 = arith.constant 80 : index
      %get3A_260 = tpu.vector_load %arg14[%get3A_257, %get3A_258, %get3A_259] {strides = array<i32>} : memref<2x48x128xf32, #tpu.memory_space<vmem>>, vector<16xf32>,
      %add3A_261 = arith.addf %get3A_255, %get3A_260 : vector<16xf32>
      %max3A_262 = arith.constant 0.000000e+00 : f32
      %max3A_263 = vector.broadcast %max3A_262 : f32 to vector<16xf32>
      %max3A_264 = arith.maximumf %add3A_261, %max3A_263 : vector<16xf32>
      %swap3A_265 = arith.constant 0 : i32
      %swap3A_266 = arith.index_cast %swap3A_265 : i32 to index
      %swap3A_267 = arith.index_cast %scan3A_156 : i32 to index
      %swap3A_268 = arith.constant 80 : index
      %swap3A_269 = tpu.vector_load %arg13[%swap3A_266, %swap3A_267, %swap3A_268] {strides = array<i32>} : memref<2x48x128xf32, #tpu.memory_space<vmem>>, vector<16xf32>,
      tpu.vector_store %arg13[%swap3A_266, %swap3A_267, %swap3A_268], %max3A_264 {strides = array<i32>} : memref<2x48x128xf32, #tpu.memory_space<vmem>>, vector<16xf32>,
      %get3A_270 = arith.constant 0 : i32
      %get3A_271 = arith.index_cast %get3A_270 : i32 to index
      %get3A_272 = arith.index_cast %scan3A_156 : i32 to index
      %get3A_273 = arith.constant 96 : index
      %get3A_274 = tpu.vector_load %arg13[%get3A_271, %get3A_272, %get3A_273] {strides = array<i32>} : memref<2x48x128xf32, #tpu.memory_space<vmem>>, vector<16xf32>,
      %get3A_275 = arith.constant 0 : i32
      %get3A_276 = arith.index_cast %get3A_275 : i32 to index
      %get3A_277 = arith.index_cast %scan3A_156 : i32 to index
      %get3A_278 = arith.constant 96 : index
      %get3A_279 = tpu.vector_load %arg14[%get3A_276, %get3A_277, %get3A_278] {strides = array<i32>} : memref<2x48x128xf32, #tpu.memory_space<vmem>>, vector<16xf32>,
      %add3A_280 = arith.addf %get3A_274, %get3A_279 : vector<16xf32>
      %max3A_281 = arith.constant 0.000000e+00 : f32
      %max3A_282 = vector.broadcast %max3A_281 : f32 to vector<16xf32>
      %max3A_283 = arith.maximumf %add3A_280, %max3A_282 : vector<16xf32>
      %swap3A_284 = arith.constant 0 : i32
      %swap3A_285 = arith.index_cast %swap3A_284 : i32 to index
      %swap3A_286 = arith.index_cast %scan3A_156 : i32 to index
      %swap3A_287 = arith.constant 96 : index
      %swap3A_288 = tpu.vector_load %arg13[%swap3A_285, %swap3A_286, %swap3A_287] {strides = array<i32>} : memref<2x48x128xf32, #tpu.memory_space<vmem>>, vector<16xf32>,
      tpu.vector_store %arg13[%swap3A_285, %swap3A_286, %swap3A_287], %max3A_283 {strides = array<i32>} : memref<2x48x128xf32, #tpu.memory_space<vmem>>, vector<16xf32>,
      %get3A_289 = arith.constant 0 : i32
      %get3A_290 = arith.index_cast %get3A_289 : i32 to index
      %get3A_291 = arith.index_cast %scan3A_156 : i32 to index
      %get3A_292 = arith.constant 112 : index
      %get3A_293 = tpu.vector_load %arg13[%get3A_290, %get3A_291, %get3A_292] {strides = array<i32>} : memref<2x48x128xf32, #tpu.memory_space<vmem>>, vector<16xf32>,
      %get3A_294 = arith.constant 0 : i32
      %get3A_295 = arith.index_cast %get3A_294 : i32 to index
      %get3A_296 = arith.index_cast %scan3A_156 : i32 to index
      %get3A_297 = arith.constant 112 : index
      %get3A_298 = tpu.vector_load %arg14[%get3A_295, %get3A_296, %get3A_297] {strides = array<i32>} : memref<2x48x128xf32, #tpu.memory_space<vmem>>, vector<16xf32>,
      %add3A_299 = arith.addf %get3A_293, %get3A_298 : vector<16xf32>
      %max3A_300 = arith.constant 0.000000e+00 : f32
      %max3A_301 = vector.broadcast %max3A_300 : f32 to vector<16xf32>
      %max3A_302 = arith.maximumf %add3A_299, %max3A_301 : vector<16xf32>
      %swap3A_303 = arith.constant 0 : i32
      %swap3A_304 = arith.index_cast %swap3A_303 : i32 to index
      %swap3A_305 = arith.index_cast %scan3A_156 : i32 to index
      %swap3A_306 = arith.constant 112 : index
      %swap3A_307 = tpu.vector_load %arg13[%swap3A_304, %swap3A_305, %swap3A_306] {strides = array<i32>} : memref<2x48x128xf32, #tpu.memory_space<vmem>>, vector<16xf32>,
      tpu.vector_store %arg13[%swap3A_304, %swap3A_305, %swap3A_306], %max3A_302 {strides = array<i32>} : memref<2x48x128xf32, #tpu.memory_space<vmem>>, vector<16xf32>,
    }
    %scan3A_141 = arith.constant 16 : i32
    %run_scoped3A_142 = arith.constant 0 : i32
    "tpu.region"() ({
      %run_scoped3A_156 = tpu.sem_alloc : memref<!tpu.dma_semaphore, #tpu.memory_space<semaphore_mem>>
      %dma_start3A_157 = arith.constant 0 : i32
      %dma_start3A_158 = arith.constant 0 : i32
      %dma_start3A_159 = tpu.memref_slice %arg13[%run_scoped3A_142, %dma_start3A_157, %dma_start3A_158] : memref<2x48x128xf32, #tpu.memory_space<vmem>> -> memref<1x16x128xf32, #tpu.memory_space<vmem>>
      %dma_start3A_160 = tpu.memref_squeeze %dma_start3A_159 : memref<1x16x128xf32, #tpu.memory_space<vmem>> -> memref<16x128xf32, #tpu.memory_space<vmem>>
      %dma_start3A_161 = arith.constant 0 : i32
      %dma_start3A_162 = arith.constant 0 : i32
      %dma_start3A_163 = tpu.memref_slice %arg16[%dma_start3A_161, %dma_start3A_162] : memref<10000x128xf32, #tpu.memory_space<vmem_shared>> -> memref<10000x128xf32, #tpu.memory_space<vmem_shared>>
      tpu.enqueue_indirect_dma source(%dma_start3A_160 : memref<16x128xf32, #tpu.memory_space<vmem>>) target(%dma_start3A_163 : memref<10000x128xf32, #tpu.memory_space<vmem_shared>>) offsets(%arg12 : memref<16xi32, #tpu.memory_space<vmem>>) semaphore(%run_scoped3A_156 : memref<!tpu.dma_semaphore, #tpu.memory_space<semaphore_mem>>) {add = true}
      %dma_wait3A_164 = arith.constant 0 : i32
      %dma_wait3A_165 = arith.constant 0 : i32
      %dma_wait3A_166 = tpu.memref_slice %arg13[%run_scoped3A_142, %dma_wait3A_164, %dma_wait3A_165] : memref<2x48x128xf32, #tpu.memory_space<vmem>> -> memref<1x16x128xf32, #tpu.memory_space<vmem>>
      %dma_wait3A_167 = tpu.memref_squeeze %dma_wait3A_166 : memref<1x16x128xf32, #tpu.memory_space<vmem>> -> memref<16x128xf32, #tpu.memory_space<vmem>>
      %dma_wait3A_168 = arith.constant 0 : i32
      %dma_wait3A_169 = arith.constant 0 : i32
      %dma_wait3A_170 = tpu.memref_slice %arg16[%dma_wait3A_168, %dma_wait3A_169] : memref<10000x128xf32, #tpu.memory_space<vmem_shared>> -> memref<10000x128xf32, #tpu.memory_space<vmem_shared>>
      tpu.wait_indirect_dma semaphore(%run_scoped3A_156 : memref<!tpu.dma_semaphore, #tpu.memory_space<semaphore_mem>>) src(%dma_wait3A_167 : memref<16x128xf32, #tpu.memory_space<vmem>>) dst(%dma_wait3A_170 : memref<10000x128xf32, #tpu.memory_space<vmem_shared>>)
      tpu.yield
    }) : () -> ()
    %get3A = arith.constant 0 : index
    %get3A_143 = tpu.vector_load %arg12[%get3A] {strides = array<i32>} : memref<16xi32, #tpu.memory_space<vmem>>, vector<16xi32>,
    tpu.vector_store_idx %arg15[%get3A_143], %broadcast_in_dim3A_18 {add = true} : memref<10000xf32, #tpu.memory_space<vmem>>[vector<16xi32>], vector<16xf32>,
    %barrier3A_144 = arith.constant 0 : index
    tpu.barrier barrier_id(%barrier3A_144)
    %mul3A_145 = arith.constant 624 : i32
    %mul3A_146 = arith.muli %arg1, %mul3A_145 : i32
    %mul3A_147 = arith.constant 624 : i32
    %mul3A_148 = arith.muli %arg1, %mul3A_147 : i32
    "tpu.region"() ({
      %run_scoped3A_156 = tpu.sem_alloc : memref<!tpu.dma_semaphore, #tpu.memory_space<semaphore_mem>>
      %dma_start3A_157 = arith.constant 0 : i32
      %dma_start3A_158 = tpu.memref_slice %arg7[%arg0, %mul3A_148, %dma_start3A_157] : memref<2x10000x128xf32, #tpu.memory_space<hbm>> -> memref<1x624x128xf32, #tpu.memory_space<hbm>>
      %dma_start3A_159 = tpu.memref_squeeze %dma_start3A_158 : memref<1x624x128xf32, #tpu.memory_space<hbm>> -> memref<624x128xf32, #tpu.memory_space<hbm>>
      %dma_start3A_160 = arith.constant 0 : i32
      %dma_start3A_161 = tpu.memref_slice %arg16[%mul3A_146, %dma_start3A_160] : memref<10000x128xf32, #tpu.memory_space<vmem_shared>> -> memref<624x128xf32, #tpu.memory_space<vmem_shared>>
      tpu.enqueue_dma source(%dma_start3A_161 : memref<624x128xf32, #tpu.memory_space<vmem_shared>>) target(%dma_start3A_159 : memref<624x128xf32, #tpu.memory_space<hbm>>) target_semaphore(%run_scoped3A_156 : memref<!tpu.dma_semaphore, #tpu.memory_space<semaphore_mem>>)
      %dma_wait3A_162 = arith.constant 0 : i32
      %dma_wait3A_163 = tpu.memref_slice %arg7[%arg0, %mul3A_148, %dma_wait3A_162] : memref<2x10000x128xf32, #tpu.memory_space<hbm>> -> memref<1x624x128xf32, #tpu.memory_space<hbm>>
      %dma_wait3A_164 = tpu.memref_squeeze %dma_wait3A_163 : memref<1x624x128xf32, #tpu.memory_space<hbm>> -> memref<624x128xf32, #tpu.memory_space<hbm>>
      %dma_wait3A_165 = arith.constant 0 : i32
      %dma_wait3A_166 = tpu.memref_slice %arg16[%mul3A_146, %dma_wait3A_165] : memref<10000x128xf32, #tpu.memory_space<vmem_shared>> -> memref<624x128xf32, #tpu.memory_space<vmem_shared>>
      tpu.wait_dma2 semaphore(%run_scoped3A_156 : memref<!tpu.dma_semaphore, #tpu.memory_space<semaphore_mem>>) src(%dma_wait3A_166 : memref<624x128xf32, #tpu.memory_space<vmem_shared>>) dst(%dma_wait3A_164 : memref<624x128xf32, #tpu.memory_space<hbm>>)
      tpu.yield
    }) : () -> ()
    %eq3A_149 = arith.constant 15 : i32
    %eq3A_150 = arith.cmpi eq, %arg1, %eq3A_149 : i32
    %convert_element_type3A_151 = arith.extui %eq3A_150 : i1 to i32
    %cond3A_152 = arith.constant 0 : i32
    %cond3A_153 = arith.cmpi ne, %convert_element_type3A_151, %cond3A_152 : i32
    scf.if %cond3A_153 {
      "tpu.region"() ({
        %run_scoped3A_156 = tpu.sem_alloc : memref<!tpu.dma_semaphore, #tpu.memory_space<semaphore_mem>>
        %dma_start3A_157 = arith.constant 9984 : i32
        %dma_start3A_158 = arith.constant 0 : i32
        %dma_start3A_159 = tpu.memref_slice %arg7[%arg0, %dma_start3A_157, %dma_start3A_158] : memref<2x10000x128xf32, #tpu.memory_space<hbm>> -> memref<1x16x128xf32, #tpu.memory_space<hbm>>
        %dma_start3A_160 = tpu.memref_squeeze %dma_start3A_159 : memref<1x16x128xf32, #tpu.memory_space<hbm>> -> memref<16x128xf32, #tpu.memory_space<hbm>>
        %dma_start3A_161 = arith.constant 9984 : i32
        %dma_start3A_162 = arith.constant 0 : i32
        %dma_start3A_163 = tpu.memref_slice %arg16[%dma_start3A_161, %dma_start3A_162] : memref<10000x128xf32, #tpu.memory_space<vmem_shared>> -> memref<16x128xf32, #tpu.memory_space<vmem_shared>>
        tpu.enqueue_dma source(%dma_start3A_163 : memref<16x128xf32, #tpu.memory_space<vmem_shared>>) target(%dma_start3A_160 : memref<16x128xf32, #tpu.memory_space<hbm>>) target_semaphore(%run_scoped3A_156 : memref<!tpu.dma_semaphore, #tpu.memory_space<semaphore_mem>>)
        %dma_wait3A_164 = arith.constant 9984 : i32
        %dma_wait3A_165 = arith.constant 0 : i32
        %dma_wait3A_166 = tpu.memref_slice %arg7[%arg0, %dma_wait3A_164, %dma_wait3A_165] : memref<2x10000x128xf32, #tpu.memory_space<hbm>> -> memref<1x16x128xf32, #tpu.memory_space<hbm>>
        %dma_wait3A_167 = tpu.memref_squeeze %dma_wait3A_166 : memref<1x16x128xf32, #tpu.memory_space<hbm>> -> memref<16x128xf32, #tpu.memory_space<hbm>>
        %dma_wait3A_168 = arith.constant 9984 : i32
        %dma_wait3A_169 = arith.constant 0 : i32
        %dma_wait3A_170 = tpu.memref_slice %arg16[%dma_wait3A_168, %dma_wait3A_169] : memref<10000x128xf32, #tpu.memory_space<vmem_shared>> -> memref<16x128xf32, #tpu.memory_space<vmem_shared>>
        tpu.wait_dma2 semaphore(%run_scoped3A_156 : memref<!tpu.dma_semaphore, #tpu.memory_space<semaphore_mem>>) src(%dma_wait3A_170 : memref<16x128xf32, #tpu.memory_space<vmem_shared>>) dst(%dma_wait3A_167 : memref<16x128xf32, #tpu.memory_space<hbm>>)
        tpu.yield
      }) : () -> ()
    } else {
    }
    %mul3A_154 = arith.constant 10000 : i32
    %mul3A_155 = arith.muli %add3A, %mul3A_154 : i32
    "tpu.region"() ({
      %run_scoped3A_156 = tpu.sem_alloc : memref<!tpu.dma_semaphore, #tpu.memory_space<semaphore_mem>>
      %dma_start3A_157 = tpu.memref_slice %arg8[%mul3A_155] : memref<320000xf32, #tpu.memory_space<hbm>> -> memref<10000xf32, #tpu.memory_space<hbm>>
      %dma_start3A_158 = tpu.memref_slice %arg8[%mul3A_155] : memref<320000xf32, #tpu.memory_space<hbm>> -> memref<10000xf32, #tpu.memory_space<hbm>>
      tpu.enqueue_dma source(%arg15 : memref<10000xf32, #tpu.memory_space<vmem>>) target(%dma_start3A_158 : memref<10000xf32, #tpu.memory_space<hbm>>) target_semaphore(%run_scoped3A_156 : memref<!tpu.dma_semaphore, #tpu.memory_space<semaphore_mem>>)
      %dma_wait3A_159 = tpu.memref_slice %arg8[%mul3A_155] : memref<320000xf32, #tpu.memory_space<hbm>> -> memref<10000xf32, #tpu.memory_space<hbm>>
      %dma_wait3A_160 = tpu.memref_slice %arg8[%mul3A_155] : memref<320000xf32, #tpu.memory_space<hbm>> -> memref<10000xf32, #tpu.memory_space<hbm>>
      tpu.wait_dma2 semaphore(%run_scoped3A_156 : memref<!tpu.dma_semaphore, #tpu.memory_space<semaphore_mem>>) src(%arg15 : memref<10000xf32, #tpu.memory_space<vmem>>) dst(%dma_wait3A_160 : memref<10000xf32, #tpu.memory_space<hbm>>)
      tpu.yield
    }) : () -> ()
    return
  }
}

module attributes {stable_mosaic.version = 14 : i64} {
  func.func @_efw_body(%arg0: i32, %arg1: memref<16x16000xf32, #tpu.memory_space<vmem>>, %arg2: memref<16x128xf32, #tpu.memory_space<vmem>>, %arg3: memref<16000x128xf32, #tpu.memory_space<vmem>>) attributes {dimension_semantics = [#tpu.dimension_semantics<arbitrary>], iteration_bounds = array<i64: 20>, scalar_prefetch = 0 : i64, scratch_operands = 0 : i64, tpu.core_type = #tpu.core_type<tc>, window_params = [{transform_indices = @transform_0, window_bounds = array<i64: 16, 16000>}, {pipeline_mode = #tpu.pipeline_mode<synchronous>, transform_indices = @transform_1, window_bounds = array<i64: 16, 128>}, {transform_indices = @transform_2, window_bounds = array<i64: 16000, 128>}]} {
    %get3A = arith.constant 0 : index
    %get3A_0 = arith.constant 0 : index
    %get3A_1 = vector.load %arg1[%get3A, %get3A_0] : memref<16x16000xf32, #tpu.memory_space<vmem>>, vector<16x16000xf32>
    %get3A_2 = arith.constant 0 : index
    %get3A_3 = arith.constant 0 : index
    %get3A_4 = vector.load %arg2[%get3A_2, %get3A_3] : memref<16x128xf32, #tpu.memory_space<vmem>>, vector<16x128xf32>
    %dot_general3A = arith.constant dense<0.000000e+00> : vector<16000x128xf32>
    %dot_general3A_5 = tpu.matmul %get3A_1, %get3A_4, %dot_general3A {dimension_numbers = #tpu.dot_dimension_numbers<[0], [0], [1], [1], [0, 1, 1, 1], [], []>, transpose_lhs_hint = false} : vector<16x16000xf32>, vector<16x128xf32>, vector<16000x128xf32> -> vector<16000x128xf32>
    %swap3A = arith.constant 0 : index
    %swap3A_6 = arith.constant 0 : index
    %swap3A_7 = vector.load %arg3[%swap3A, %swap3A_6] : memref<16000x128xf32, #tpu.memory_space<vmem>>, vector<16000x128xf32>
    tpu.vector_store %arg3[%swap3A, %swap3A_6], %dot_general3A_5 {strides = array<i32>} : memref<16000x128xf32, #tpu.memory_space<vmem>>, vector<16000x128xf32>,
    return
  }
  func.func @transform_0(%arg0: i32) -> (i32, i32) {
    %c0_i32 = arith.constant 0 : i32
    %c0_i32_0 = arith.constant 0 : i32
    return %c0_i32, %arg0 : i32, i32
  }
  func.func @transform_1(%arg0: i32) -> (i32, i32) {
    %c0_i32 = arith.constant 0 : i32
    %c0_i32_0 = arith.constant 0 : i32
    %c0_i32_1 = arith.constant 0 : i32
    return %c0_i32, %c0_i32_0 : i32, i32
  }
  func.func @transform_2(%arg0: i32) -> (i32, i32) {
    %c0_i32 = arith.constant 0 : i32
    %c0_i32_0 = arith.constant 0 : i32
    return %arg0, %c0_i32 : i32, i32
  }
}

module attributes {stable_mosaic.version = 14 : i64} {
  func.func @_xw1_body(%arg0: i32, %arg1: memref<2000x128xf32, #tpu.memory_space<vmem>>, %arg2: memref<128x128xf32, #tpu.memory_space<vmem>>, %arg3: memref<1x128xf32, #tpu.memory_space<vmem>>, %arg4: memref<2000x128xf32, #tpu.memory_space<vmem>>) attributes {dimension_semantics = [#tpu.dimension_semantics<arbitrary>], iteration_bounds = array<i64: 5>, scalar_prefetch = 0 : i64, scratch_operands = 0 : i64, tpu.core_type = #tpu.core_type<tc>, window_params = [{transform_indices = @transform_0, window_bounds = array<i64: 2000, 128>}, {pipeline_mode = #tpu.pipeline_mode<synchronous>, transform_indices = @transform_1, window_bounds = array<i64: 128, 128>}, {pipeline_mode = #tpu.pipeline_mode<synchronous>, transform_indices = @transform_2, window_bounds = array<i64: 1, 128>}, {transform_indices = @transform_3, window_bounds = array<i64: 2000, 128>}]} {
    %get3A = arith.constant 0 : index
    %get3A_0 = arith.constant 0 : index
    %get3A_1 = vector.load %arg1[%get3A, %get3A_0] : memref<2000x128xf32, #tpu.memory_space<vmem>>, vector<2000x128xf32>
    %get3A_2 = arith.constant 0 : index
    %get3A_3 = arith.constant 0 : index
    %get3A_4 = vector.load %arg2[%get3A_2, %get3A_3] : memref<128x128xf32, #tpu.memory_space<vmem>>, vector<128x128xf32>
    %dot_general3A = arith.constant dense<0.000000e+00> : vector<2000x128xf32>
    %dot_general3A_5 = tpu.matmul %get3A_1, %get3A_4, %dot_general3A {dimension_numbers = #tpu.dot_dimension_numbers<[1], [0], [0], [1], [0, 0, 1, 1], [], []>, transpose_lhs_hint = false} : vector<2000x128xf32>, vector<128x128xf32>, vector<2000x128xf32> -> vector<2000x128xf32>
    %get3A_6 = arith.constant 0 : index
    %get3A_7 = arith.constant 0 : index
    %get3A_8 = vector.load %arg3[%get3A_6, %get3A_7] : memref<1x128xf32, #tpu.memory_space<vmem>>, vector<1x128xf32>
    %add3A = vector.broadcast %get3A_8 : vector<1x128xf32> to vector<2000x128xf32>
    %add3A_9 = arith.addf %dot_general3A_5, %add3A : vector<2000x128xf32>
    %swap3A = arith.constant 0 : index
    %swap3A_10 = arith.constant 0 : index
    %swap3A_11 = vector.load %arg4[%swap3A, %swap3A_10] : memref<2000x128xf32, #tpu.memory_space<vmem>>, vector<2000x128xf32>
    tpu.vector_store %arg4[%swap3A, %swap3A_10], %add3A_9 {strides = array<i32>} : memref<2000x128xf32, #tpu.memory_space<vmem>>, vector<2000x128xf32>,
    return
  }
  func.func @transform_0(%arg0: i32) -> (i32, i32) {
    %c0_i32 = arith.constant 0 : i32
    %c0_i32_0 = arith.constant 0 : i32
    return %arg0, %c0_i32 : i32, i32
  }
  func.func @transform_1(%arg0: i32) -> (i32, i32) {
    %c0_i32 = arith.constant 0 : i32
    %c0_i32_0 = arith.constant 0 : i32
    %c0_i32_1 = arith.constant 0 : i32
    return %c0_i32, %c0_i32_0 : i32, i32
  }
  func.func @transform_2(%arg0: i32) -> (i32, i32) {
    %c0_i32 = arith.constant 0 : i32
    %c0_i32_0 = arith.constant 0 : i32
    %c0_i32_1 = arith.constant 0 : i32
    return %c0_i32, %c0_i32_0 : i32, i32
  }
  func.func @transform_3(%arg0: i32) -> (i32, i32) {
    %c0_i32 = arith.constant 0 : i32
    %c0_i32_0 = arith.constant 0 : i32
    return %arg0, %c0_i32 : i32, i32
  }
}

module attributes {stable_mosaic.version = 14 : i64} {
  func.func @_final_body(%arg0: i32, %arg1: memref<2000x128xf32, #tpu.memory_space<vmem>>, %arg2: memref<2x2000x128xf32, #tpu.memory_space<vmem>>, %arg3: memref<2000x32xf32, #tpu.memory_space<vmem>>, %arg4: memref<128x128xf32, #tpu.memory_space<vmem>>, %arg5: memref<1x128xf32, #tpu.memory_space<vmem>>, %arg6: memref<128x128xf32, #tpu.memory_space<vmem>>, %arg7: memref<128x128xf32, #tpu.memory_space<vmem>>, %arg8: memref<1x128xf32, #tpu.memory_space<vmem>>, %arg9: memref<1x128xf32, #tpu.memory_space<vmem>>, %arg10: memref<1x128xf32, #tpu.memory_space<vmem>>, %arg11: memref<2000x128xf32, #tpu.memory_space<vmem>>) attributes {dimension_semantics = [#tpu.dimension_semantics<arbitrary>], iteration_bounds = array<i64: 5>, scalar_prefetch = 0 : i64, scratch_operands = 0 : i64, tpu.core_type = #tpu.core_type<tc>, window_params = [{transform_indices = @transform_0, window_bounds = array<i64: 2000, 128>}, {transform_indices = @transform_1, window_bounds = array<i64: 2, 2000, 128>}, {transform_indices = @transform_2, window_bounds = array<i64: 2000, 32>}, {pipeline_mode = #tpu.pipeline_mode<synchronous>, transform_indices = @transform_3, window_bounds = array<i64: 128, 128>}, {pipeline_mode = #tpu.pipeline_mode<synchronous>, transform_indices = @transform_4, window_bounds = array<i64: 1, 128>}, {pipeline_mode = #tpu.pipeline_mode<synchronous>, transform_indices = @transform_5, window_bounds = array<i64: 128, 128>}, {pipeline_mode = #tpu.pipeline_mode<synchronous>, transform_indices = @transform_6, window_bounds = array<i64: 128, 128>}, {pipeline_mode = #tpu.pipeline_mode<synchronous>, transform_indices = @transform_7, window_bounds = array<i64: 1, 128>}, {pipeline_mode = #tpu.pipeline_mode<synchronous>, transform_indices = @transform_8, window_bounds = array<i64: 1, 128>}, {pipeline_mode = #tpu.pipeline_mode<synchronous>, transform_indices = @transform_9, window_bounds = array<i64: 1, 128>}, {transform_indices = @transform_10, window_bounds = array<i64: 2000, 128>}]} {
    %get3A = arith.constant 0 : index
    %get3A_0 = arith.constant 0 : index
    %get3A_1 = arith.constant 0 : index
    %get3A_2 = vector.load %arg2[%get3A, %get3A_0, %get3A_1] : memref<2x2000x128xf32, #tpu.memory_space<vmem>>, vector<1x2000x128xf32>
    %get3A_3 = vector.shape_cast %get3A_2 : vector<1x2000x128xf32> to vector<2000x128xf32>
    %get3A_4 = arith.constant 1 : index
    %get3A_5 = arith.constant 0 : index
    %get3A_6 = arith.constant 0 : index
    %get3A_7 = vector.load %arg2[%get3A_4, %get3A_5, %get3A_6] : memref<2x2000x128xf32, #tpu.memory_space<vmem>>, vector<1x2000x128xf32>
    %get3A_8 = vector.shape_cast %get3A_7 : vector<1x2000x128xf32> to vector<2000x128xf32>
    %add3A = arith.addf %get3A_3, %get3A_8 : vector<2000x128xf32>
    %get3A_9 = arith.constant 0 : index
    %get3A_10 = arith.constant 0 : index
    %get3A_11 = vector.load %arg3[%get3A_9, %get3A_10] : memref<2000x32xf32, #tpu.memory_space<vmem>>, vector<2000x32xf32>
    %reduce_sum3A = arith.constant dense<0.000000e+00> : vector<2000xf32>
    %reduce_sum3A_12 = vector.multi_reduction <add>, %get3A_11, %reduce_sum3A [1] : vector<2000x32xf32> to vector<2000xf32>
    %broadcast_in_dim3A = vector.shape_cast %reduce_sum3A_12 : vector<2000xf32> to vector<2000x1xf32>
    %get3A_13 = arith.constant 0 : index
    %get3A_14 = arith.constant 0 : index
    %get3A_15 = vector.load %arg4[%get3A_13, %get3A_14] : memref<128x128xf32, #tpu.memory_space<vmem>>, vector<128x128xf32>
    %dot_general3A = arith.constant dense<0.000000e+00> : vector<2000x128xf32>
    %dot_general3A_16 = tpu.matmul %add3A, %get3A_15, %dot_general3A {dimension_numbers = #tpu.dot_dimension_numbers<[1], [0], [0], [1], [0, 0, 1, 1], [], []>, transpose_lhs_hint = false} : vector<2000x128xf32>, vector<128x128xf32>, vector<2000x128xf32> -> vector<2000x128xf32>
    %get3A_17 = arith.constant 0 : index
    %get3A_18 = arith.constant 0 : index
    %get3A_19 = vector.load %arg5[%get3A_17, %get3A_18] : memref<1x128xf32, #tpu.memory_space<vmem>>, vector<1x128xf32>
    %mul3A = vector.broadcast %broadcast_in_dim3A : vector<2000x1xf32> to vector<2000x128xf32>
    %mul3A_20 = vector.broadcast %get3A_19 : vector<1x128xf32> to vector<2000x128xf32>
    %mul3A_21 = arith.mulf %mul3A, %mul3A_20 : vector<2000x128xf32>
    %add3A_22 = arith.addf %dot_general3A_16, %mul3A_21 : vector<2000x128xf32>
    %add3A_23 = arith.constant 9.99999993E-9 : f32
    %add3A_24 = vector.broadcast %add3A_23 : f32 to vector<2000x1xf32>
    %add3A_25 = arith.addf %broadcast_in_dim3A, %add3A_24 : vector<2000x1xf32>
    %div3A = vector.broadcast %add3A_25 : vector<2000x1xf32> to vector<2000x128xf32>
    %div3A_26 = arith.divf %add3A_22, %div3A : vector<2000x128xf32>
    %get3A_27 = arith.constant 0 : index
    %get3A_28 = arith.constant 0 : index
    %get3A_29 = vector.load %arg1[%get3A_27, %get3A_28] : memref<2000x128xf32, #tpu.memory_space<vmem>>, vector<2000x128xf32>
    %get3A_30 = arith.constant 0 : index
    %get3A_31 = arith.constant 0 : index
    %get3A_32 = vector.load %arg6[%get3A_30, %get3A_31] : memref<128x128xf32, #tpu.memory_space<vmem>>, vector<128x128xf32>
    %dot_general3A_33 = arith.constant dense<0.000000e+00> : vector<2000x128xf32>
    %dot_general3A_34 = tpu.matmul %get3A_29, %get3A_32, %dot_general3A_33 {dimension_numbers = #tpu.dot_dimension_numbers<[1], [0], [0], [1], [0, 0, 1, 1], [], []>, transpose_lhs_hint = false} : vector<2000x128xf32>, vector<128x128xf32>, vector<2000x128xf32> -> vector<2000x128xf32>
    %get3A_35 = arith.constant 0 : index
    %get3A_36 = arith.constant 0 : index
    %get3A_37 = vector.load %arg7[%get3A_35, %get3A_36] : memref<128x128xf32, #tpu.memory_space<vmem>>, vector<128x128xf32>
    %dot_general3A_38 = arith.constant dense<0.000000e+00> : vector<2000x128xf32>
    %dot_general3A_39 = tpu.matmul %div3A_26, %get3A_37, %dot_general3A_38 {dimension_numbers = #tpu.dot_dimension_numbers<[1], [0], [0], [1], [0, 0, 1, 1], [], []>, transpose_lhs_hint = false} : vector<2000x128xf32>, vector<128x128xf32>, vector<2000x128xf32> -> vector<2000x128xf32>
    %add3A_40 = arith.addf %dot_general3A_34, %dot_general3A_39 : vector<2000x128xf32>
    %get3A_41 = arith.constant 0 : index
    %get3A_42 = arith.constant 0 : index
    %get3A_43 = vector.load %arg8[%get3A_41, %get3A_42] : memref<1x128xf32, #tpu.memory_space<vmem>>, vector<1x128xf32>
    %add3A_44 = vector.broadcast %get3A_43 : vector<1x128xf32> to vector<2000x128xf32>
    %add3A_45 = arith.addf %add3A_40, %add3A_44 : vector<2000x128xf32>
    %max3A = arith.constant 0.000000e+00 : f32
    %max3A_46 = vector.broadcast %max3A : f32 to vector<2000x128xf32>
    %max3A_47 = arith.maximumf %add3A_45, %max3A_46 : vector<2000x128xf32>
    %get3A_48 = arith.constant 0 : index
    %get3A_49 = arith.constant 0 : index
    %get3A_50 = vector.load %arg1[%get3A_48, %get3A_49] : memref<2000x128xf32, #tpu.memory_space<vmem>>, vector<2000x128xf32>
    %add3A_51 = arith.addf %max3A_47, %get3A_50 : vector<2000x128xf32>
    %reduce_sum3A_52 = arith.constant dense<0.000000e+00> : vector<2000xf32>
    %reduce_sum3A_53 = vector.multi_reduction <add>, %add3A_51, %reduce_sum3A_52 [1] : vector<2000x128xf32> to vector<2000xf32>
    %broadcast_in_dim3A_54 = vector.shape_cast %reduce_sum3A_53 : vector<2000xf32> to vector<2000x1xf32>
    %div3A_55 = arith.constant 1.280000e+02 : f32
    %div3A_56 = vector.broadcast %div3A_55 : f32 to vector<2000x1xf32>
    %div3A_57 = arith.divf %broadcast_in_dim3A_54, %div3A_56 : vector<2000x1xf32>
    %sub3A = vector.broadcast %div3A_57 : vector<2000x1xf32> to vector<2000x128xf32>
    %sub3A_58 = arith.subf %add3A_51, %sub3A : vector<2000x128xf32>
    %square3A = arith.mulf %sub3A_58, %sub3A_58 : vector<2000x128xf32>
    %reduce_sum3A_59 = arith.constant dense<0.000000e+00> : vector<2000xf32>
    %reduce_sum3A_60 = vector.multi_reduction <add>, %square3A, %reduce_sum3A_59 [1] : vector<2000x128xf32> to vector<2000xf32>
    %broadcast_in_dim3A_61 = vector.shape_cast %reduce_sum3A_60 : vector<2000xf32> to vector<2000x1xf32>
    %div3A_62 = arith.constant 1.280000e+02 : f32
    %div3A_63 = vector.broadcast %div3A_62 : f32 to vector<2000x1xf32>
    %div3A_64 = arith.divf %broadcast_in_dim3A_61, %div3A_63 : vector<2000x1xf32>
    %sub3A_65 = vector.broadcast %div3A_57 : vector<2000x1xf32> to vector<2000x128xf32>
    %sub3A_66 = arith.subf %add3A_51, %sub3A_65 : vector<2000x128xf32>
    %add3A_67 = arith.constant 9.99999974E-6 : f32
    %add3A_68 = vector.broadcast %add3A_67 : f32 to vector<2000x1xf32>
    %add3A_69 = arith.addf %div3A_64, %add3A_68 : vector<2000x1xf32>
    %rsqrt3A = math.rsqrt %add3A_69 : vector<2000x1xf32>
    %mul3A_70 = vector.broadcast %rsqrt3A : vector<2000x1xf32> to vector<2000x128xf32>
    %mul3A_71 = arith.mulf %sub3A_66, %mul3A_70 : vector<2000x128xf32>
    %get3A_72 = arith.constant 0 : index
    %get3A_73 = arith.constant 0 : index
    %get3A_74 = vector.load %arg9[%get3A_72, %get3A_73] : memref<1x128xf32, #tpu.memory_space<vmem>>, vector<1x128xf32>
    %mul3A_75 = vector.broadcast %get3A_74 : vector<1x128xf32> to vector<2000x128xf32>
    %mul3A_76 = arith.mulf %mul3A_71, %mul3A_75 : vector<2000x128xf32>
    %get3A_77 = arith.constant 0 : index
    %get3A_78 = arith.constant 0 : index
    %get3A_79 = vector.load %arg10[%get3A_77, %get3A_78] : memref<1x128xf32, #tpu.memory_space<vmem>>, vector<1x128xf32>
    %add3A_80 = vector.broadcast %get3A_79 : vector<1x128xf32> to vector<2000x128xf32>
    %add3A_81 = arith.addf %mul3A_76, %add3A_80 : vector<2000x128xf32>
    %swap3A = arith.constant 0 : index
    %swap3A_82 = arith.constant 0 : index
    %swap3A_83 = vector.load %arg11[%swap3A, %swap3A_82] : memref<2000x128xf32, #tpu.memory_space<vmem>>, vector<2000x128xf32>
    tpu.vector_store %arg11[%swap3A, %swap3A_82], %add3A_81 {strides = array<i32>} : memref<2000x128xf32, #tpu.memory_space<vmem>>, vector<2000x128xf32>,
    return
  }
  func.func @transform_0(%arg0: i32) -> (i32, i32) {
    %c0_i32 = arith.constant 0 : i32
    %c0_i32_0 = arith.constant 0 : i32
    return %arg0, %c0_i32 : i32, i32
  }
  func.func @transform_1(%arg0: i32) -> (i32, i32, i32) {
    %c0_i32 = arith.constant 0 : i32
    %c0_i32_0 = arith.constant 0 : i32
    %c0_i32_1 = arith.constant 0 : i32
    return %c0_i32, %arg0, %c0_i32_0 : i32, i32, i32
  }
  func.func @transform_2(%arg0: i32) -> (i32, i32) {
    %c0_i32 = arith.constant 0 : i32
    %c0_i32_0 = arith.constant 0 : i32
    return %arg0, %c0_i32 : i32, i32
  }
  func.func @transform_3(%arg0: i32) -> (i32, i32) {
    %c0_i32 = arith.constant 0 : i32
    %c0_i32_0 = arith.constant 0 : i32
    %c0_i32_1 = arith.constant 0 : i32
    return %c0_i32, %c0_i32_0 : i32, i32
  }
  func.func @transform_4(%arg0: i32) -> (i32, i32) {
    %c0_i32 = arith.constant 0 : i32
    %c0_i32_0 = arith.constant 0 : i32
    %c0_i32_1 = arith.constant 0 : i32
    return %c0_i32, %c0_i32_0 : i32, i32
  }
  func.func @transform_5(%arg0: i32) -> (i32, i32) {
    %c0_i32 = arith.constant 0 : i32
    %c0_i32_0 = arith.constant 0 : i32
    %c0_i32_1 = arith.constant 0 : i32
    return %c0_i32, %c0_i32_0 : i32, i32
  }
  func.func @transform_6(%arg0: i32) -> (i32, i32) {
    %c0_i32 = arith.constant 0 : i32
    %c0_i32_0 = arith.constant 0 : i32
    %c0_i32_1 = arith.constant 0 : i32
    return %c0_i32, %c0_i32_0 : i32, i32
  }
  func.func @transform_7(%arg0: i32) -> (i32, i32) {
    %c0_i32 = arith.constant 0 : i32
    %c0_i32_0 = arith.constant 0 : i32
    %c0_i32_1 = arith.constant 0 : i32
    return %c0_i32, %c0_i32_0 : i32, i32
  }
  func.func @transform_8(%arg0: i32) -> (i32, i32) {
    %c0_i32 = arith.constant 0 : i32
    %c0_i32_0 = arith.constant 0 : i32
    %c0_i32_1 = arith.constant 0 : i32
    return %c0_i32, %c0_i32_0 : i32, i32
  }
  func.func @transform_9(%arg0: i32) -> (i32, i32) {
    %c0_i32 = arith.constant 0 : i32
    %c0_i32_0 = arith.constant 0 : i32
    %c0_i32_1 = arith.constant 0 : i32
    return %c0_i32, %c0_i32_0 : i32, i32
  }
  func.func @transform_10(%arg0: i32) -> (i32, i32) {
    %c0_i32 = arith.constant 0 : i32
    %c0_i32_0 = arith.constant 0 : i32
    return %arg0, %c0_i32 : i32, i32
  }
}

</mosaic_0001>

<sc_bundles>
// kernel: kernel.6.cloned.1.call-start
scs
__scs_entry_jumppad:
0x0: {  	(pc) =	sbr.rel $0x88, $3  }
0x1: {  	(tag) =	ssettag $0x0;
	lr =	simm.s32 $0x1  }
0x2: {  	[smem:$0x3F96] =	sst lr;
	_ =	strace $0xD0000000  }
0x3: {  	_ = 	snop  }
0x4: {  	_ = 	snop  }
0x5: {  	_ = 	snop  }
0x6: {  	_ = 	snop  }
0x7: {  	_ = 	snop  }
__scs_overlays_trampoline_lowered:
0x8: {  	[smem:$0x3FA5] =	sst s0  }
0x9: {  	[smem:$0x3FA6] =	sst s1  }
0xa: {  	[smem:$0x3FA7] =	sst s2  }
0xb: {  	[smem:$0x3FA8] =	sst s3  }
0xc: {  	[smem:$0x3FA9] =	sst s4  }
0xd: {  	[smem:$0x3FAA] =	sst s5  }
0xe: {  	[smem:$0x3FAB] =	sst s6  }
0xf: {  	[smem:$0x3FAC] =	sst s7  }
0x10: {  	[smem:$0x3FAD] =	sst s8  }
0x11: {  	[smem:$0x3FAE] =	sst s9;
	s0 =	simm.s32 @!p0 $0x0  }
0x12: {  	s1 =	sld [smem:$0x3F94];
	s0 =	simm.s32 @p0 $0x1  }
0x13: {  	[smem:$0x3FAF] =	sst s0;
	s0 =	simm.s32 @!p1 $0x0  }
0x14: {  	s2 =	sld [smem:$0x3F93];
	s0 =	simm.s32 @p1 $0x1  }
0x15: {  	[smem:$0x3FB0] =	sst s0;
	s0 =	simm.s32 @!p2 $0x0  }
0x16: {  	s3 =	sld [smem:$0x3FDB];
	s0 =	simm.s32 @p2 $0x1  }
0x17: {  	s4 =	simm.s32 $0x1BF5;
	[smem:$0x3FB2] =	sst s0  }
0x18: {  	s0 =	sld [smem:$0x3F95];
	_ =	swait.ge [sflag:s4], $0x0  }
0x19: {  	s7 =	sld [smem:$0x3F96]  }
0x1a: {  	s8 =	sadd.s32 $0xFFFFE003, lr  }
0x1b: {  	s9 =	sadd.s32 $0xFFFFFEF7, lr;
	s5 =	simm.s32 $0xFFFFFFFF;
	p2 =	slt.u32 s8, $0xFFFFF086  }
0x1c: {  	p1 =	slt.u32 s9, $0xF7A;
	s5 =	simm.s32 @!p2 $0x0  }
0x1d: {  	s5 =	simm.s32 @p1 $0x1;
	p0 =	seq.s32 s7, s2  }
0x1e: {  	s7 =	smul.u32 @!p0 $0xF7A, s2;
	p2 =	seq.s32 @!p0 s5, $0x0  }
0x1f: {  	s9 =	smul.u32 $0xF7A, s1;
	s8 =	simm.s32 @!p0 $0x1BF5;
	p2 =	por !p2, p0  }
0x20: {  	[sflag:s8] =	ssyncset.s32 @!p0 $0xFFFFF086;
	s6 =	sadd.s32 @!p0 s3, s7;
	s7 =	simm.s32 @!p0 $0x108  }
0x21: {  	s3 =	sadd.s32 s3, s9;
	s6 =	sadd.s32 @!p0 $0x88, s6;
	s7 =	simm.s32 @p2 $0x1082  }
0x22: {  	[simem:s7], [sflag:s8] =	dma.local @!p0 [hbm:s6], $0xF7A  }
0x23: {  	s9 =	sor.u32 $0xD0000000, s2;
	s6 =	simm.s32 $0x108;
	_ =	swait.ge @!p0 [sflag:s8], $0x0  }
0x24: {  	s3 =	sadd.s32 $0x88, s3;
	s6 =	simm.s32 @!p1 $0x1082;
	[sflag:s4] =	ssyncset.s32 $0xFFFFF086  }
0x25: {  	[simem:s6], [sflag:s4] =	dma.local [hbm:s3], $0xF7A  }
0x26: {  	[smem:$0x3F96] =	sst s1;
	(tag) =	ssettag s2;
	_ =	strace s9  }
0x27: {  	s1 =	sld [smem:$0x3FA6]  }
0x28: {  	s2 =	sld [smem:$0x3FA7]  }
0x29: {  	s4 =	sld [smem:$0x3FA9]  }
0x2a: {  	p0 =	seq.s32 s5, $0x0;
	s5 =	sld [smem:$0x3FAA]  }
0x2b: {  	s6 =	sld [smem:$0x3FAB]  }
0x2c: {  	s7 =	sld [smem:$0x3FAC]  }
0x2d: {  	s3 =	simm.s32 $0x108;
	s8 =	sld [smem:$0x3FAD]  }
0x2e: {  	s3 =	simm.s32 @!p0 $0x1082;
	s9 =	sld [smem:$0x3FAE]  }
0x2f: {  	lr =	sadd.s32 s0, s3;
	s0 =	sld [smem:$0x3FA5]  }
0x30: {  	s3 =	sld [smem:$0x3FA8]  }
0x31: {  	[smem:$0x3FB1] =	sst s10  }
0x32: {  	s10 =	sld [smem:$0x3FAF];
	_ =	sdelay $0x3  }
0x33: {  	p0 =	seq.s32 s10, $0x1;
	s10 =	sld [smem:$0x3FB1];
	_ =	sdelay $0x3  }
0x34: {  	[smem:$0x3FB1] =	sst s10  }
0x35: {  	s10 =	sld [smem:$0x3FB0];
	_ =	sdelay $0x3  }
0x36: {  	p1 =	seq.s32 s10, $0x1;
	s10 =	sld [smem:$0x3FB1];
	_ =	sdelay $0x3  }
0x37: {  	[smem:$0x3FB1] =	sst s10  }
0x38: {  	s10 =	sld [smem:$0x3FB2]  }
0x39: {  	_ = 	snop;
	(pc) =	sbr.ind lr, $3  }
0x3a: {  	_ = 	snop  }
0x3b: {  	_ = 	snop  }
0x3c: {  	p2 =	seq.s32 s10, $0x1;
	s10 =	sld [smem:$0x3FB1]  }
0x3d: {  	_ =	shalt  }
0x3e: {  	_ =	shalt  }
0x3f: {  	_ =	shalt  }
0x40: {  	_ =	shalt  }
0x41: {  	_ =	shalt  }
0x42: {  	_ =	shalt  }
0x43: {  	_ =	shalt  }
0x44: {  	_ =	shalt  }
0x45: {  	_ =	shalt  }
0x46: {  	_ =	shalt  }
0x47: {  	_ =	shalt  }
0x48: {  	_ =	shalt  }
0x49: {  	_ =	shalt  }
0x4a: {  	_ =	shalt  }
0x4b: {  	_ =	shalt  }
0x4c: {  	_ =	shalt  }
0x4d: {  	_ =	shalt  }
0x4e: {  	_ =	shalt  }
0x4f: {  	_ =	shalt  }
0x50: {  	_ =	shalt  }
0x51: {  	_ =	shalt  }
0x52: {  	_ =	shalt  }
0x53: {  	_ =	shalt  }
0x54: {  	_ =	shalt  }
0x55: {  	_ =	shalt  }
0x56: {  	_ =	shalt  }
0x57: {  	_ =	shalt  }
0x58: {  	_ =	shalt  }
0x59: {  	_ =	shalt  }
0x5a: {  	_ =	shalt  }
0x5b: {  	_ =	shalt  }
0x5c: {  	_ =	shalt  }
0x5d: {  	_ =	shalt  }
0x5e: {  	_ =	shalt  }
0x5f: {  	_ =	shalt  }
0x60: {  	_ =	shalt  }
0x61: {  	_ =	shalt  }
0x62: {  	_ =	shalt  }
0x63: {  	_ =	shalt  }
0x64: {  	_ =	shalt  }
0x65: {  	_ =	shalt  }
0x66: {  	_ =	shalt  }
0x67: {  	_ =	shalt  }
0x68: {  	_ =	shalt  }
0x69: {  	_ =	shalt  }
0x6a: {  	_ =	shalt  }
0x6b: {  	_ =	shalt  }
0x6c: {  	_ =	shalt  }
0x6d: {  	_ =	shalt  }
0x6e: {  	_ =	shalt  }
0x6f: {  	_ =	shalt  }
0x70: {  	_ =	shalt  }
0x71: {  	_ =	shalt  }
0x72: {  	_ =	shalt  }
0x73: {  	_ =	shalt  }
0x74: {  	_ =	shalt  }
0x75: {  	_ =	shalt  }
0x76: {  	_ =	shalt  }
0x77: {  	_ =	shalt  }
0x78: {  	_ =	shalt  }
0x79: {  	_ =	shalt  }
0x7a: {  	_ =	shalt  }
0x7b: {  	_ =	shalt  }
0x7c: {  	_ =	shalt  }
0x7d: {  	_ =	shalt  }
0x7e: {  	_ =	shalt  }
0x7f: {  	_ =	shalt  }
0x80: {  	_ =	shalt  }
0x81: {  	_ =	shalt  }
0x82: {  	_ =	shalt  }
0x83: {  	_ =	shalt  }
0x84: {  	_ =	shalt  }
0x85: {  	_ =	shalt  }
0x86: {  	_ =	shalt  }
0x87: {  	_ =	shalt  }
.Lfunc_end0:
.L_simem_size_0:
called_computation_lowered:
.L_overlay_start_0:
0x88: {  	s2 =	sld [smem:$0x3FD9]  }
0x89: {  	s3 =	sld [smem:$0x3FFE];
	_ =	sdelay $0x1  }
0x8a: {  	s1 =	srdreg.scid  }
0x8b: {  	s0 =	sand.u32 $0x1, s1  }
0x8c: {  	s17 =	sshll.u32 s0, $0xA;
	s2 =	sadd.s32 s3, s2  }
0x8d: {  	s2 =	sadd.s32 s2, s17  }
0x8e: {  	[smem:$0x3FBD] =	sst s2  }
0x8f: {  	_ = 	snop  }
0x90: {  	s2 =	sld [smem:$0x3FD0];
	(tm) =	ssettm $0x1  }
0x91: {  	s18 =	sld [smem:$0x3FFB];
	_ =	sdelay $0x3  }
0x92: {  	_ =	strace s18  }
0x93: {  	s3 =	sld [smem:$0x3FFC];
	_ =	sdelay $0x3  }
0x94: {  	_ =	strace s3  }
0x95: {  	s3 =	sld [smem:$0x3FFD];
	_ =	sdelay $0x3  }
0x96: {  	_ =	strace s3  }
0x97: {  	_ =	strace $0x8FFFFFFF  }
0x98: {  	s19 =	sld [smem:$0x3FDB];
	_ =	sdelay $0x1  }
0x99: {  	s4 =	simm.s32 $_scs_section_size  }
0x9a: {  	s5 =	simm.s32 $_size__tile_overlayer_lowered;
	s6 =	simm.s32 $_tile_overlayer_lowered  }
0x9b: {  	s22 =	simm.s32 $0x1BFF;
	s21 =	sshll.u32 s6, $0x1;
	s3 =	sadd.s32 s4, s19  }
0x9c: {  	s7 =	simm.s32 $0x0;
	s20 =	sshll.u32 s5, $0x1;
	s5 =	sadd.s32 s21, s3  }
0x9d: {  	[timem:s7], [sflag:s22] =	dma.local [hbm:s5], s20  }
0x9e: {  	_ =	swait.ge [sflag:s22], s20  }
0x9f: {  	s4 =	ssub.s32 $0x0, s20;
	[sflag:s22] =	ssyncset.done $0x0  }
0xa0: {  	[sflag:s22] =	ssyncadd.s32 s4;
	_ =	sdelay $0x1  }
0xa1: {  	s23 =	simm.s32 $0x1B8B  }
0xa2: {  	_ =	swait.ge [sflag:s23], $0x1  }
0xa3: {  	[sflag:s23] =	ssyncset.done $0x0  }
0xa4: {  	s25 =	simm.s32 $0x1B8E;
	s24 =	sld [smem:$0x3FFE];
	[sflag:s23] =	ssyncadd.s32 $0xFFFFFFFF  }
0xa5: {  	s26 =	simm.s32 $execute0_lowered;
	[smem:$0x3FD2] =	sst s25  }
0xa6: {  	s5 =	sshll.u32 s26, $0x1;
	_ =	strace $0x80000046;
	[dreg:$0x1] =	wrdreg $0xFFFFFFFF  }
0xa7: {  	s28 =	simm.s32 $_size_execute0_lowered;
	s3 =	sadd.s32 s3, s5;
	[dreg:$0x0] =	wrdreg $0x0  }
0xa8: {  	s5 =	sshll.u32 s28, $0x1;
	[dreg:$0x2] =	wrdreg s3  }
0xa9: {  	[dreg:$0x3] =	wrdreg s5  }
0xaa: {  	[dreg:$0x4] =	wrdreg $0xC0  }
0xab: {  	_ =	task [dreg:s7], $0x5FFFF  }
0xac: {  	[dreg:$0x1] =	wrdreg $0xFFFFFFFF  }
0xad: {  	[dreg:$0x0] =	wrdreg $0x60  }
0xae: {  	[dreg:$0x2] =	wrdreg s2  }
0xaf: {  	[dreg:$0x3] =	wrdreg s24  }
0xb0: {  	[dreg:$0x4] =	wrdreg $0x8A800  }
0xb1: {  	[dreg:$0x5] =	wrdreg $0x9  }
0xb2: {  	_ =	task.clear_ibuf [dreg:s7], $0x6FFFF;
	_ =	strace $0x90000046  }
0xb3: {  	s29 =	simm.s32 $0x9;
	_ =	strace $0x80000048  }
0xb4: {  	_ =	swait.ge [sflag:s29], $0x1  }
0xb5: {  	[sflag:s29] =	ssyncadd.s32 $0xFFFFFFFF  }
0xb6: {  	_ =	strace $0x90000048  }
0xb7: {  	_ =	sfence  }
0xb8: {  	s30 =	sld [smem:$0x0];
	_ =	sdelay $0x2  }
0xb9: {  	s31 =	sshll.u32 s1, $0xD;
	s1 =	sshrl.u32 s1, $0x2  }
0xba: {  	s3 =	sand.u32 $0x4000, s31;
	s1 =	sadd.s32 s1, s30  }
0xbb: {  	s0 =	sor.u32 s3, s0;
	s1 =	sshll.u32 s1, $0x11  }
0xbc: {  	s0 =	sor.u32 s1, s0  }
0xbd: {  	s0 =	sadd.s32 $0x8F2B, s0  }
0xbe: {  	[sflag:s0] =	ssyncadd.remote.s32 $0x1  }
0xbf: {  	_ =	sfence.sel $0xFFFF  }
0xc0: {  	[dreg:$0x0] =	wrdreg $0xFFFFFFFF;
	(pc) =	sbr.abs _section_cstart, $3  }
0xc1: {  	[dreg:$0x1] =	wrdreg $0xFFFFFFFF  }
0xc2: {  	_ =	task.clear_ibuf [dreg:s7], $0x2FFFF;
	_ =	strace $0x9FFFFFFF  }
0xc3: {  	(tm) =	ssettm $0x7FFFFFFF  }
tec
execute0_lowered:
.L_overlay_start_1:
0x0: {  	(tag) =	ssettag $0x1  }
0x1: {  	s1 =	rddreg [dreg:$0x0]  }
0x2: {  	s0 =	rddreg [dreg:$0x1]  }
0x3: {  	s2 =	rddreg [dreg:$0x2];
	s4 =	simm.s32 $0x0  }
0x4: {  	s19 =	stileid.u32;
	s3 =	srdreg.scid;
	s29 =	simm.s32 $0x9  }
0x5: {  	s30 =	simm.s32 $0x100;
	s31 =	simm.s32 $0x80;
	[smem:$0x7FF] =	sst s4  }
0x6: {  	s8 =	smul.u32 $0x13800, s19;
	s3 =	sand.u32 $0x1, s3;
	s7 =	sshll.u32 s19, $0x1  }
0x7: {  	s5 =	sadd.s32 $0x15600, s0;
	s6 =	sadd.s32 $0xB800, s0;
	s13 =	smul.u32 $0x4E000, s19  }
0x8: {  	s14 =	sadd.s32 $0x528600, s0;
	s22 =	sshll.u32 s19, $0x6;
	p0 =	sne.s32 s19, $0xF  }
0x9: {  	s19 =	simm.s32 $0x1B00;
	_ =	strace $0x80000047;
	s9 =	sor.u32 s3, s7  }
0xa: {  	s7 =	sadd.s32 $0x1A00, s0;
	s12 =	ssub.s32 $0x2, s3;
	s28 =	smul.u32 $0x138800, s3  }
0xb: {  	s10 =	sshrl.u32 s8, $0x3;
	s11 =	smul.u32 $0x4E2, s9;
	s15 =	sshrl.u32 s12, $0x1  }
0xc: {  	s13 =	sshrl.u32 s13, $0x2;
	s16 =	smul.u32 $0x27000, s9;
	s10 =	sadd.s32 s10, s0  }
0xd: {  	s12 =	ssub.s32 s12, s15;
	s15 =	smul.u32 $0x2700, s9;
	s13 =	sadd.s32 s13, s2  }
0xe: {  	s8 =	sadd.s32 s8, s28;
	s11 =	sadd.s32 s11, s0;
	[dreg:$0x4] =	wrdreg s13  }
0xf: {  	s10 =	sadd.s32 $0x4F7600, s10;
	s0 =	sadd.s32 $0x51E600, s0;
	s21 =	sadd.s32 s5, s16  }
0x10: {  	s8 =	sshrl.u32 s8, $0x3;
	s13 =	simm.s32 $0x3;
	[dreg:$0x5] =	wrdreg s10  }
0x11: {  	s16 =	simm.s32 $0x4B00;
	s10 =	sor.u32 $0x1C09, s22;
	[dreg:$0x6] =	wrdreg s0  }
0x12: {  	s23 =	sshrl.u32 s15, $0x3;
	[dreg:$0xb] =	wrdreg s21;
	s17 =	sor.u32 $0x60, s15  }
0x13: {  	s18 =	sor.u32 $0x30, s15;
	s22 =	sshll.u32 s9, $0x4;
	s8 =	sadd.s32 s14, s8  }
0x14: {  	s9 =	simm.s32 $0x6;
	s21 =	simm.s32 $0x6300;
	s24 =	sadd.s32 s6, s23  }
0x15: {  	s25 =	sor.u32 $0x6, s23;
	s0 =	sadd.s32 s7, s23;
	[dreg:$0xc] =	wrdreg s8  }
0x16: {  	s3 =	sor.u32 $0x4E000, s22;
	s22 =	simm.s32 $0x0;
	[dreg:$0x7] =	wrdreg s24  }
0x17: {  	[dreg:$0x8] =	wrdreg s0;
	s26 =	sadd.s32 s6, s25;
	s20 =	sadd.s32 s7, s25  }
0x18: {  	s0 =	sshrl.u32 s28, $0x3;
	s23 =	sshrl.u32 s3, $0x3;
	[dreg:$0x9] =	wrdreg s26  }
0x19: {  	s3 =	sshll.u32 s3, $0x4;
	s25 =	sadd.s32 $0x51E800, s11;
	[dreg:$0xa] =	wrdreg s20  }
0x1a: {  	s28 =	sadd.s32 $0x138000, s2;
	s11 =	simm.s32 $0x30;
	[dreg:$0x11] =	wrdreg s25  }
0x1b: {  	s0 =	sadd.s32 s14, s0;
	s24 =	sadd.s32 s6, s23;
	[dreg:$0x13] =	wrdreg s28  }
0x1c: {  	s20 =	sor.u32 $0x90, s15;
	s8 =	sadd.s32 s7, s23;
	[dreg:$0xd] =	wrdreg s24  }
0x1d: {  	s3 =	sadd.s32 s5, s3;
	s26 =	smax.u32 s12, $0x1;
	[dreg:$0xe] =	wrdreg s8  }
0x1e: {  	s12 =	simm.s32 $0x300;
	s14 =	simm.s32 $0x1;
	[dreg:$0xf] =	wrdreg s3  }
0x1f: {  	s15 =	simm.s32 $0x8;
	s0 =	sadd.s32 $0x27000, s0;
	[dreg:$0x12] =	wrdreg s26  }
0x20: {  	v0 =	vimm.f32 $0.0e+00;
	v1 =	vimm.f32 $1.000000000e+00;
	s26 =	simm.s32 $0x3300;
	[dreg:$0x10] =	wrdreg s0;
	s0 =	simm.s32 $0x180  }
.LBB2_1:
0x21: {  	s3 =	rddreg [dreg:$0x4]  }
0x22: {  	s28 =	rddreg [dreg:$0x5];
	s8 =	sshrl.u32 s3, $0x3  }
0x23: {  	[dreg:$0x14] =	wrdreg s8  }
0x24: {  	[spmem:s8], [sflag:s10] =	dma.local [hbm:s28], $0x2700  }
0x25: {  	_ =	swait.ge [sflag:s29], $0x2700  }
0x26: {  	[sflag:s29] =	ssyncset.done $0x0;
	s3 =	rddreg [dreg:$0x13]  }
0x27: {  	[sflag:s29] =	ssyncadd.s32 $0xFFFFD900;
	s24 =	sshrl.u32 @!p0 s3, $0x3;
	s3 =	rddreg [dreg:$0x6]  }
0x28: {  	[spmem:s24], [sflag:s10] =	dma.local @!p0 [hbm:s3], $0x100  }
0x29: {  	s3 =	simm.s32 @!p0 $0x9  }
0x2a: {  	_ =	swait.ge @!p0 [sflag:s3], $0x100  }
0x2b: {  	[sflag:s3] =	ssyncset.done @!p0 $0x0  }
0x2c: {  	[sflag:s3] =	ssyncadd.s32 @!p0 $0xFFFFFF00;
	s3 =	simm.s32 $0x6340  }
0x2d: {  	[tilespmem:s3+$0xFFFFFFC0] =	vst v0  }
0x2e: {  	[tilespmem:s3+$0x30] =	vst v0  }
0x2f: {  	[tilespmem:s3+$0x20] =	vst v0  }
0x30: {  	[tilespmem:s3+$0x10] =	vst v0  }
0x31: {  	[tilespmem:s3+$0x0] =	vst v0  }
0x32: {  	[tilespmem:s3+$0xFFFFFFF0] =	vst v0  }
0x33: {  	s8 =	simm.s32 $0x0;
	[tilespmem:s3+$0xFFFFFFE0] =	vst v0  }
.LBB2_2:
0x34: {  	s8 =	sadd.s32 $0x8, s8;
	[tilespmem:s3+$0xFFFFFFD0] =	vst v0;
	s3 =	sadd.s32 $0x80, s3  }
0x35: {  	[tilespmem:s3+$0xFFFFFFC0] =	vst v0;
	p1 =	slt.u32 s8, $0x268  }
0x36: {  	[tilespmem:s3+$0x30] =	vst v0  }
.Ltmp0:
0x37: {  	[tilespmem:s3+$0x20] =	vst v0;
	(pc) =	sbr.rel @p1 .LBB2_2-.Ltmp0, $4  }
0x38: {  	[tilespmem:s3+$0x10] =	vst v0  }
0x39: {  	[tilespmem:s3+$0x0] =	vst v0  }
0x3a: {  	[tilespmem:s3+$0xFFFFFFF0] =	vst v0  }
0x3b: {  	[tilespmem:s3+$0xFFFFFFE0] =	vst v0  }
0x3c: {  	[tilespmem:s3+$0xFFFFFFD0] =	vst v0  }
0x3d: {  	[tilespmem:$0x8A00] =	vst v0  }
0x3e: {  	[bflag:$0x0] =	sbarrier.arrive $0xFFFF  }
0x3f: {  	s25 =	simm.s32 $0x0;
	s28 =	rddreg [dreg:$0x7]  }
0x40: {  	[tilespmem:s25], [sflag:$0x5] =	stream.linear.gather [hbm4b:s28+s25], $0x30, $0x38;
	[tilespmem:$0x1C300] =	vst v63  }
0x41: {  	s8 =	rddreg [dreg:$0x8]  }
0x42: {  	[tilespmem:s30], [sflag:$0x7] =	stream.linear.gather [hbm4b:s8+s25], $0x30, $0x38;
	[tilespmem:$0x1C300] =	vst v63  }
0x43: {  	s23 =	rddreg [dreg:$0x9]  }
0x44: {  	[tilespmem:s31], [sflag:$0x6] =	stream.linear.gather [hbm4b:s23+s25], $0x30, $0x38;
	[tilespmem:$0x1C300] =	vst v63  }
0x45: {  	s28 =	rddreg [dreg:$0xa];
	s8 =	simm.s32 $0x5  }
0x46: {  	[tilespmem:s0], [sflag:$0x8] =	stream.linear.gather [hbm4b:s28+s25], $0x30, $0x38;
	[tilespmem:$0x1C300] =	vst v63  }
0x47: {  	_ =	swait.ge [sflag:s8], $0x30  }
0x48: {  	[sflag:s8] =	ssyncset.done $0x0  }
0x49: {  	s23 =	simm.s32 $0x7;
	[sflag:s8] =	ssyncadd.s32 $0xFFFFFFD0  }
0x4a: {  	_ =	swait.ge [sflag:s23], $0x30  }
0x4b: {  	[sflag:s23] =	ssyncset.done $0x0  }
0x4c: {  	s28 =	rddreg [dreg:$0xb];
	[sflag:s23] =	ssyncadd.s32 $0xFFFFFFD0  }
0x4d: {  	[tilespmem:s26], [sflag:$0x3] =	stream.linear.gather [hbm4b:s28+s25], $0x1800, $0x38;
	[tilespmem:$0x1C300] =	vst v63  }
0x4e: {  	_ = 	snop  }
0x4f: {  	[tilespmem:s12], [sflag:$0x1] =	stream.indirect.gather [hbm4b:s1+s11], $0x80, s25, s11, $0xb8;
	[tilespmem:$0x1C300] =	vst v63  }
.LBB2_4:
0x50: {  	_ =	swait.ge [sflag:s13], $0x1800;
	p1 =	seq.s32 s25, $0x67  }
0x51: {  	[sflag:s13] =	ssyncset.done $0x0;
	s26 =	smul.u32 @!p1 $0x60, s25  }
0x52: {  	[sflag:s13] =	ssyncadd.s32 $0xFFFFE800  }
0x53: {  	_ =	swait.ge [sflag:s14], $0x1800;
	s3 =	sadd.s32 @!p1 s26, s17  }
0x54: {  	[sflag:s14] =	ssyncset.done $0x0;
	s3 =	sshrl.u32 @!p1 s3, $0x3  }
0x55: {  	s8 =	simm.s32 @!p1 $0x0;
	[sflag:s14] =	ssyncadd.s32 $0xFFFFE800;
	s3 =	sadd.s32 @!p1 s6, s3  }
0x56: {  	[tilespmem:s8], [sflag:$0x5] =	stream.linear.gather @!p1 [hbm4b:s3+s8], $0x30, $0x38;
	[tilespmem:$0x1C300] =	vst v63  }
0x57: {  	_ =	swait.ge [sflag:s9], $0x30  }
0x58: {  	[sflag:s9] =	ssyncset.done $0x0  }
0x59: {  	s26 =	simm.s32 @p1 $0x26A0;
	[sflag:s9] =	ssyncadd.s32 $0xFFFFFFD0  }
0x5a: {  	s23 =	sadd.s32 s26, s18;
	_ =	swait.ge [sflag:s15], $0x30  }
0x5b: {  	s3 =	sshll.u32 s23, $0x4;
	[sflag:s15] =	ssyncset.done $0x0  }
0x5c: {  	s3 =	sadd.s32 s5, s3;
	[sflag:s15] =	ssyncadd.s32 $0xFFFFFFD0  }
0x5d: {  	[tilespmem:s16], [sflag:$0x4] =	stream.linear.gather [hbm4b:s3+s4], $0x1800, $0x38;
	[tilespmem:$0x1C300] =	vst v63  }
0x5e: {  	s28 =	simm.s32 $0x500  }
0x5f: {  	[tilespmem:s19], [sflag:$0x2] =	stream.indirect.gather [hbm4b:s1+s11], $0x80, s31, s11, $0xb8;
	[tilespmem:$0x1C300] =	vst v63  }
0x60: {  	s3 =	simm.s32 $0x3500;
	v2 =	vld [tilespmem:s28+$0x180]  }
0x61: {  	v3 =	vld [tilespmem:s3+$0x180]  }
0x62: {  	v4 =	vld [tilespmem:s28+$0xFFFFFE80]  }
0x63: {  	v6 =	vld [tilespmem:s3+$0xFFFFFE80]  }
0x64: {  	v7 =	vld [tilespmem:s28+$0xFFFFFF00]  }
0x65: {  	v8 =	vld [tilespmem:s3+$0xFFFFFF00]  }
0x66: {  	v9 =	vld [tilespmem:s28+$0xFFFFFF80]  }
0x67: {  	v10 =	vld [tilespmem:s3+$0xFFFFFF80]  }
0x68: {  	v11 =	vld [tilespmem:s3+$0x0]  }
0x69: {  	v12 =	vld [tilespmem:s28+$0x80]  }
0x6a: {  	v32 =	vld [tilespmem:s28+$0xFFFFFE10]  }
0x6b: {  	v33 =	vld [tilespmem:s28+$0xFFFFFE90]  }
0x6c: {  	v14 =	vld [tilespmem:s28+$0xFFFFFF10]  }
0x6d: {  	v15 =	vld [tilespmem:s28+$0x90]  }
0x6e: {  	v35 =	vld [tilespmem:s28+$0x110]  }
0x6f: {  	v36 =	vld [tilespmem:s28+$0xFFFFFEA0]  }
0x70: {  	v37 =	vld [tilespmem:s28+$0xFFFFFF20]  }
0x71: {  	v38 =	vld [tilespmem:s28+$0xFFFFFFA0]  }
0x72: {  	v39 =	vld [tilespmem:s28+$0xA0]  }
0x73: {  	v41 =	vld [tilespmem:s28+$0xFFFFFEB0]  }
0x74: {  	v42 =	vld [tilespmem:s28+$0xFFFFFF30]  }
0x75: {  	v43 =	vld [tilespmem:s28+$0xFFFFFFB0]  }
0x76: {  	v44 =	vld [tilespmem:s28+$0x30];
	v2 =	vadd.f32 v3, v2  }
0x77: {  	v45 =	vld [tilespmem:s28+$0x130]  }
0x78: {  	v46 =	vld [tilespmem:s28+$0xFFFFFE40];
	v2 =	vmax.f32 v2, $0.0e+00  }
0x79: {  	[tilespmem:s28+$0x180] =	vst v2;
	v2 =	vld [tilespmem:s28+$0x190]  }
0x7a: {  	v5 =	vld [tilespmem:s3+$0x190]  }
0x7b: {  	v49 =	vld [tilespmem:s28+$0xFFFFFFC0]  }
0x7c: {  	v50 =	vld [tilespmem:s28+$0xC0]  }
0x7d: {  	v51 =	vld [tilespmem:s28+$0x140]  }
0x7e: {  	v52 =	vld [tilespmem:s28+$0xFFFFFE50]  }
0x7f: {  	v53 =	vld [tilespmem:s28+$0xFFFFFF50];
	v2 =	vadd.f32 v5, v2  }
0x80: {  	v54 =	vld [tilespmem:s28+$0xFFFFFFD0]  }
0x81: {  	v3 =	vld [tilespmem:s3+$0xFFFFFE00];
	v2 =	vmax.f32 v2, $0.0e+00  }
0x82: {  	[tilespmem:s28+$0x190] =	vst v2;
	v2 =	vld [tilespmem:s28+$0x1A0]  }
0x83: {  	v13 =	vld [tilespmem:s3+$0x1A0]  }
0x84: {  	v4 =	vadd.f32 v6, v4;
	v6 =	vld [tilespmem:s3+$0x80]  }
0x85: {  	v9 =	vadd.f32 v10, v9;
	v10 =	vld [tilespmem:s28+$0xFFFFFE00]  }
0x86: {  	v7 =	vadd.f32 v8, v7;
	v8 =	vld [tilespmem:s28+$0x100]  }
0x87: {  	v4 =	vmax.f32 v4, $0.0e+00;
	v5 =	vld [tilespmem:s28+$0x0]  }
0x88: {  	[tilespmem:s28+$0xFFFFFE80] =	vst v4;
	v4 =	vmax.f32 v7, $0.0e+00;
	v7 =	vld [tilespmem:s3+$0x100];
	v2 =	vadd.f32 v13, v2  }
0x89: {  	v55 =	vld [tilespmem:s28+$0xD0];
	v6 =	vadd.f32 v6, v12  }
0x8a: {  	[tilespmem:s28+$0xFFFFFF00] =	vst v4;
	v4 =	vmax.f32 v9, $0.0e+00;
	v9 =	vld [tilespmem:s3+$0xFFFFFE90];
	v3 =	vadd.f32 v3, v10;
	v2 =	vmax.f32 v2, $0.0e+00  }
0x8b: {  	[tilespmem:s28+$0x1A0] =	vst v2;
	v2 =	vmax.f32 v6, $0.0e+00;
	v6 =	vld [tilespmem:s28+$0x1B0]  }
0x8c: {  	v5 =	vadd.f32 v11, v5;
	[tilespmem:s28+$0x80] =	vst v2;
	v2 =	vmax.f32 v3, $0.0e+00;
	v3 =	vld [tilespmem:s3+$0x1B0]  }
0x8d: {  	[tilespmem:s28+$0xFFFFFF80] =	vst v4;
	v7 =	vadd.f32 v7, v8;
	v8 =	vld [tilespmem:s28+$0x10]  }
0x8e: {  	v4 =	vmax.f32 v5, $0.0e+00;
	v5 =	vld [tilespmem:s3+$0xFFFFFF10];
	[tilespmem:s28+$0xFFFFFE00] =	vst v2  }
0x8f: {  	v2 =	vld [tilespmem:s3+$0xFFFFFE10]  }
0x90: {  	[tilespmem:s28+$0x0] =	vst v4;
	v4 =	vld [tilespmem:s3+$0xFFFFFF90]  }
0x91: {  	v10 =	vld [tilespmem:s3+$0x10];
	v3 =	vadd.f32 v3, v6  }
0x92: {  	v6 =	vld [tilespmem:s28+$0xFFFFFF90]  }
0x93: {  	v11 =	vld [tilespmem:s3+$0x90];
	v3 =	vmax.f32 v3, $0.0e+00  }
0x94: {  	v2 =	vadd.f32 v2, v32;
	[tilespmem:s28+$0x1B0] =	vst v3;
	v3 =	vmax.f32 v7, $0.0e+00;
	v7 =	vld [tilespmem:s28+$0x1C0]  }
0x95: {  	[tilespmem:s28+$0x100] =	vst v3;
	v3 =	vadd.f32 v9, v33;
	v9 =	vld [tilespmem:s3+$0x1C0]  }
0x96: {  	v5 =	vadd.f32 v5, v14;
	v2 =	vmax.f32 v2, $0.0e+00;
	v34 =	vld [tilespmem:s3+$0x110]  }
0x97: {  	v57 =	vld [tilespmem:s28+$0xFFFFFE60];
	[tilespmem:s28+$0xFFFFFE10] =	vst v2;
	v2 =	vmax.f32 v3, $0.0e+00;
	v3 =	vadd.f32 v4, v6  }
0x98: {  	v58 =	vld [tilespmem:s28+$0xFFFFFFE0];
	[tilespmem:s28+$0xFFFFFE90] =	vst v2;
	v2 =	vmax.f32 v5, $0.0e+00;
	v5 =	vadd.f32 v10, v8  }
0x99: {  	v59 =	vld [tilespmem:s28+$0x60];
	[tilespmem:s28+$0xFFFFFF10] =	vst v2;
	v2 =	vmax.f32 v3, $0.0e+00;
	v3 =	vadd.f32 v11, v15  }
0x9a: {  	v60 =	vld [tilespmem:s28+$0xE0];
	[tilespmem:s28+$0xFFFFFF90] =	vst v2;
	v2 =	vmax.f32 v5, $0.0e+00;
	v5 =	vadd.f32 v9, v7  }
0x9b: {  	v62 =	vld [tilespmem:s28+$0xFFFFFEF0];
	[tilespmem:s28+$0x10] =	vst v2;
	v2 =	vmax.f32 v3, $0.0e+00;
	v3 =	vadd.f32 v34, v35  }
0x9c: {  	v4 =	vld [tilespmem:s3+$0xFFFFFE20];
	[tilespmem:s28+$0x90] =	vst v2;
	v2 =	vmax.f32 v5, $0.0e+00  }
0x9d: {  	[tilespmem:s28+$0x1C0] =	vst v2;
	v2 =	vmax.f32 v3, $0.0e+00;
	v3 =	vld [tilespmem:s28+$0x1D0]  }
0x9e: {  	[tilespmem:s28+$0x110] =	vst v2;
	v2 =	vld [tilespmem:s3+$0x1D0]  }
0x9f: {  	v11 =	vld [tilespmem:s28+$0xFFFFFE20]  }
0xa0: {  	v6 =	vld [tilespmem:s3+$0xFFFFFEA0]  }
0xa1: {  	v8 =	vld [tilespmem:s3+$0xFFFFFF20]  }
0xa2: {  	v7 =	vld [tilespmem:s3+$0xFFFFFFA0]  }
0xa3: {  	v9 =	vld [tilespmem:s3+$0x20];
	v2 =	vadd.f32 v2, v3  }
0xa4: {  	v4 =	vadd.f32 v4, v11;
	v3 =	vld [tilespmem:s28+$0x20]  }
0xa5: {  	v11 =	vld [tilespmem:s28+$0x120];
	v2 =	vmax.f32 v2, $0.0e+00  }
0xa6: {  	v10 =	vld [tilespmem:s3+$0x120];
	v4 =	vmax.f32 v4, $0.0e+00;
	[tilespmem:s28+$0x1D0] =	vst v2;
	v2 =	vadd.f32 v6, v36  }
0xa7: {  	v5 =	vld [tilespmem:s3+$0xA0];
	v8 =	vadd.f32 v8, v37;
	[tilespmem:s28+$0xFFFFFE20] =	vst v4  }
0xa8: {  	v4 =	vadd.f32 v7, v38;
	v7 =	vld [tilespmem:s3+$0xFFFFFE30];
	v2 =	vmax.f32 v2, $0.0e+00  }
0xa9: {  	v6 =	vld [tilespmem:s28+$0x1E0];
	v3 =	vadd.f32 v9, v3;
	[tilespmem:s28+$0xFFFFFEA0] =	vst v2;
	v2 =	vmax.f32 v8, $0.0e+00  }
0xaa: {  	v40 =	vld [tilespmem:s3+$0x1E0];
	[tilespmem:s28+$0xFFFFFF20] =	vst v2;
	v2 =	vmax.f32 v4, $0.0e+00  }
0xab: {  	[tilespmem:s28+$0xFFFFFFA0] =	vst v2;
	v2 =	vmax.f32 v3, $0.0e+00;
	v3 =	vadd.f32 v10, v11;
	v11 =	vld [tilespmem:s28+$0xFFFFFE30]  }
0xac: {  	v8 =	vld [tilespmem:s3+$0xFFFFFEB0];
	v4 =	vadd.f32 v5, v39  }
0xad: {  	v5 =	vld [tilespmem:s3+$0xFFFFFF30]  }
0xae: {  	v9 =	vld [tilespmem:s3+$0xFFFFFFB0];
	[tilespmem:s28+$0x20] =	vst v2;
	v2 =	vmax.f32 v4, $0.0e+00  }
0xaf: {  	v4 =	vadd.f32 v40, v6;
	v6 =	vld [tilespmem:s3+$0x30];
	[tilespmem:s28+$0xA0] =	vst v2  }
0xb0: {  	v2 =	vmax.f32 v3, $0.0e+00;
	v10 =	vld [tilespmem:s3+$0xB0];
	v7 =	vadd.f32 v7, v11  }
0xb1: {  	[tilespmem:s28+$0x120] =	vst v2;
	v8 =	vadd.f32 v8, v41;
	v11 =	vld [tilespmem:s28+$0xB0]  }
0xb2: {  	v2 =	vmax.f32 v4, $0.0e+00;
	v4 =	vld [tilespmem:s3+$0x130];
	v5 =	vadd.f32 v5, v42;
	v7 =	vmax.f32 v7, $0.0e+00  }
0xb3: {  	v9 =	vadd.f32 v9, v43;
	[tilespmem:s28+$0xFFFFFE30] =	vst v7;
	v7 =	vmax.f32 v8, $0.0e+00;
	v8 =	vld [tilespmem:s28+$0xFFFFFEC0]  }
0xb4: {  	v5 =	vmax.f32 v5, $0.0e+00;
	v47 =	vld [tilespmem:s3+$0xFFFFFE40];
	[tilespmem:s28+$0xFFFFFEB0] =	vst v7  }
0xb5: {  	v6 =	vadd.f32 v6, v44;
	[tilespmem:s28+$0xFFFFFF30] =	vst v5;
	v5 =	vmax.f32 v9, $0.0e+00;
	v7 =	vld [tilespmem:s3+$0xFFFFFEC0]  }
0xb6: {  	[tilespmem:s28+$0xFFFFFFB0] =	vst v5;
	v9 =	vadd.f32 v10, v11;
	v10 =	vld [tilespmem:s3+$0xFFFFFF40]  }
0xb7: {  	v5 =	vmax.f32 v6, $0.0e+00;
	v6 =	vld [tilespmem:s3+$0xFFFFFFC0]  }
0xb8: {  	[tilespmem:s28+$0x30] =	vst v5;
	v11 =	vld [tilespmem:s28+$0xFFFFFF40];
	v5 =	vmax.f32 v9, $0.0e+00  }
0xb9: {  	v4 =	vadd.f32 v4, v45;
	v9 =	vld [tilespmem:s3+$0x40];
	[tilespmem:s28+$0xB0] =	vst v5  }
0xba: {  	v5 =	vld [tilespmem:s3+$0xC0];
	v48 =	vadd.f32 v47, v46  }
0xbb: {  	[tilespmem:s28+$0x1E0] =	vst v2;
	v4 =	vmax.f32 v4, $0.0e+00;
	v7 =	vadd.f32 v7, v8;
	v8 =	vld [tilespmem:s28+$0x40]  }
0xbc: {  	v2 =	vld [tilespmem:s28+$0x1F0];
	[tilespmem:s28+$0x130] =	vst v4;
	v12 =	vmax.f32 v48, $0.0e+00  }
0xbd: {  	v4 =	vld [tilespmem:s3+$0x140];
	v10 =	vadd.f32 v10, v11;
	[tilespmem:s28+$0xFFFFFE40] =	vst v12;
	v7 =	vmax.f32 v7, $0.0e+00  }
0xbe: {  	v6 =	vadd.f32 v6, v49;
	[tilespmem:s28+$0xFFFFFEC0] =	vst v7;
	v7 =	vld [tilespmem:s3+$0xFFFFFE50]  }
0xbf: {  	v10 =	vmax.f32 v10, $0.0e+00;
	v11 =	vld [tilespmem:s3+$0xFFFFFED0];
	v5 =	vadd.f32 v5, v50  }
0xc0: {  	v6 =	vmax.f32 v6, $0.0e+00;
	[tilespmem:s28+$0xFFFFFF40] =	vst v10;
	v8 =	vadd.f32 v9, v8;
	v9 =	vld [tilespmem:s28+$0xFFFFFED0]  }
0xc1: {  	[tilespmem:s28+$0xFFFFFFC0] =	vst v6;
	v10 =	vld [tilespmem:s3+$0xFFFFFF50];
	v5 =	vmax.f32 v5, $0.0e+00  }
0xc2: {  	v4 =	vadd.f32 v4, v51;
	v6 =	vmax.f32 v8, $0.0e+00;
	v8 =	vld [tilespmem:s3+$0xFFFFFFD0];
	[tilespmem:s28+$0xC0] =	vst v5  }
0xc3: {  	[tilespmem:s28+$0x40] =	vst v6;
	v5 =	vld [tilespmem:s3+$0xD0]  }
0xc4: {  	v4 =	vmax.f32 v4, $0.0e+00;
	v7 =	vadd.f32 v7, v52;
	v6 =	vld [tilespmem:s3+$0x50]  }
0xc5: {  	[tilespmem:s28+$0x140] =	vst v4;
	v9 =	vadd.f32 v11, v9;
	v11 =	vld [tilespmem:s28+$0x50]  }
0xc6: {  	v4 =	vld [tilespmem:s3+$0x150];
	v7 =	vmax.f32 v7, $0.0e+00  }
0xc7: {  	[tilespmem:s28+$0xFFFFFE50] =	vst v7;
	v7 =	vmax.f32 v9, $0.0e+00;
	v9 =	vld [tilespmem:s28+$0x150]  }
0xc8: {  	v10 =	vadd.f32 v10, v53;
	[tilespmem:s28+$0xFFFFFED0] =	vst v7;
	v7 =	vld [tilespmem:s3+$0xFFFFFE60]  }
0xc9: {  	v8 =	vadd.f32 v8, v54;
	v56 =	vld [tilespmem:s3+$0xFFFFFEE0]  }
0xca: {  	v10 =	vmax.f32 v10, $0.0e+00;
	v5 =	vadd.f32 v5, v55;
	v6 =	vadd.f32 v6, v11;
	v11 =	vld [tilespmem:s28+$0xFFFFFEE0]  }
0xcb: {  	v3 =	vld [tilespmem:s3+$0x1F0];
	[tilespmem:s28+$0xFFFFFF50] =	vst v10;
	v8 =	vmax.f32 v8, $0.0e+00  }
0xcc: {  	v10 =	vld [tilespmem:s3+$0xFFFFFF60];
	[tilespmem:s28+$0xFFFFFFD0] =	vst v8;
	v5 =	vmax.f32 v5, $0.0e+00  }
0xcd: {  	v8 =	vld [tilespmem:s3+$0xFFFFFFE0];
	[tilespmem:s28+$0xD0] =	vst v5;
	v6 =	vmax.f32 v6, $0.0e+00;
	v4 =	vadd.f32 v4, v9  }
0xce: {  	v5 =	vld [tilespmem:s3+$0xE0];
	[tilespmem:s28+$0x50] =	vst v6;
	v7 =	vadd.f32 v7, v57  }
0xcf: {  	v6 =	vld [tilespmem:s3+$0x60];
	v4 =	vmax.f32 v4, $0.0e+00;
	v11 =	vadd.f32 v56, v11  }
0xd0: {  	[tilespmem:s28+$0x150] =	vst v4;
	v4 =	vld [tilespmem:s28+$0xFFFFFF60];
	v7 =	vmax.f32 v7, $0.0e+00  }
0xd1: {  	v9 =	vld [tilespmem:s3+$0x160];
	[tilespmem:s28+$0xFFFFFE60] =	vst v7;
	v7 =	vmax.f32 v11, $0.0e+00  }
0xd2: {  	v11 =	vld [tilespmem:s28+$0x160];
	[tilespmem:s28+$0xFFFFFEE0] =	vst v7;
	v7 =	vadd.f32 v8, v58  }
0xd3: {  	v61 =	vld [tilespmem:s3+$0xFFFFFE70]  }
0xd4: {  	v8 =	vld [tilespmem:s28+$0xFFFFFE70];
	v6 =	vadd.f32 v6, v59;
	v7 =	vmax.f32 v7, $0.0e+00  }
0xd5: {  	v4 =	vadd.f32 v10, v4;
	v10 =	vld [tilespmem:s3+$0xFFFFFEF0];
	[tilespmem:s28+$0xFFFFFFE0] =	vst v7  }
0xd6: {  	v63 =	vadd.f32 v5, v60;
	v6 =	vmax.f32 v6, $0.0e+00;
	v5 =	vld [tilespmem:s3+$0xFFFFFFF0]  }
0xd7: {  	v4 =	vmax.f32 v4, $0.0e+00;
	v7 =	vadd.f32 v9, v11;
	[tilespmem:s28+$0x60] =	vst v6;
	v11 =	vld [tilespmem:s28+$0xFFFFFFF0]  }
0xd8: {  	v9 =	vmax.f32 v63, $0.0e+00;
	[tilespmem:s28+$0xFFFFFF60] =	vst v4;
	v6 =	vld [tilespmem:s3+$0x70]  }
0xd9: {  	[tilespmem:s28+$0xE0] =	vst v9;
	v4 =	vld [tilespmem:s3+$0xFFFFFF70]  }
0xda: {  	v3 =	vadd.f32 v3, v2;
	v9 =	vmax.f32 v7, $0.0e+00;
	v7 =	vld [tilespmem:s3+$0xF0]  }
0xdb: {  	v8 =	vadd.f32 v61, v8;
	[tilespmem:s28+$0x160] =	vst v9;
	v9 =	vld [tilespmem:s28+$0xFFFFFF70]  }
0xdc: {  	v3 =	vmax.f32 v3, $0.0e+00;
	v12 =	vadd.f32 v10, v62;
	v10 =	vld [tilespmem:s28+$0x70]  }
0xdd: {  	[tilespmem:s28+$0x1F0] =	vst v3;
	v3 =	vmax.f32 v8, $0.0e+00;
	v8 =	vld [tilespmem:s28+$0xF0]  }
0xde: {  	v2 =	vld [tilespmem:s3+$0x170];
	[tilespmem:s28+$0xFFFFFE70] =	vst v3;
	v3 =	vmax.f32 v12, $0.0e+00  }
0xdf: {  	s8 =	simm.s32 $0x0;
	s23 =	simm.s32 $0x900;
	[tilespmem:s28+$0xFFFFFEF0] =	vst v3;
	v3 =	vld [tilespmem:s28+$0x170]  }
.LBB2_5:
0xe0: {  	v12 =	vld [tilespmem:s23+$0x180];
	v4 =	vadd.f32 v4, v9;
	s3 =	sadd.s32 $0x400, s3  }
0xe1: {  	s8 =	sadd.s32 $0x8, s8;
	v9 =	vld [tilespmem:s3+$0x180];
	v5 =	vadd.f32 v5, v11  }
0xe2: {  	p2 =	slt.u32 s8, $0x28;
	v11 =	vld [tilespmem:s3+$0xFFFFFE00];
	v4 =	vmax.f32 v4, $0.0e+00;
	v6 =	vadd.f32 v6, v10  }
0xe3: {  	v10 =	vld [tilespmem:s23+$0xFFFFFE80];
	[tilespmem:s28+$0xFFFFFF70] =	vst v4;
	v4 =	vmax.f32 v5, $0.0e+00;
	v5 =	vadd.f32 v7, v8  }
0xe4: {  	v7 =	vld [tilespmem:s3+$0xFFFFFE80];
	[tilespmem:s28+$0xFFFFFFF0] =	vst v4;
	v4 =	vmax.f32 v6, $0.0e+00;
	v2 =	vadd.f32 v2, v3  }
0xe5: {  	v3 =	vld [tilespmem:s23+$0xFFFFFF00];
	[tilespmem:s28+$0x70] =	vst v4;
	v4 =	vmax.f32 v5, $0.0e+00  }
0xe6: {  	v5 =	vld [tilespmem:s3+$0xFFFFFF00];
	v6 =	vadd.f32 v9, v12;
	[tilespmem:s28+$0xF0] =	vst v4;
	v2 =	vmax.f32 v2, $0.0e+00  }
0xe7: {  	v4 =	vld [tilespmem:s23+$0xFFFFFF80];
	[tilespmem:s28+$0x170] =	vst v2;
	s28 =	smov.u32 s23  }
0xe8: {  	v2 =	vld [tilespmem:s3+$0xFFFFFF80];
	v6 =	vmax.f32 v6, $0.0e+00  }
0xe9: {  	v7 =	vadd.f32 v7, v10;
	[tilespmem:s23+$0x180] =	vst v6;
	v6 =	vld [tilespmem:s23+$0x190]  }
0xea: {  	v8 =	vld [tilespmem:s3+$0x190]  }
0xeb: {  	v7 =	vmax.f32 v7, $0.0e+00;
	v3 =	vadd.f32 v5, v3;
	v5 =	vld [tilespmem:s23+$0x0]  }
0xec: {  	[tilespmem:s23+$0xFFFFFE80] =	vst v7;
	v7 =	vld [tilespmem:s3+$0x0]  }
0xed: {  	v3 =	vmax.f32 v3, $0.0e+00;
	v2 =	vadd.f32 v2, v4;
	v4 =	vld [tilespmem:s23+$0x80]  }
0xee: {  	[tilespmem:s23+$0xFFFFFF00] =	vst v3;
	v3 =	vld [tilespmem:s3+$0x80]  }
0xef: {  	v2 =	vmax.f32 v2, $0.0e+00;
	v9 =	vld [tilespmem:s23+$0x100];
	v6 =	vadd.f32 v8, v6  }
0xf0: {  	[tilespmem:s23+$0xFFFFFF80] =	vst v2;
	v2 =	vld [tilespmem:s3+$0x100]  }
0xf1: {  	v8 =	vld [tilespmem:s23+$0xFFFFFE00];
	v5 =	vadd.f32 v7, v5;
	v6 =	vmax.f32 v6, $0.0e+00  }
0xf2: {  	[tilespmem:s23+$0x190] =	vst v6;
	v6 =	vld [tilespmem:s23+$0x1A0]  }
0xf3: {  	v5 =	vmax.f32 v5, $0.0e+00;
	v3 =	vadd.f32 v3, v4;
	v4 =	vld [tilespmem:s3+$0x1A0]  }
0xf4: {  	v7 =	vld [tilespmem:s3+$0xFFFFFE90];
	[tilespmem:s23+$0x0] =	vst v5  }
0xf5: {  	v5 =	vld [tilespmem:s3+$0xFFFFFF10];
	v3 =	vmax.f32 v3, $0.0e+00;
	v2 =	vadd.f32 v2, v9  }
0xf6: {  	v8 =	vadd.f32 v11, v8;
	v9 =	vld [tilespmem:s3+$0xFFFFFF90];
	[tilespmem:s23+$0x80] =	vst v3  }
0xf7: {  	v3 =	vld [tilespmem:s3+$0x10];
	v2 =	vmax.f32 v2, $0.0e+00  }
0xf8: {  	v8 =	vmax.f32 v8, $0.0e+00;
	v10 =	vld [tilespmem:s3+$0x90];
	[tilespmem:s23+$0x100] =	vst v2;
	v2 =	vadd.f32 v4, v6  }
0xf9: {  	[tilespmem:s23+$0xFFFFFE00] =	vst v8;
	v4 =	vld [tilespmem:s3+$0x110]  }
0xfa: {  	v6 =	vld [tilespmem:s3+$0xFFFFFE10];
	v2 =	vmax.f32 v2, $0.0e+00  }
0xfb: {  	[tilespmem:s23+$0x1A0] =	vst v2;
	v2 =	vld [tilespmem:s23+$0x1B0]  }
0xfc: {  	v8 =	vld [tilespmem:s3+$0x1B0]  }
0xfd: {  	v11 =	vld [tilespmem:s23+$0xFFFFFE10]  }
0xfe: {  	v12 =	vld [tilespmem:s23+$0xFFFFFE90]  }
0xff: {  	v13 =	vld [tilespmem:s23+$0xFFFFFF10]  }
0x100: {  	v14 =	vld [tilespmem:s23+$0xFFFFFF90]  }
0x101: {  	v15 =	vld [tilespmem:s23+$0x10];
	v2 =	vadd.f32 v8, v2  }
0x102: {  	v6 =	vadd.f32 v6, v11;
	v8 =	vld [tilespmem:s23+$0x90]  }
0x103: {  	v7 =	vadd.f32 v7, v12;
	v11 =	vld [tilespmem:s23+$0x110];
	v2 =	vmax.f32 v2, $0.0e+00  }
0x104: {  	v6 =	vmax.f32 v6, $0.0e+00;
	v5 =	vadd.f32 v5, v13;
	[tilespmem:s23+$0x1B0] =	vst v2;
	v2 =	vld [tilespmem:s23+$0x1C0]  }
0x105: {  	[tilespmem:s23+$0xFFFFFE10] =	vst v6;
	v6 =	vmax.f32 v7, $0.0e+00;
	v7 =	vadd.f32 v9, v14;
	v9 =	vld [tilespmem:s3+$0x1C0]  }
0x106: {  	v12 =	vld [tilespmem:s3+$0xFFFFFE20];
	[tilespmem:s23+$0xFFFFFE90] =	vst v6;
	v5 =	vmax.f32 v5, $0.0e+00;
	v3 =	vadd.f32 v3, v15  }
0x107: {  	v6 =	vld [tilespmem:s3+$0xFFFFFEA0];
	[tilespmem:s23+$0xFFFFFF10] =	vst v5;
	v5 =	vmax.f32 v7, $0.0e+00;
	v7 =	vadd.f32 v10, v8  }
0x108: {  	v8 =	vld [tilespmem:s3+$0xFFFFFF20];
	[tilespmem:s23+$0xFFFFFF90] =	vst v5;
	v3 =	vmax.f32 v3, $0.0e+00;
	v4 =	vadd.f32 v4, v11  }
0x109: {  	v5 =	vld [tilespmem:s3+$0xFFFFFFA0];
	[tilespmem:s23+$0x10] =	vst v3;
	v3 =	vmax.f32 v7, $0.0e+00  }
0x10a: {  	v7 =	vld [tilespmem:s3+$0x20];
	[tilespmem:s23+$0x90] =	vst v3;
	v3 =	vmax.f32 v4, $0.0e+00;
	v2 =	vadd.f32 v9, v2  }
0x10b: {  	v4 =	vld [tilespmem:s3+$0xA0];
	[tilespmem:s23+$0x110] =	vst v3  }
0x10c: {  	v3 =	vld [tilespmem:s3+$0x120];
	v2 =	vmax.f32 v2, $0.0e+00  }
0x10d: {  	[tilespmem:s23+$0x1C0] =	vst v2;
	v2 =	vld [tilespmem:s23+$0x1D0]  }
0x10e: {  	v9 =	vld [tilespmem:s3+$0x1D0]  }
0x10f: {  	v10 =	vld [tilespmem:s23+$0xFFFFFE20]  }
0x110: {  	v11 =	vld [tilespmem:s23+$0xFFFFFEA0]  }
0x111: {  	v13 =	vld [tilespmem:s23+$0xFFFFFF20]  }
0x112: {  	v14 =	vld [tilespmem:s23+$0xFFFFFFA0]  }
0x113: {  	v15 =	vld [tilespmem:s23+$0x20];
	v2 =	vadd.f32 v9, v2  }
0x114: {  	v9 =	vadd.f32 v12, v10;
	v10 =	vld [tilespmem:s23+$0xA0]  }
0x115: {  	v6 =	vadd.f32 v6, v11;
	v11 =	vld [tilespmem:s23+$0x120];
	v2 =	vmax.f32 v2, $0.0e+00  }
0x116: {  	v9 =	vmax.f32 v9, $0.0e+00;
	v8 =	vadd.f32 v8, v13;
	[tilespmem:s23+$0x1D0] =	vst v2;
	v2 =	vld [tilespmem:s23+$0x1E0]  }
0x117: {  	[tilespmem:s23+$0xFFFFFE20] =	vst v9;
	v6 =	vmax.f32 v6, $0.0e+00;
	v5 =	vadd.f32 v5, v14;
	v9 =	vld [tilespmem:s3+$0x1E0]  }
0x118: {  	v12 =	vld [tilespmem:s3+$0xFFFFFE30];
	[tilespmem:s23+$0xFFFFFEA0] =	vst v6;
	v6 =	vmax.f32 v8, $0.0e+00;
	v7 =	vadd.f32 v7, v15  }
0x119: {  	v8 =	vld [tilespmem:s3+$0xFFFFFEB0];
	[tilespmem:s23+$0xFFFFFF20] =	vst v6;
	v5 =	vmax.f32 v5, $0.0e+00;
	v4 =	vadd.f32 v4, v10  }
0x11a: {  	v6 =	vld [tilespmem:s3+$0xFFFFFF30];
	[tilespmem:s23+$0xFFFFFFA0] =	vst v5;
	v5 =	vmax.f32 v7, $0.0e+00;
	v3 =	vadd.f32 v3, v11  }
0x11b: {  	v7 =	vld [tilespmem:s3+$0xFFFFFFB0];
	[tilespmem:s23+$0x20] =	vst v5;
	v4 =	vmax.f32 v4, $0.0e+00  }
0x11c: {  	v5 =	vld [tilespmem:s3+$0x30];
	[tilespmem:s23+$0xA0] =	vst v4;
	v3 =	vmax.f32 v3, $0.0e+00;
	v2 =	vadd.f32 v9, v2  }
0x11d: {  	v4 =	vld [tilespmem:s3+$0xB0];
	[tilespmem:s23+$0x120] =	vst v3  }
0x11e: {  	v3 =	vld [tilespmem:s3+$0x130];
	v2 =	vmax.f32 v2, $0.0e+00  }
0x11f: {  	[tilespmem:s23+$0x1E0] =	vst v2;
	v2 =	vld [tilespmem:s23+$0x1F0]  }
0x120: {  	v9 =	vld [tilespmem:s3+$0x1F0]  }
0x121: {  	v10 =	vld [tilespmem:s23+$0xFFFFFE30]  }
0x122: {  	v11 =	vld [tilespmem:s23+$0xFFFFFEB0]  }
0x123: {  	v13 =	vld [tilespmem:s23+$0xFFFFFF30]  }
0x124: {  	v14 =	vld [tilespmem:s23+$0xFFFFFFB0]  }
0x125: {  	v15 =	vld [tilespmem:s23+$0x30];
	v2 =	vadd.f32 v9, v2  }
0x126: {  	v9 =	vadd.f32 v12, v10;
	v10 =	vld [tilespmem:s23+$0xB0]  }
0x127: {  	v8 =	vadd.f32 v8, v11;
	v11 =	vld [tilespmem:s23+$0x130];
	v2 =	vmax.f32 v2, $0.0e+00  }
0x128: {  	v9 =	vmax.f32 v9, $0.0e+00;
	v12 =	vld [tilespmem:s23+$0xFFFFFE40];
	v6 =	vadd.f32 v6, v13;
	[tilespmem:s23+$0x1F0] =	vst v2  }
0x129: {  	[tilespmem:s23+$0xFFFFFE30] =	vst v9;
	v2 =	vmax.f32 v8, $0.0e+00;
	v8 =	vld [tilespmem:s23+$0xFFFFFEC0];
	v7 =	vadd.f32 v7, v14  }
0x12a: {  	v9 =	vld [tilespmem:s3+$0xFFFFFE40];
	[tilespmem:s23+$0xFFFFFEB0] =	vst v2;
	v2 =	vmax.f32 v6, $0.0e+00;
	v5 =	vadd.f32 v5, v15  }
0x12b: {  	v6 =	vld [tilespmem:s3+$0xFFFFFEC0];
	[tilespmem:s23+$0xFFFFFF30] =	vst v2;
	v2 =	vmax.f32 v7, $0.0e+00;
	v4 =	vadd.f32 v4, v10  }
0x12c: {  	v7 =	vld [tilespmem:s3+$0xFFFFFF40];
	[tilespmem:s23+$0xFFFFFFB0] =	vst v2;
	v2 =	vmax.f32 v5, $0.0e+00;
	v3 =	vadd.f32 v3, v11  }
0x12d: {  	v5 =	vld [tilespmem:s3+$0xFFFFFFC0];
	[tilespmem:s23+$0x30] =	vst v2;
	v2 =	vmax.f32 v4, $0.0e+00  }
0x12e: {  	v4 =	vld [tilespmem:s3+$0x40];
	[tilespmem:s23+$0xB0] =	vst v2;
	v2 =	vmax.f32 v3, $0.0e+00  }
0x12f: {  	v3 =	vadd.f32 v9, v12;
	v9 =	vld [tilespmem:s3+$0xC0];
	[tilespmem:s23+$0x130] =	vst v2  }
0x130: {  	v2 =	vadd.f32 v6, v8;
	v6 =	vld [tilespmem:s3+$0x140]  }
0x131: {  	v3 =	vmax.f32 v3, $0.0e+00;
	v8 =	vld [tilespmem:s23+$0xFFFFFF40]  }
0x132: {  	[tilespmem:s23+$0xFFFFFE40] =	vst v3;
	v2 =	vmax.f32 v2, $0.0e+00;
	v3 =	vld [tilespmem:s23+$0xFFFFFFC0]  }
0x133: {  	[tilespmem:s23+$0xFFFFFEC0] =	vst v2;
	v2 =	vld [tilespmem:s23+$0x40]  }
0x134: {  	v10 =	vld [tilespmem:s23+$0xC0]  }
0x135: {  	v11 =	vld [tilespmem:s23+$0x140]  }
0x136: {  	v12 =	vld [tilespmem:s3+$0xFFFFFE50];
	v7 =	vadd.f32 v7, v8  }
0x137: {  	v8 =	vld [tilespmem:s3+$0xFFFFFED0];
	v3 =	vadd.f32 v5, v3  }
0x138: {  	v5 =	vld [tilespmem:s23+$0xFFFFFE50];
	v7 =	vmax.f32 v7, $0.0e+00;
	v2 =	vadd.f32 v4, v2  }
0x139: {  	v4 =	vld [tilespmem:s23+$0xFFFFFED0];
	[tilespmem:s23+$0xFFFFFF40] =	vst v7;
	v3 =	vmax.f32 v3, $0.0e+00;
	v7 =	vadd.f32 v9, v10  }
0x13a: {  	v9 =	vld [tilespmem:s3+$0xFFFFFF50];
	[tilespmem:s23+$0xFFFFFFC0] =	vst v3;
	v2 =	vmax.f32 v2, $0.0e+00;
	v3 =	vadd.f32 v6, v11  }
0x13b: {  	v6 =	vld [tilespmem:s3+$0xFFFFFFD0];
	[tilespmem:s23+$0x40] =	vst v2;
	v2 =	vmax.f32 v7, $0.0e+00  }
0x13c: {  	v7 =	vld [tilespmem:s3+$0x50];
	[tilespmem:s23+$0xC0] =	vst v2;
	v2 =	vmax.f32 v3, $0.0e+00  }
0x13d: {  	v3 =	vadd.f32 v12, v5;
	v5 =	vld [tilespmem:s3+$0xD0];
	[tilespmem:s23+$0x140] =	vst v2  }
0x13e: {  	v2 =	vadd.f32 v8, v4;
	v4 =	vld [tilespmem:s3+$0x150]  }
0x13f: {  	v3 =	vmax.f32 v3, $0.0e+00;
	v8 =	vld [tilespmem:s23+$0xFFFFFF50]  }
0x140: {  	[tilespmem:s23+$0xFFFFFE50] =	vst v3;
	v2 =	vmax.f32 v2, $0.0e+00;
	v3 =	vld [tilespmem:s23+$0xFFFFFFD0]  }
0x141: {  	[tilespmem:s23+$0xFFFFFED0] =	vst v2;
	v2 =	vld [tilespmem:s23+$0x50]  }
0x142: {  	v10 =	vld [tilespmem:s23+$0xD0]  }
0x143: {  	v11 =	vld [tilespmem:s23+$0x150]  }
0x144: {  	v12 =	vld [tilespmem:s3+$0xFFFFFE60];
	v8 =	vadd.f32 v9, v8  }
0x145: {  	v9 =	vld [tilespmem:s3+$0xFFFFFEE0];
	v3 =	vadd.f32 v6, v3  }
0x146: {  	v6 =	vld [tilespmem:s23+$0xFFFFFE60];
	v8 =	vmax.f32 v8, $0.0e+00;
	v2 =	vadd.f32 v7, v2  }
0x147: {  	v7 =	vld [tilespmem:s23+$0xFFFFFEE0];
	[tilespmem:s23+$0xFFFFFF50] =	vst v8;
	v3 =	vmax.f32 v3, $0.0e+00;
	v5 =	vadd.f32 v5, v10  }
0x148: {  	v8 =	vld [tilespmem:s3+$0xFFFFFF60];
	[tilespmem:s23+$0xFFFFFFD0] =	vst v3;
	v2 =	vmax.f32 v2, $0.0e+00;
	v3 =	vadd.f32 v4, v11  }
0x149: {  	v4 =	vld [tilespmem:s3+$0xFFFFFFE0];
	[tilespmem:s23+$0x50] =	vst v2;
	v2 =	vmax.f32 v5, $0.0e+00  }
0x14a: {  	v5 =	vld [tilespmem:s3+$0x60];
	[tilespmem:s23+$0xD0] =	vst v2;
	v2 =	vmax.f32 v3, $0.0e+00  }
0x14b: {  	v3 =	vadd.f32 v12, v6;
	v6 =	vld [tilespmem:s3+$0xE0];
	[tilespmem:s23+$0x150] =	vst v2  }
0x14c: {  	v2 =	vadd.f32 v9, v7;
	v7 =	vld [tilespmem:s3+$0x160]  }
0x14d: {  	v3 =	vmax.f32 v3, $0.0e+00;
	v9 =	vld [tilespmem:s23+$0xFFFFFF60]  }
0x14e: {  	[tilespmem:s23+$0xFFFFFE60] =	vst v3;
	v2 =	vmax.f32 v2, $0.0e+00;
	v3 =	vld [tilespmem:s23+$0xFFFFFFE0]  }
0x14f: {  	[tilespmem:s23+$0xFFFFFEE0] =	vst v2;
	v2 =	vld [tilespmem:s23+$0x60]  }
0x150: {  	v10 =	vld [tilespmem:s23+$0xE0]  }
0x151: {  	v11 =	vld [tilespmem:s23+$0x160]  }
0x152: {  	v12 =	vld [tilespmem:s3+$0xFFFFFE70];
	v8 =	vadd.f32 v8, v9  }
0x153: {  	v9 =	vld [tilespmem:s3+$0xFFFFFEF0];
	v3 =	vadd.f32 v4, v3  }
0x154: {  	v13 =	vld [tilespmem:s23+$0xFFFFFE70];
	v4 =	vmax.f32 v8, $0.0e+00;
	v2 =	vadd.f32 v5, v2  }
0x155: {  	v8 =	vld [tilespmem:s23+$0xFFFFFEF0];
	[tilespmem:s23+$0xFFFFFF60] =	vst v4;
	v3 =	vmax.f32 v3, $0.0e+00;
	v6 =	vadd.f32 v6, v10  }
0x156: {  	v4 =	vld [tilespmem:s3+$0xFFFFFF70];
	[tilespmem:s23+$0xFFFFFFE0] =	vst v3;
	v2 =	vmax.f32 v2, $0.0e+00;
	v3 =	vadd.f32 v7, v11  }
0x157: {  	v5 =	vld [tilespmem:s3+$0xFFFFFFF0];
	[tilespmem:s23+$0x60] =	vst v2;
	v2 =	vmax.f32 v6, $0.0e+00  }
0x158: {  	v6 =	vld [tilespmem:s3+$0x70];
	[tilespmem:s23+$0xE0] =	vst v2;
	v2 =	vmax.f32 v3, $0.0e+00  }
0x159: {  	v3 =	vadd.f32 v12, v13;
	v7 =	vld [tilespmem:s3+$0xF0];
	[tilespmem:s23+$0x160] =	vst v2  }
0x15a: {  	v8 =	vadd.f32 v9, v8;
	v2 =	vld [tilespmem:s3+$0x170]  }
.Ltmp1:
0x15b: {  	v3 =	vmax.f32 v3, $0.0e+00;
	v9 =	vld [tilespmem:s23+$0xFFFFFF70];
	(pc) =	sbr.rel @p2 .LBB2_5-.Ltmp1, $4  }
0x15c: {  	[tilespmem:s23+$0xFFFFFE70] =	vst v3;
	v3 =	vmax.f32 v8, $0.0e+00;
	v11 =	vld [tilespmem:s23+$0xFFFFFFF0]  }
0x15d: {  	[tilespmem:s23+$0xFFFFFEF0] =	vst v3;
	v10 =	vld [tilespmem:s23+$0x70]  }
0x15e: {  	v8 =	vld [tilespmem:s23+$0xF0]  }
0x15f: {  	s23 =	sadd.s32 $0x400, s23;
	v3 =	vld [tilespmem:s28+$0x170]  }
0x160: {  	v4 =	vadd.f32 v4, v9  }
0x161: {  	v5 =	vadd.f32 v5, v11  }
0x162: {  	v4 =	vmax.f32 v4, $0.0e+00;
	v6 =	vadd.f32 v6, v10  }
0x163: {  	[tilespmem:s28+$0xFFFFFF70] =	vst v4;
	v4 =	vmax.f32 v5, $0.0e+00;
	v5 =	vadd.f32 v7, v8  }
0x164: {  	[tilespmem:s28+$0xFFFFFFF0] =	vst v4;
	v4 =	vmax.f32 v6, $0.0e+00;
	v2 =	vadd.f32 v2, v3  }
0x165: {  	[tilespmem:s28+$0x70] =	vst v4;
	v3 =	vmax.f32 v5, $0.0e+00  }
0x166: {  	[tilespmem:s28+$0xF0] =	vst v3;
	v2 =	vmax.f32 v2, $0.0e+00  }
0x167: {  	[tilespmem:s28+$0x170] =	vst v2  }
0x168: {  	[spmem:s2] =	stream.indirect.scatter.add.f32 [tilespmem:s12], [sflag:$0x9], $0x80, s30, s11, $0xb8;
	[tilespmem:$0x1C300] =	vst v63  }
0x169: {  	_ =	swait.ge [sflag:s29], $0x1800  }
0x16a: {  	[sflag:s29] =	ssyncset.done $0x0  }
0x16b: {  	[sflag:s29] =	ssyncadd.s32 $0xFFFFE800  }
0x16c: {  	v2 =	vld [tilespmem:$0x100];
	_ =	sdelay $0x7  }
0x16d: {  	[tilespmem:v2+s21+$0x0] =	vst.idx.add.f32.msk $0xffff, v1  }
0x16e: {  	v2 =	vld [tilespmem:$0x110];
	_ =	sdelay $0x7  }
0x16f: {  	[tilespmem:v2+s21+$0x0] =	vst.idx.add.f32.msk $0xffff, v1  }
0x170: {  	v2 =	vld [tilespmem:$0x120];
	_ =	sdelay $0x7  }
0x171: {  	s3 =	simm.s32 @p1 $0x4;
	[tilespmem:v2+s21+$0x0] =	vst.idx.add.f32.msk $0xffff, v1  }
0x172: {  	_ =	swait.ge @p1 [sflag:s3], $0x1800  }
0x173: {  	[sflag:s3] =	ssyncset.done @p1 $0x0  }
0x174: {  	[sflag:s3] =	ssyncadd.s32 @p1 $0xFFFFE800;
	s3 =	simm.s32 @p1 $0x2  }
0x175: {  	_ =	swait.ge @p1 [sflag:s3], $0x1800  }
0x176: {  	s8 =	sadd.s32 @!p1 s26, s17;
	[sflag:s3] =	ssyncset.done @p1 $0x0  }
0x177: {  	[sflag:s3] =	ssyncadd.s32 @p1 $0xFFFFE800;
	s3 =	sshrl.u32 @!p1 s8, $0x3  }
0x178: {  	s23 =	simm.s32 @!p1 $0x0;
	s28 =	simm.s32 @!p1 $0x100;
	s3 =	sadd.s32 @!p1 s7, s3  }
0x179: {  	[tilespmem:s28], [sflag:$0x7] =	stream.linear.gather @!p1 [hbm4b:s3+s23], $0x30, $0x38;
	[tilespmem:$0x1C300] =	vst v63  }
0x17a: {  	s3 =	simm.s32 @!p1 $0x4  }
0x17b: {  	_ =	swait.ge @!p1 [sflag:s3], $0x1800  }
0x17c: {  	[sflag:s3] =	ssyncset.done @!p1 $0x0  }
0x17d: {  	[sflag:s3] =	ssyncadd.s32 @!p1 $0xFFFFE800;
	s3 =	simm.s32 @!p1 $0x2  }
0x17e: {  	s28 =	sadd.s32 @!p1 s26, s20;
	_ =	swait.ge @!p1 [sflag:s3], $0x1800  }
0x17f: {  	s28 =	sshrl.u32 @!p1 s28, $0x3;
	[sflag:s3] =	ssyncset.done @!p1 $0x0  }
0x180: {  	[sflag:s3] =	ssyncadd.s32 @!p1 $0xFFFFE800;
	s3 =	sadd.s32 @!p1 s6, s28;
	s28 =	simm.s32 @!p1 $0x80  }
0x181: {  	[tilespmem:s28], [sflag:$0x6] =	stream.linear.gather @!p1 [hbm4b:s3+s23], $0x30, $0x38;
	[tilespmem:$0x1C300] =	vst v63  }
0x182: {  	s3 =	simm.s32 @!p1 $0x5  }
0x183: {  	_ =	swait.ge @!p1 [sflag:s3], $0x30  }
0x184: {  	[sflag:s3] =	ssyncset.done @!p1 $0x0  }
0x185: {  	[sflag:s3] =	ssyncadd.s32 @!p1 $0xFFFFFFD0;
	s3 =	simm.s32 @!p1 $0x7  }
0x186: {  	_ =	swait.ge @!p1 [sflag:s3], $0x30  }
0x187: {  	s8 =	sshll.u32 @!p1 s8, $0x4;
	[sflag:s3] =	ssyncset.done @!p1 $0x0  }
0x188: {  	[sflag:s3] =	ssyncadd.s32 @!p1 $0xFFFFFFD0;
	s3 =	sadd.s32 @!p1 s5, s8;
	s8 =	simm.s32 @!p1 $0x3300  }
0x189: {  	[tilespmem:s8], [sflag:$0x3] =	stream.linear.gather @!p1 [hbm4b:s3+s23], $0x1800, $0x38;
	[tilespmem:$0x1C300] =	vst v63  }
0x18a: {  	s28 =	simm.s32 $0x1EF0;
	s3 =	simm.s32 @!p1 $0x30;
	s8 =	simm.s32 @!p1 $0x300  }
0x18b: {  	[tilespmem:s8], [sflag:$0x1] =	stream.indirect.gather @!p1 [hbm4b:s1+s3], $0x80, s23, s3, $0xb8;
	[tilespmem:$0x1C300] =	vst v63  }
0x18c: {  	s3 =	simm.s32 $0x4EF0;
	v2 =	vld [tilespmem:s28+$0xFFFFFF90]  }
0x18d: {  	v3 =	vld [tilespmem:s3+$0xFFFFFF90]  }
0x18e: {  	v4 =	vld [tilespmem:s28+$0xFFFFFC90]  }
0x18f: {  	v6 =	vld [tilespmem:s3+$0xFFFFFC90]  }
0x190: {  	v7 =	vld [tilespmem:s28+$0xFFFFFD10]  }
0x191: {  	v8 =	vld [tilespmem:s3+$0xFFFFFD10]  }
0x192: {  	v9 =	vld [tilespmem:s28+$0xFFFFFD90]  }
0x193: {  	v10 =	vld [tilespmem:s3+$0xFFFFFD90]  }
0x194: {  	v11 =	vld [tilespmem:s3+$0xFFFFFE10]  }
0x195: {  	v12 =	vld [tilespmem:s28+$0xFFFFFE90]  }
0x196: {  	v32 =	vld [tilespmem:s28+$0xFFFFFC20]  }
0x197: {  	v33 =	vld [tilespmem:s28+$0xFFFFFCA0]  }
0x198: {  	v14 =	vld [tilespmem:s28+$0xFFFFFD20]  }
0x199: {  	v15 =	vld [tilespmem:s28+$0xFFFFFEA0]  }
0x19a: {  	v35 =	vld [tilespmem:s28+$0xFFFFFF20]  }
0x19b: {  	v36 =	vld [tilespmem:s28+$0xFFFFFCB0]  }
0x19c: {  	v37 =	vld [tilespmem:s28+$0xFFFFFD30]  }
0x19d: {  	v38 =	vld [tilespmem:s28+$0xFFFFFDB0]  }
0x19e: {  	v39 =	vld [tilespmem:s28+$0xFFFFFEB0]  }
0x19f: {  	v41 =	vld [tilespmem:s28+$0xFFFFFCC0]  }
0x1a0: {  	v42 =	vld [tilespmem:s28+$0xFFFFFD40]  }
0x1a1: {  	v43 =	vld [tilespmem:s28+$0xFFFFFDC0]  }
0x1a2: {  	v44 =	vld [tilespmem:s28+$0xFFFFFE40];
	v2 =	vadd.f32 v3, v2  }
0x1a3: {  	v45 =	vld [tilespmem:s28+$0xFFFFFF40]  }
0x1a4: {  	v46 =	vld [tilespmem:s28+$0xFFFFFC50];
	v2 =	vmax.f32 v2, $0.0e+00  }
0x1a5: {  	[tilespmem:s28+$0xFFFFFF90] =	vst v2;
	v2 =	vld [tilespmem:s28+$0xFFFFFFA0]  }
0x1a6: {  	v5 =	vld [tilespmem:s3+$0xFFFFFFA0]  }
0x1a7: {  	v49 =	vld [tilespmem:s28+$0xFFFFFDD0]  }
0x1a8: {  	v50 =	vld [tilespmem:s28+$0xFFFFFED0]  }
0x1a9: {  	v51 =	vld [tilespmem:s28+$0xFFFFFF50]  }
0x1aa: {  	v52 =	vld [tilespmem:s28+$0xFFFFFC60]  }
0x1ab: {  	v53 =	vld [tilespmem:s28+$0xFFFFFD60];
	v2 =	vadd.f32 v5, v2  }
0x1ac: {  	v54 =	vld [tilespmem:s28+$0xFFFFFDE0]  }
0x1ad: {  	v3 =	vld [tilespmem:s3+$0xFFFFFC10];
	v2 =	vmax.f32 v2, $0.0e+00  }
0x1ae: {  	[tilespmem:s28+$0xFFFFFFA0] =	vst v2;
	v2 =	vld [tilespmem:s28+$0xFFFFFFB0]  }
0x1af: {  	v13 =	vld [tilespmem:s3+$0xFFFFFFB0]  }
0x1b0: {  	v4 =	vadd.f32 v6, v4;
	v6 =	vld [tilespmem:s3+$0xFFFFFE90]  }
0x1b1: {  	v9 =	vadd.f32 v10, v9;
	v10 =	vld [tilespmem:s28+$0xFFFFFC10]  }
0x1b2: {  	v7 =	vadd.f32 v8, v7;
	v8 =	vld [tilespmem:s28+$0xFFFFFF10]  }
0x1b3: {  	v4 =	vmax.f32 v4, $0.0e+00;
	v5 =	vld [tilespmem:s28+$0xFFFFFE10]  }
0x1b4: {  	[tilespmem:s28+$0xFFFFFC90] =	vst v4;
	v4 =	vmax.f32 v7, $0.0e+00;
	v7 =	vld [tilespmem:s3+$0xFFFFFF10];
	v2 =	vadd.f32 v13, v2  }
0x1b5: {  	v55 =	vld [tilespmem:s28+$0xFFFFFEE0];
	v6 =	vadd.f32 v6, v12  }
0x1b6: {  	[tilespmem:s28+$0xFFFFFD10] =	vst v4;
	v4 =	vmax.f32 v9, $0.0e+00;
	v9 =	vld [tilespmem:s3+$0xFFFFFCA0];
	v3 =	vadd.f32 v3, v10;
	v2 =	vmax.f32 v2, $0.0e+00  }
0x1b7: {  	[tilespmem:s28+$0xFFFFFFB0] =	vst v2;
	v2 =	vmax.f32 v6, $0.0e+00;
	v6 =	vld [tilespmem:s28+$0xFFFFFFC0]  }
0x1b8: {  	v5 =	vadd.f32 v11, v5;
	[tilespmem:s28+$0xFFFFFE90] =	vst v2;
	v2 =	vmax.f32 v3, $0.0e+00;
	v3 =	vld [tilespmem:s3+$0xFFFFFFC0]  }
0x1b9: {  	[tilespmem:s28+$0xFFFFFD90] =	vst v4;
	v7 =	vadd.f32 v7, v8;
	v8 =	vld [tilespmem:s28+$0xFFFFFE20]  }
0x1ba: {  	v4 =	vmax.f32 v5, $0.0e+00;
	v5 =	vld [tilespmem:s3+$0xFFFFFD20];
	[tilespmem:s28+$0xFFFFFC10] =	vst v2  }
0x1bb: {  	v2 =	vld [tilespmem:s3+$0xFFFFFC20]  }
0x1bc: {  	[tilespmem:s28+$0xFFFFFE10] =	vst v4;
	v4 =	vld [tilespmem:s3+$0xFFFFFDA0]  }
0x1bd: {  	v10 =	vld [tilespmem:s3+$0xFFFFFE20];
	v3 =	vadd.f32 v3, v6  }
0x1be: {  	v6 =	vld [tilespmem:s28+$0xFFFFFDA0]  }
0x1bf: {  	v11 =	vld [tilespmem:s3+$0xFFFFFEA0];
	v3 =	vmax.f32 v3, $0.0e+00  }
0x1c0: {  	v2 =	vadd.f32 v2, v32;
	[tilespmem:s28+$0xFFFFFFC0] =	vst v3;
	v3 =	vmax.f32 v7, $0.0e+00;
	v7 =	vld [tilespmem:s28+$0xFFFFFFD0]  }
0x1c1: {  	[tilespmem:s28+$0xFFFFFF10] =	vst v3;
	v3 =	vadd.f32 v9, v33;
	v9 =	vld [tilespmem:s3+$0xFFFFFFD0]  }
0x1c2: {  	v5 =	vadd.f32 v5, v14;
	v2 =	vmax.f32 v2, $0.0e+00;
	v34 =	vld [tilespmem:s3+$0xFFFFFF20]  }
0x1c3: {  	v57 =	vld [tilespmem:s28+$0xFFFFFC70];
	[tilespmem:s28+$0xFFFFFC20] =	vst v2;
	v2 =	vmax.f32 v3, $0.0e+00;
	v3 =	vadd.f32 v4, v6  }
0x1c4: {  	v58 =	vld [tilespmem:s28+$0xFFFFFDF0];
	[tilespmem:s28+$0xFFFFFCA0] =	vst v2;
	v2 =	vmax.f32 v5, $0.0e+00;
	v5 =	vadd.f32 v10, v8  }
0x1c5: {  	v59 =	vld [tilespmem:s28+$0xFFFFFE70];
	[tilespmem:s28+$0xFFFFFD20] =	vst v2;
	v2 =	vmax.f32 v3, $0.0e+00;
	v3 =	vadd.f32 v11, v15  }
0x1c6: {  	v60 =	vld [tilespmem:s28+$0xFFFFFEF0];
	[tilespmem:s28+$0xFFFFFDA0] =	vst v2;
	v2 =	vmax.f32 v5, $0.0e+00;
	v5 =	vadd.f32 v9, v7  }
0x1c7: {  	v62 =	vld [tilespmem:s28+$0xFFFFFD00];
	[tilespmem:s28+$0xFFFFFE20] =	vst v2;
	v2 =	vmax.f32 v3, $0.0e+00;
	v3 =	vadd.f32 v34, v35  }
0x1c8: {  	v4 =	vld [tilespmem:s3+$0xFFFFFC30];
	[tilespmem:s28+$0xFFFFFEA0] =	vst v2;
	v2 =	vmax.f32 v5, $0.0e+00  }
0x1c9: {  	[tilespmem:s28+$0xFFFFFFD0] =	vst v2;
	v2 =	vmax.f32 v3, $0.0e+00;
	v3 =	vld [tilespmem:s28+$0xFFFFFFE0]  }
0x1ca: {  	[tilespmem:s28+$0xFFFFFF20] =	vst v2;
	v2 =	vld [tilespmem:s3+$0xFFFFFFE0]  }
0x1cb: {  	v11 =	vld [tilespmem:s28+$0xFFFFFC30]  }
0x1cc: {  	v6 =	vld [tilespmem:s3+$0xFFFFFCB0]  }
0x1cd: {  	v8 =	vld [tilespmem:s3+$0xFFFFFD30]  }
0x1ce: {  	v7 =	vld [tilespmem:s3+$0xFFFFFDB0]  }
0x1cf: {  	v9 =	vld [tilespmem:s3+$0xFFFFFE30];
	v2 =	vadd.f32 v2, v3  }
0x1d0: {  	v4 =	vadd.f32 v4, v11;
	v3 =	vld [tilespmem:s28+$0xFFFFFE30]  }
0x1d1: {  	v11 =	vld [tilespmem:s28+$0xFFFFFF30];
	v2 =	vmax.f32 v2, $0.0e+00  }
0x1d2: {  	v10 =	vld [tilespmem:s3+$0xFFFFFF30];
	v4 =	vmax.f32 v4, $0.0e+00;
	[tilespmem:s28+$0xFFFFFFE0] =	vst v2;
	v2 =	vadd.f32 v6, v36  }
0x1d3: {  	v5 =	vld [tilespmem:s3+$0xFFFFFEB0];
	v8 =	vadd.f32 v8, v37;
	[tilespmem:s28+$0xFFFFFC30] =	vst v4  }
0x1d4: {  	v4 =	vadd.f32 v7, v38;
	v7 =	vld [tilespmem:s3+$0xFFFFFC40];
	v2 =	vmax.f32 v2, $0.0e+00  }
0x1d5: {  	v6 =	vld [tilespmem:s28+$0xFFFFFFF0];
	v3 =	vadd.f32 v9, v3;
	[tilespmem:s28+$0xFFFFFCB0] =	vst v2;
	v2 =	vmax.f32 v8, $0.0e+00  }
0x1d6: {  	v40 =	vld [tilespmem:s3+$0xFFFFFFF0];
	[tilespmem:s28+$0xFFFFFD30] =	vst v2;
	v2 =	vmax.f32 v4, $0.0e+00  }
0x1d7: {  	[tilespmem:s28+$0xFFFFFDB0] =	vst v2;
	v2 =	vmax.f32 v3, $0.0e+00;
	v3 =	vadd.f32 v10, v11;
	v11 =	vld [tilespmem:s28+$0xFFFFFC40]  }
0x1d8: {  	v8 =	vld [tilespmem:s3+$0xFFFFFCC0];
	v4 =	vadd.f32 v5, v39  }
0x1d9: {  	v5 =	vld [tilespmem:s3+$0xFFFFFD40]  }
0x1da: {  	v9 =	vld [tilespmem:s3+$0xFFFFFDC0];
	[tilespmem:s28+$0xFFFFFE30] =	vst v2;
	v2 =	vmax.f32 v4, $0.0e+00  }
0x1db: {  	v4 =	vadd.f32 v40, v6;
	v6 =	vld [tilespmem:s3+$0xFFFFFE40];
	[tilespmem:s28+$0xFFFFFEB0] =	vst v2  }
0x1dc: {  	v2 =	vmax.f32 v3, $0.0e+00;
	v10 =	vld [tilespmem:s3+$0xFFFFFEC0];
	v7 =	vadd.f32 v7, v11  }
0x1dd: {  	[tilespmem:s28+$0xFFFFFF30] =	vst v2;
	v8 =	vadd.f32 v8, v41;
	v11 =	vld [tilespmem:s28+$0xFFFFFEC0]  }
0x1de: {  	v2 =	vmax.f32 v4, $0.0e+00;
	v4 =	vld [tilespmem:s3+$0xFFFFFF40];
	v5 =	vadd.f32 v5, v42;
	v7 =	vmax.f32 v7, $0.0e+00  }
0x1df: {  	v9 =	vadd.f32 v9, v43;
	[tilespmem:s28+$0xFFFFFC40] =	vst v7;
	v7 =	vmax.f32 v8, $0.0e+00;
	v8 =	vld [tilespmem:s28+$0xFFFFFCD0]  }
0x1e0: {  	v5 =	vmax.f32 v5, $0.0e+00;
	v47 =	vld [tilespmem:s3+$0xFFFFFC50];
	[tilespmem:s28+$0xFFFFFCC0] =	vst v7  }
0x1e1: {  	v6 =	vadd.f32 v6, v44;
	[tilespmem:s28+$0xFFFFFD40] =	vst v5;
	v5 =	vmax.f32 v9, $0.0e+00;
	v7 =	vld [tilespmem:s3+$0xFFFFFCD0]  }
0x1e2: {  	[tilespmem:s28+$0xFFFFFDC0] =	vst v5;
	v9 =	vadd.f32 v10, v11;
	v10 =	vld [tilespmem:s3+$0xFFFFFD50]  }
0x1e3: {  	v5 =	vmax.f32 v6, $0.0e+00;
	v6 =	vld [tilespmem:s3+$0xFFFFFDD0]  }
0x1e4: {  	[tilespmem:s28+$0xFFFFFE40] =	vst v5;
	v11 =	vld [tilespmem:s28+$0xFFFFFD50];
	v5 =	vmax.f32 v9, $0.0e+00  }
0x1e5: {  	v4 =	vadd.f32 v4, v45;
	v9 =	vld [tilespmem:s3+$0xFFFFFE50];
	[tilespmem:s28+$0xFFFFFEC0] =	vst v5  }
0x1e6: {  	v5 =	vld [tilespmem:s3+$0xFFFFFED0];
	v48 =	vadd.f32 v47, v46  }
0x1e7: {  	[tilespmem:s28+$0xFFFFFFF0] =	vst v2;
	v4 =	vmax.f32 v4, $0.0e+00;
	v7 =	vadd.f32 v7, v8;
	v8 =	vld [tilespmem:s28+$0xFFFFFE50]  }
0x1e8: {  	v2 =	vld [tilespmem:s28+$0x0];
	[tilespmem:s28+$0xFFFFFF40] =	vst v4;
	v12 =	vmax.f32 v48, $0.0e+00  }
0x1e9: {  	v4 =	vld [tilespmem:s3+$0xFFFFFF50];
	v10 =	vadd.f32 v10, v11;
	[tilespmem:s28+$0xFFFFFC50] =	vst v12;
	v7 =	vmax.f32 v7, $0.0e+00  }
0x1ea: {  	v6 =	vadd.f32 v6, v49;
	[tilespmem:s28+$0xFFFFFCD0] =	vst v7;
	v7 =	vld [tilespmem:s3+$0xFFFFFC60]  }
0x1eb: {  	v10 =	vmax.f32 v10, $0.0e+00;
	v11 =	vld [tilespmem:s3+$0xFFFFFCE0];
	v5 =	vadd.f32 v5, v50  }
0x1ec: {  	v6 =	vmax.f32 v6, $0.0e+00;
	[tilespmem:s28+$0xFFFFFD50] =	vst v10;
	v8 =	vadd.f32 v9, v8;
	v9 =	vld [tilespmem:s28+$0xFFFFFCE0]  }
0x1ed: {  	[tilespmem:s28+$0xFFFFFDD0] =	vst v6;
	v10 =	vld [tilespmem:s3+$0xFFFFFD60];
	v5 =	vmax.f32 v5, $0.0e+00  }
0x1ee: {  	v4 =	vadd.f32 v4, v51;
	v6 =	vmax.f32 v8, $0.0e+00;
	v8 =	vld [tilespmem:s3+$0xFFFFFDE0];
	[tilespmem:s28+$0xFFFFFED0] =	vst v5  }
0x1ef: {  	[tilespmem:s28+$0xFFFFFE50] =	vst v6;
	v5 =	vld [tilespmem:s3+$0xFFFFFEE0]  }
0x1f0: {  	v4 =	vmax.f32 v4, $0.0e+00;
	v7 =	vadd.f32 v7, v52;
	v6 =	vld [tilespmem:s3+$0xFFFFFE60]  }
0x1f1: {  	[tilespmem:s28+$0xFFFFFF50] =	vst v4;
	v9 =	vadd.f32 v11, v9;
	v11 =	vld [tilespmem:s28+$0xFFFFFE60]  }
0x1f2: {  	v4 =	vld [tilespmem:s3+$0xFFFFFF60];
	v7 =	vmax.f32 v7, $0.0e+00  }
0x1f3: {  	[tilespmem:s28+$0xFFFFFC60] =	vst v7;
	v7 =	vmax.f32 v9, $0.0e+00;
	v9 =	vld [tilespmem:s28+$0xFFFFFF60]  }
0x1f4: {  	v10 =	vadd.f32 v10, v53;
	[tilespmem:s28+$0xFFFFFCE0] =	vst v7;
	v7 =	vld [tilespmem:s3+$0xFFFFFC70]  }
0x1f5: {  	v8 =	vadd.f32 v8, v54;
	v56 =	vld [tilespmem:s3+$0xFFFFFCF0]  }
0x1f6: {  	v10 =	vmax.f32 v10, $0.0e+00;
	v5 =	vadd.f32 v5, v55;
	v6 =	vadd.f32 v6, v11;
	v11 =	vld [tilespmem:s28+$0xFFFFFCF0]  }
0x1f7: {  	v3 =	vld [tilespmem:s3+$0x0];
	[tilespmem:s28+$0xFFFFFD60] =	vst v10;
	v8 =	vmax.f32 v8, $0.0e+00  }
0x1f8: {  	v10 =	vld [tilespmem:s3+$0xFFFFFD70];
	[tilespmem:s28+$0xFFFFFDE0] =	vst v8;
	v5 =	vmax.f32 v5, $0.0e+00  }
0x1f9: {  	v8 =	vld [tilespmem:s3+$0xFFFFFDF0];
	[tilespmem:s28+$0xFFFFFEE0] =	vst v5;
	v6 =	vmax.f32 v6, $0.0e+00;
	v4 =	vadd.f32 v4, v9  }
0x1fa: {  	v5 =	vld [tilespmem:s3+$0xFFFFFEF0];
	[tilespmem:s28+$0xFFFFFE60] =	vst v6;
	v7 =	vadd.f32 v7, v57  }
0x1fb: {  	v6 =	vld [tilespmem:s3+$0xFFFFFE70];
	v4 =	vmax.f32 v4, $0.0e+00;
	v11 =	vadd.f32 v56, v11  }
0x1fc: {  	[tilespmem:s28+$0xFFFFFF60] =	vst v4;
	v4 =	vld [tilespmem:s28+$0xFFFFFD70];
	v7 =	vmax.f32 v7, $0.0e+00  }
0x1fd: {  	v9 =	vld [tilespmem:s3+$0xFFFFFF70];
	[tilespmem:s28+$0xFFFFFC70] =	vst v7;
	v7 =	vmax.f32 v11, $0.0e+00  }
0x1fe: {  	v11 =	vld [tilespmem:s28+$0xFFFFFF70];
	[tilespmem:s28+$0xFFFFFCF0] =	vst v7;
	v7 =	vadd.f32 v8, v58  }
0x1ff: {  	v61 =	vld [tilespmem:s3+$0xFFFFFC80]  }
0x200: {  	v8 =	vld [tilespmem:s28+$0xFFFFFC80];
	v6 =	vadd.f32 v6, v59;
	v7 =	vmax.f32 v7, $0.0e+00  }
0x201: {  	v4 =	vadd.f32 v10, v4;
	v10 =	vld [tilespmem:s3+$0xFFFFFD00];
	[tilespmem:s28+$0xFFFFFDF0] =	vst v7  }
0x202: {  	v63 =	vadd.f32 v5, v60;
	v6 =	vmax.f32 v6, $0.0e+00;
	v5 =	vld [tilespmem:s3+$0xFFFFFE00]  }
0x203: {  	v4 =	vmax.f32 v4, $0.0e+00;
	v7 =	vadd.f32 v9, v11;
	[tilespmem:s28+$0xFFFFFE70] =	vst v6;
	v11 =	vld [tilespmem:s28+$0xFFFFFE00]  }
0x204: {  	v9 =	vmax.f32 v63, $0.0e+00;
	[tilespmem:s28+$0xFFFFFD70] =	vst v4;
	v6 =	vld [tilespmem:s3+$0xFFFFFE80]  }
0x205: {  	[tilespmem:s28+$0xFFFFFEF0] =	vst v9;
	v4 =	vld [tilespmem:s3+$0xFFFFFD80]  }
0x206: {  	v3 =	vadd.f32 v3, v2;
	v9 =	vmax.f32 v7, $0.0e+00;
	v7 =	vld [tilespmem:s3+$0xFFFFFF00]  }
0x207: {  	v8 =	vadd.f32 v61, v8;
	[tilespmem:s28+$0xFFFFFF70] =	vst v9;
	v9 =	vld [tilespmem:s28+$0xFFFFFD80]  }
0x208: {  	v3 =	vmax.f32 v3, $0.0e+00;
	v12 =	vadd.f32 v10, v62;
	v10 =	vld [tilespmem:s28+$0xFFFFFE80]  }
0x209: {  	[tilespmem:s28+$0x0] =	vst v3;
	v3 =	vmax.f32 v8, $0.0e+00;
	v8 =	vld [tilespmem:s28+$0xFFFFFF00]  }
0x20a: {  	v2 =	vld [tilespmem:s3+$0xFFFFFF80];
	[tilespmem:s28+$0xFFFFFC80] =	vst v3;
	v3 =	vmax.f32 v12, $0.0e+00  }
0x20b: {  	s8 =	simm.s32 $0x0;
	s23 =	simm.s32 $0x22F0;
	[tilespmem:s28+$0xFFFFFD00] =	vst v3;
	v3 =	vld [tilespmem:s28+$0xFFFFFF80]  }
.LBB2_7:
0x20c: {  	v12 =	vld [tilespmem:s23+$0xFFFFFF90];
	v4 =	vadd.f32 v4, v9;
	s3 =	sadd.s32 $0x400, s3  }
0x20d: {  	s8 =	sadd.s32 $0x8, s8;
	v9 =	vld [tilespmem:s3+$0xFFFFFF90];
	v5 =	vadd.f32 v5, v11  }
0x20e: {  	p2 =	slt.u32 s8, $0x28;
	v11 =	vld [tilespmem:s3+$0xFFFFFC10];
	v4 =	vmax.f32 v4, $0.0e+00;
	v6 =	vadd.f32 v6, v10  }
0x20f: {  	v10 =	vld [tilespmem:s23+$0xFFFFFC90];
	[tilespmem:s28+$0xFFFFFD80] =	vst v4;
	v4 =	vmax.f32 v5, $0.0e+00;
	v5 =	vadd.f32 v7, v8  }
0x210: {  	v7 =	vld [tilespmem:s3+$0xFFFFFC90];
	[tilespmem:s28+$0xFFFFFE00] =	vst v4;
	v4 =	vmax.f32 v6, $0.0e+00;
	v2 =	vadd.f32 v2, v3  }
0x211: {  	v3 =	vld [tilespmem:s23+$0xFFFFFD10];
	[tilespmem:s28+$0xFFFFFE80] =	vst v4;
	v4 =	vmax.f32 v5, $0.0e+00  }
0x212: {  	v5 =	vld [tilespmem:s3+$0xFFFFFD10];
	v6 =	vadd.f32 v9, v12;
	[tilespmem:s28+$0xFFFFFF00] =	vst v4;
	v2 =	vmax.f32 v2, $0.0e+00  }
0x213: {  	v4 =	vld [tilespmem:s23+$0xFFFFFD90];
	[tilespmem:s28+$0xFFFFFF80] =	vst v2;
	s28 =	smov.u32 s23  }
0x214: {  	v2 =	vld [tilespmem:s3+$0xFFFFFD90];
	v6 =	vmax.f32 v6, $0.0e+00  }
0x215: {  	v7 =	vadd.f32 v7, v10;
	[tilespmem:s23+$0xFFFFFF90] =	vst v6;
	v6 =	vld [tilespmem:s23+$0xFFFFFFA0]  }
0x216: {  	v8 =	vld [tilespmem:s3+$0xFFFFFFA0]  }
0x217: {  	v7 =	vmax.f32 v7, $0.0e+00;
	v3 =	vadd.f32 v5, v3;
	v5 =	vld [tilespmem:s23+$0xFFFFFE10]  }
0x218: {  	[tilespmem:s23+$0xFFFFFC90] =	vst v7;
	v7 =	vld [tilespmem:s3+$0xFFFFFE10]  }
0x219: {  	v3 =	vmax.f32 v3, $0.0e+00;
	v2 =	vadd.f32 v2, v4;
	v4 =	vld [tilespmem:s23+$0xFFFFFE90]  }
0x21a: {  	[tilespmem:s23+$0xFFFFFD10] =	vst v3;
	v3 =	vld [tilespmem:s3+$0xFFFFFE90]  }
0x21b: {  	v2 =	vmax.f32 v2, $0.0e+00;
	v9 =	vld [tilespmem:s23+$0xFFFFFF10];
	v6 =	vadd.f32 v8, v6  }
0x21c: {  	[tilespmem:s23+$0xFFFFFD90] =	vst v2;
	v2 =	vld [tilespmem:s3+$0xFFFFFF10]  }
0x21d: {  	v8 =	vld [tilespmem:s23+$0xFFFFFC10];
	v5 =	vadd.f32 v7, v5;
	v6 =	vmax.f32 v6, $0.0e+00  }
0x21e: {  	[tilespmem:s23+$0xFFFFFFA0] =	vst v6;
	v6 =	vld [tilespmem:s23+$0xFFFFFFB0]  }
0x21f: {  	v5 =	vmax.f32 v5, $0.0e+00;
	v3 =	vadd.f32 v3, v4;
	v4 =	vld [tilespmem:s3+$0xFFFFFFB0]  }
0x220: {  	v7 =	vld [tilespmem:s3+$0xFFFFFCA0];
	[tilespmem:s23+$0xFFFFFE10] =	vst v5  }
0x221: {  	v5 =	vld [tilespmem:s3+$0xFFFFFD20];
	v3 =	vmax.f32 v3, $0.0e+00;
	v2 =	vadd.f32 v2, v9  }
0x222: {  	v8 =	vadd.f32 v11, v8;
	v9 =	vld [tilespmem:s3+$0xFFFFFDA0];
	[tilespmem:s23+$0xFFFFFE90] =	vst v3  }
0x223: {  	v3 =	vld [tilespmem:s3+$0xFFFFFE20];
	v2 =	vmax.f32 v2, $0.0e+00  }
0x224: {  	v8 =	vmax.f32 v8, $0.0e+00;
	v10 =	vld [tilespmem:s3+$0xFFFFFEA0];
	[tilespmem:s23+$0xFFFFFF10] =	vst v2;
	v2 =	vadd.f32 v4, v6  }
0x225: {  	[tilespmem:s23+$0xFFFFFC10] =	vst v8;
	v4 =	vld [tilespmem:s3+$0xFFFFFF20]  }
0x226: {  	v6 =	vld [tilespmem:s3+$0xFFFFFC20];
	v2 =	vmax.f32 v2, $0.0e+00  }
0x227: {  	[tilespmem:s23+$0xFFFFFFB0] =	vst v2;
	v2 =	vld [tilespmem:s23+$0xFFFFFFC0]  }
0x228: {  	v8 =	vld [tilespmem:s3+$0xFFFFFFC0]  }
0x229: {  	v11 =	vld [tilespmem:s23+$0xFFFFFC20]  }
0x22a: {  	v12 =	vld [tilespmem:s23+$0xFFFFFCA0]  }
0x22b: {  	v13 =	vld [tilespmem:s23+$0xFFFFFD20]  }
0x22c: {  	v14 =	vld [tilespmem:s23+$0xFFFFFDA0]  }
0x22d: {  	v15 =	vld [tilespmem:s23+$0xFFFFFE20];
	v2 =	vadd.f32 v8, v2  }
0x22e: {  	v6 =	vadd.f32 v6, v11;
	v8 =	vld [tilespmem:s23+$0xFFFFFEA0]  }
0x22f: {  	v7 =	vadd.f32 v7, v12;
	v11 =	vld [tilespmem:s23+$0xFFFFFF20];
	v2 =	vmax.f32 v2, $0.0e+00  }
0x230: {  	v6 =	vmax.f32 v6, $0.0e+00;
	v5 =	vadd.f32 v5, v13;
	[tilespmem:s23+$0xFFFFFFC0] =	vst v2;
	v2 =	vld [tilespmem:s23+$0xFFFFFFD0]  }
0x231: {  	[tilespmem:s23+$0xFFFFFC20] =	vst v6;
	v6 =	vmax.f32 v7, $0.0e+00;
	v7 =	vadd.f32 v9, v14;
	v9 =	vld [tilespmem:s3+$0xFFFFFFD0]  }
0x232: {  	v12 =	vld [tilespmem:s3+$0xFFFFFC30];
	[tilespmem:s23+$0xFFFFFCA0] =	vst v6;
	v5 =	vmax.f32 v5, $0.0e+00;
	v3 =	vadd.f32 v3, v15  }
0x233: {  	v6 =	vld [tilespmem:s3+$0xFFFFFCB0];
	[tilespmem:s23+$0xFFFFFD20] =	vst v5;
	v5 =	vmax.f32 v7, $0.0e+00;
	v7 =	vadd.f32 v10, v8  }
0x234: {  	v8 =	vld [tilespmem:s3+$0xFFFFFD30];
	[tilespmem:s23+$0xFFFFFDA0] =	vst v5;
	v3 =	vmax.f32 v3, $0.0e+00;
	v4 =	vadd.f32 v4, v11  }
0x235: {  	v5 =	vld [tilespmem:s3+$0xFFFFFDB0];
	[tilespmem:s23+$0xFFFFFE20] =	vst v3;
	v3 =	vmax.f32 v7, $0.0e+00  }
0x236: {  	v7 =	vld [tilespmem:s3+$0xFFFFFE30];
	[tilespmem:s23+$0xFFFFFEA0] =	vst v3;
	v3 =	vmax.f32 v4, $0.0e+00;
	v2 =	vadd.f32 v9, v2  }
0x237: {  	v4 =	vld [tilespmem:s3+$0xFFFFFEB0];
	[tilespmem:s23+$0xFFFFFF20] =	vst v3  }
0x238: {  	v3 =	vld [tilespmem:s3+$0xFFFFFF30];
	v2 =	vmax.f32 v2, $0.0e+00  }
0x239: {  	[tilespmem:s23+$0xFFFFFFD0] =	vst v2;
	v2 =	vld [tilespmem:s23+$0xFFFFFFE0]  }
0x23a: {  	v9 =	vld [tilespmem:s3+$0xFFFFFFE0]  }
0x23b: {  	v10 =	vld [tilespmem:s23+$0xFFFFFC30]  }
0x23c: {  	v11 =	vld [tilespmem:s23+$0xFFFFFCB0]  }
0x23d: {  	v13 =	vld [tilespmem:s23+$0xFFFFFD30]  }
0x23e: {  	v14 =	vld [tilespmem:s23+$0xFFFFFDB0]  }
0x23f: {  	v15 =	vld [tilespmem:s23+$0xFFFFFE30];
	v2 =	vadd.f32 v9, v2  }
0x240: {  	v9 =	vadd.f32 v12, v10;
	v10 =	vld [tilespmem:s23+$0xFFFFFEB0]  }
0x241: {  	v6 =	vadd.f32 v6, v11;
	v11 =	vld [tilespmem:s23+$0xFFFFFF30];
	v2 =	vmax.f32 v2, $0.0e+00  }
0x242: {  	v9 =	vmax.f32 v9, $0.0e+00;
	v8 =	vadd.f32 v8, v13;
	[tilespmem:s23+$0xFFFFFFE0] =	vst v2;
	v2 =	vld [tilespmem:s23+$0xFFFFFFF0]  }
0x243: {  	[tilespmem:s23+$0xFFFFFC30] =	vst v9;
	v6 =	vmax.f32 v6, $0.0e+00;
	v5 =	vadd.f32 v5, v14;
	v9 =	vld [tilespmem:s3+$0xFFFFFFF0]  }
0x244: {  	v12 =	vld [tilespmem:s3+$0xFFFFFC40];
	[tilespmem:s23+$0xFFFFFCB0] =	vst v6;
	v6 =	vmax.f32 v8, $0.0e+00;
	v7 =	vadd.f32 v7, v15  }
0x245: {  	v8 =	vld [tilespmem:s3+$0xFFFFFCC0];
	[tilespmem:s23+$0xFFFFFD30] =	vst v6;
	v5 =	vmax.f32 v5, $0.0e+00;
	v4 =	vadd.f32 v4, v10  }
0x246: {  	v6 =	vld [tilespmem:s3+$0xFFFFFD40];
	[tilespmem:s23+$0xFFFFFDB0] =	vst v5;
	v5 =	vmax.f32 v7, $0.0e+00;
	v3 =	vadd.f32 v3, v11  }
0x247: {  	v7 =	vld [tilespmem:s3+$0xFFFFFDC0];
	[tilespmem:s23+$0xFFFFFE30] =	vst v5;
	v4 =	vmax.f32 v4, $0.0e+00  }
0x248: {  	v5 =	vld [tilespmem:s3+$0xFFFFFE40];
	[tilespmem:s23+$0xFFFFFEB0] =	vst v4;
	v3 =	vmax.f32 v3, $0.0e+00;
	v2 =	vadd.f32 v9, v2  }
0x249: {  	v4 =	vld [tilespmem:s3+$0xFFFFFEC0];
	[tilespmem:s23+$0xFFFFFF30] =	vst v3  }
0x24a: {  	v3 =	vld [tilespmem:s3+$0xFFFFFF40];
	v2 =	vmax.f32 v2, $0.0e+00  }
0x24b: {  	[tilespmem:s23+$0xFFFFFFF0] =	vst v2;
	v2 =	vld [tilespmem:s23+$0x0]  }
0x24c: {  	v9 =	vld [tilespmem:s3+$0x0]  }
0x24d: {  	v10 =	vld [tilespmem:s23+$0xFFFFFC40]  }
0x24e: {  	v11 =	vld [tilespmem:s23+$0xFFFFFCC0]  }
0x24f: {  	v13 =	vld [tilespmem:s23+$0xFFFFFD40]  }
0x250: {  	v14 =	vld [tilespmem:s23+$0xFFFFFDC0]  }
0x251: {  	v15 =	vld [tilespmem:s23+$0xFFFFFE40];
	v2 =	vadd.f32 v9, v2  }
0x252: {  	v9 =	vadd.f32 v12, v10;
	v10 =	vld [tilespmem:s23+$0xFFFFFEC0]  }
0x253: {  	v8 =	vadd.f32 v8, v11;
	v11 =	vld [tilespmem:s23+$0xFFFFFF40];
	v2 =	vmax.f32 v2, $0.0e+00  }
0x254: {  	v9 =	vmax.f32 v9, $0.0e+00;
	v12 =	vld [tilespmem:s23+$0xFFFFFC50];
	v6 =	vadd.f32 v6, v13;
	[tilespmem:s23+$0x0] =	vst v2  }
0x255: {  	[tilespmem:s23+$0xFFFFFC40] =	vst v9;
	v2 =	vmax.f32 v8, $0.0e+00;
	v8 =	vld [tilespmem:s23+$0xFFFFFCD0];
	v7 =	vadd.f32 v7, v14  }
0x256: {  	v9 =	vld [tilespmem:s3+$0xFFFFFC50];
	[tilespmem:s23+$0xFFFFFCC0] =	vst v2;
	v2 =	vmax.f32 v6, $0.0e+00;
	v5 =	vadd.f32 v5, v15  }
0x257: {  	v6 =	vld [tilespmem:s3+$0xFFFFFCD0];
	[tilespmem:s23+$0xFFFFFD40] =	vst v2;
	v2 =	vmax.f32 v7, $0.0e+00;
	v4 =	vadd.f32 v4, v10  }
0x258: {  	v7 =	vld [tilespmem:s3+$0xFFFFFD50];
	[tilespmem:s23+$0xFFFFFDC0] =	vst v2;
	v2 =	vmax.f32 v5, $0.0e+00;
	v3 =	vadd.f32 v3, v11  }
0x259: {  	v5 =	vld [tilespmem:s3+$0xFFFFFDD0];
	[tilespmem:s23+$0xFFFFFE40] =	vst v2;
	v2 =	vmax.f32 v4, $0.0e+00  }
0x25a: {  	v4 =	vld [tilespmem:s3+$0xFFFFFE50];
	[tilespmem:s23+$0xFFFFFEC0] =	vst v2;
	v2 =	vmax.f32 v3, $0.0e+00  }
0x25b: {  	v3 =	vadd.f32 v9, v12;
	v9 =	vld [tilespmem:s3+$0xFFFFFED0];
	[tilespmem:s23+$0xFFFFFF40] =	vst v2  }
0x25c: {  	v2 =	vadd.f32 v6, v8;
	v6 =	vld [tilespmem:s3+$0xFFFFFF50]  }
0x25d: {  	v3 =	vmax.f32 v3, $0.0e+00;
	v8 =	vld [tilespmem:s23+$0xFFFFFD50]  }
0x25e: {  	[tilespmem:s23+$0xFFFFFC50] =	vst v3;
	v2 =	vmax.f32 v2, $0.0e+00;
	v3 =	vld [tilespmem:s23+$0xFFFFFDD0]  }
0x25f: {  	[tilespmem:s23+$0xFFFFFCD0] =	vst v2;
	v2 =	vld [tilespmem:s23+$0xFFFFFE50]  }
0x260: {  	v10 =	vld [tilespmem:s23+$0xFFFFFED0]  }
0x261: {  	v11 =	vld [tilespmem:s23+$0xFFFFFF50]  }
0x262: {  	v12 =	vld [tilespmem:s3+$0xFFFFFC60];
	v7 =	vadd.f32 v7, v8  }
0x263: {  	v8 =	vld [tilespmem:s3+$0xFFFFFCE0];
	v3 =	vadd.f32 v5, v3  }
0x264: {  	v5 =	vld [tilespmem:s23+$0xFFFFFC60];
	v7 =	vmax.f32 v7, $0.0e+00;
	v2 =	vadd.f32 v4, v2  }
0x265: {  	v4 =	vld [tilespmem:s23+$0xFFFFFCE0];
	[tilespmem:s23+$0xFFFFFD50] =	vst v7;
	v3 =	vmax.f32 v3, $0.0e+00;
	v7 =	vadd.f32 v9, v10  }
0x266: {  	v9 =	vld [tilespmem:s3+$0xFFFFFD60];
	[tilespmem:s23+$0xFFFFFDD0] =	vst v3;
	v2 =	vmax.f32 v2, $0.0e+00;
	v3 =	vadd.f32 v6, v11  }
0x267: {  	v6 =	vld [tilespmem:s3+$0xFFFFFDE0];
	[tilespmem:s23+$0xFFFFFE50] =	vst v2;
	v2 =	vmax.f32 v7, $0.0e+00  }
0x268: {  	v7 =	vld [tilespmem:s3+$0xFFFFFE60];
	[tilespmem:s23+$0xFFFFFED0] =	vst v2;
	v2 =	vmax.f32 v3, $0.0e+00  }
0x269: {  	v3 =	vadd.f32 v12, v5;
	v5 =	vld [tilespmem:s3+$0xFFFFFEE0];
	[tilespmem:s23+$0xFFFFFF50] =	vst v2  }
0x26a: {  	v2 =	vadd.f32 v8, v4;
	v4 =	vld [tilespmem:s3+$0xFFFFFF60]  }
0x26b: {  	v3 =	vmax.f32 v3, $0.0e+00;
	v8 =	vld [tilespmem:s23+$0xFFFFFD60]  }
0x26c: {  	[tilespmem:s23+$0xFFFFFC60] =	vst v3;
	v2 =	vmax.f32 v2, $0.0e+00;
	v3 =	vld [tilespmem:s23+$0xFFFFFDE0]  }
0x26d: {  	[tilespmem:s23+$0xFFFFFCE0] =	vst v2;
	v2 =	vld [tilespmem:s23+$0xFFFFFE60]  }
0x26e: {  	v10 =	vld [tilespmem:s23+$0xFFFFFEE0]  }
0x26f: {  	v11 =	vld [tilespmem:s23+$0xFFFFFF60]  }
0x270: {  	v12 =	vld [tilespmem:s3+$0xFFFFFC70];
	v8 =	vadd.f32 v9, v8  }
0x271: {  	v9 =	vld [tilespmem:s3+$0xFFFFFCF0];
	v3 =	vadd.f32 v6, v3  }
0x272: {  	v6 =	vld [tilespmem:s23+$0xFFFFFC70];
	v8 =	vmax.f32 v8, $0.0e+00;
	v2 =	vadd.f32 v7, v2  }
0x273: {  	v7 =	vld [tilespmem:s23+$0xFFFFFCF0];
	[tilespmem:s23+$0xFFFFFD60] =	vst v8;
	v3 =	vmax.f32 v3, $0.0e+00;
	v5 =	vadd.f32 v5, v10  }
0x274: {  	v8 =	vld [tilespmem:s3+$0xFFFFFD70];
	[tilespmem:s23+$0xFFFFFDE0] =	vst v3;
	v2 =	vmax.f32 v2, $0.0e+00;
	v3 =	vadd.f32 v4, v11  }
0x275: {  	v4 =	vld [tilespmem:s3+$0xFFFFFDF0];
	[tilespmem:s23+$0xFFFFFE60] =	vst v2;
	v2 =	vmax.f32 v5, $0.0e+00  }
0x276: {  	v5 =	vld [tilespmem:s3+$0xFFFFFE70];
	[tilespmem:s23+$0xFFFFFEE0] =	vst v2;
	v2 =	vmax.f32 v3, $0.0e+00  }
0x277: {  	v3 =	vadd.f32 v12, v6;
	v6 =	vld [tilespmem:s3+$0xFFFFFEF0];
	[tilespmem:s23+$0xFFFFFF60] =	vst v2  }
0x278: {  	v2 =	vadd.f32 v9, v7;
	v7 =	vld [tilespmem:s3+$0xFFFFFF70]  }
0x279: {  	v3 =	vmax.f32 v3, $0.0e+00;
	v9 =	vld [tilespmem:s23+$0xFFFFFD70]  }
0x27a: {  	[tilespmem:s23+$0xFFFFFC70] =	vst v3;
	v2 =	vmax.f32 v2, $0.0e+00;
	v3 =	vld [tilespmem:s23+$0xFFFFFDF0]  }
0x27b: {  	[tilespmem:s23+$0xFFFFFCF0] =	vst v2;
	v2 =	vld [tilespmem:s23+$0xFFFFFE70]  }
0x27c: {  	v10 =	vld [tilespmem:s23+$0xFFFFFEF0]  }
0x27d: {  	v11 =	vld [tilespmem:s23+$0xFFFFFF70]  }
0x27e: {  	v12 =	vld [tilespmem:s3+$0xFFFFFC80];
	v8 =	vadd.f32 v8, v9  }
0x27f: {  	v9 =	vld [tilespmem:s3+$0xFFFFFD00];
	v3 =	vadd.f32 v4, v3  }
0x280: {  	v13 =	vld [tilespmem:s23+$0xFFFFFC80];
	v4 =	vmax.f32 v8, $0.0e+00;
	v2 =	vadd.f32 v5, v2  }
0x281: {  	v8 =	vld [tilespmem:s23+$0xFFFFFD00];
	[tilespmem:s23+$0xFFFFFD70] =	vst v4;
	v3 =	vmax.f32 v3, $0.0e+00;
	v6 =	vadd.f32 v6, v10  }
0x282: {  	v4 =	vld [tilespmem:s3+$0xFFFFFD80];
	[tilespmem:s23+$0xFFFFFDF0] =	vst v3;
	v2 =	vmax.f32 v2, $0.0e+00;
	v3 =	vadd.f32 v7, v11  }
0x283: {  	v5 =	vld [tilespmem:s3+$0xFFFFFE00];
	[tilespmem:s23+$0xFFFFFE70] =	vst v2;
	v2 =	vmax.f32 v6, $0.0e+00  }
0x284: {  	v6 =	vld [tilespmem:s3+$0xFFFFFE80];
	[tilespmem:s23+$0xFFFFFEF0] =	vst v2;
	v2 =	vmax.f32 v3, $0.0e+00  }
0x285: {  	v3 =	vadd.f32 v12, v13;
	v7 =	vld [tilespmem:s3+$0xFFFFFF00];
	[tilespmem:s23+$0xFFFFFF70] =	vst v2  }
0x286: {  	v8 =	vadd.f32 v9, v8;
	v2 =	vld [tilespmem:s3+$0xFFFFFF80]  }
.Ltmp2:
0x287: {  	v3 =	vmax.f32 v3, $0.0e+00;
	v9 =	vld [tilespmem:s23+$0xFFFFFD80];
	(pc) =	sbr.rel @p2 .LBB2_7-.Ltmp2, $4  }
0x288: {  	[tilespmem:s23+$0xFFFFFC80] =	vst v3;
	v3 =	vmax.f32 v8, $0.0e+00;
	v11 =	vld [tilespmem:s23+$0xFFFFFE00]  }
0x289: {  	[tilespmem:s23+$0xFFFFFD00] =	vst v3;
	v10 =	vld [tilespmem:s23+$0xFFFFFE80]  }
0x28a: {  	v8 =	vld [tilespmem:s23+$0xFFFFFF00]  }
0x28b: {  	s23 =	sadd.s32 $0x400, s23;
	v3 =	vld [tilespmem:s28+$0xFFFFFF80]  }
0x28c: {  	v4 =	vadd.f32 v4, v9  }
0x28d: {  	v5 =	vadd.f32 v5, v11  }
0x28e: {  	v4 =	vmax.f32 v4, $0.0e+00;
	v6 =	vadd.f32 v6, v10  }
0x28f: {  	[tilespmem:s28+$0xFFFFFD80] =	vst v4;
	v61 =	vmax.f32 v5, $0.0e+00;
	v62 =	vadd.f32 v7, v8  }
0x290: {  	[tilespmem:s28+$0xFFFFFE00] =	vst v61;
	v63 =	vmax.f32 v6, $0.0e+00;
	v2 =	vadd.f32 v2, v3  }
0x291: {  	[tilespmem:s28+$0xFFFFFE80] =	vst v63;
	v3 =	vmax.f32 v62, $0.0e+00  }
0x292: {  	[tilespmem:s28+$0xFFFFFF00] =	vst v3;
	v2 =	vmax.f32 v2, $0.0e+00  }
0x293: {  	[tilespmem:s28+$0xFFFFFF80] =	vst v2  }
0x294: {  	[spmem:s2] =	stream.indirect.scatter.add.f32 [tilespmem:s19], [sflag:$0x9], $0x80, s0, s11, $0xb8;
	[tilespmem:$0x1C300] =	vst v63  }
0x295: {  	_ =	swait.ge [sflag:s29], $0x1800  }
0x296: {  	[sflag:s29] =	ssyncset.done $0x0  }
0x297: {  	[sflag:s29] =	ssyncadd.s32 $0xFFFFE800  }
0x298: {  	v2 =	vld [tilespmem:$0x180];
	_ =	sdelay $0x7  }
0x299: {  	[tilespmem:v2+s21+$0x0] =	vst.idx.add.f32.msk $0xffff, v1  }
0x29a: {  	v2 =	vld [tilespmem:$0x190];
	_ =	sdelay $0x7  }
0x29b: {  	[tilespmem:v2+s21+$0x0] =	vst.idx.add.f32.msk $0xffff, v1  }
0x29c: {  	v2 =	vld [tilespmem:$0x1A0];
	_ =	sdelay $0x3  }
.Ltmp3:
0x29d: {  	_ = 	snop;
	(pc) =	sbr.rel @p1 .LBB2_10-.Ltmp3, $2  }
0x29e: {  	_ =	sdelay $0x2  }
0x29f: {  	[tilespmem:v2+s21+$0x0] =	vst.idx.add.f32.msk $0xffff, v1  }
.Ltmp4:
0x2a0: {  	(pc) =	sbr.rel .LBB2_4-.Ltmp4, $4  }
0x2a1: {  	s3 =	sadd.s32 s26, s20  }
0x2a2: {  	s3 =	sshrl.u32 s3, $0x3  }
0x2a3: {  	s25 =	sadd.s32 $0x1, s25;
	s3 =	sadd.s32 s7, s3  }
0x2a4: {  	[tilespmem:s0], [sflag:$0x8] =	stream.linear.gather [hbm4b:s3+s4], $0x30, $0x38;
	[tilespmem:$0x1C300] =	vst v63  }
.LBB2_10:
0x2a5: {  	s3 =	simm.s32 $0x0;
	s8 =	rddreg [dreg:$0xd];
	s23 =	simm.s32 $0x200  }
0x2a6: {  	[tilespmem:s23], [sflag:$0x9] =	stream.linear.gather [hbm4b:s8+s3], $0x10, $0x38;
	[tilespmem:$0x1C300] =	vst v63  }
0x2a7: {  	_ =	swait.ge [sflag:s29], $0x10  }
0x2a8: {  	[sflag:s29] =	ssyncset.done $0x0  }
0x2a9: {  	s25 =	simm.s32 $0x280;
	s26 =	rddreg [dreg:$0xe];
	[sflag:s29] =	ssyncadd.s32 $0xFFFFFFF0  }
0x2aa: {  	[tilespmem:s25], [sflag:$0x9] =	stream.linear.gather [hbm4b:s26+s3], $0x10, $0x38;
	[tilespmem:$0x1C300] =	vst v63  }
0x2ab: {  	_ =	swait.ge [sflag:s29], $0x10  }
0x2ac: {  	[sflag:s29] =	ssyncset.done $0x0  }
0x2ad: {  	s26 =	simm.s32 $0x3300;
	s8 =	rddreg [dreg:$0xf];
	[sflag:s29] =	ssyncadd.s32 $0xFFFFFFF0  }
0x2ae: {  	[tilespmem:s26], [sflag:$0x9] =	stream.linear.gather [hbm4b:s8+s3], $0x800, $0x38;
	[tilespmem:$0x1C300] =	vst v63  }
0x2af: {  	_ =	swait.ge [sflag:s29], $0x800  }
0x2b0: {  	[sflag:s29] =	ssyncset.done $0x0  }
0x2b1: {  	s28 =	simm.s32 $0x10;
	[sflag:s29] =	ssyncadd.s32 $0xFFFFF800  }
0x2b2: {  	[tilespmem:s12], [sflag:$0x1] =	stream.indirect.gather [hbm4b:s1+s28], $0x80, s23, s28, $0xb8;
	[tilespmem:$0x1C300] =	vst v63  }
0x2b3: {  	_ =	swait.ge [sflag:s14], $0x800  }
0x2b4: {  	[sflag:s14] =	ssyncset.done $0x0  }
0x2b5: {  	s3 =	simm.s32 $0x0;
	[sflag:s14] =	ssyncadd.s32 $0xFFFFF800  }
0x2b6: {  	v8 =	vld [tilespmem:s3+$0x3300]  }
0x2b7: {  	v13 =	vld [tilespmem:s3+$0x3310]  }
0x2b8: {  	v7 =	vld [tilespmem:s3+$0x3320]  }
0x2b9: {  	v6 =	vld [tilespmem:s3+$0x3330]  }
0x2ba: {  	v5 =	vld [tilespmem:s3+$0x3340]  }
0x2bb: {  	v4 =	vld [tilespmem:s3+$0x3350]  }
0x2bc: {  	v3 =	vld [tilespmem:s3+$0x3360]  }
0x2bd: {  	v2 =	vld [tilespmem:s3+$0x3370]  }
0x2be: {  	v14 =	vld [tilespmem:s3+$0x300]  }
0x2bf: {  	v15 =	vld [tilespmem:s3+$0x310]  }
0x2c0: {  	v12 =	vld [tilespmem:s3+$0x320]  }
0x2c1: {  	v11 =	vld [tilespmem:s3+$0x330]  }
0x2c2: {  	v10 =	vld [tilespmem:s3+$0x340]  }
0x2c3: {  	v9 =	vld [tilespmem:s3+$0x350];
	v14 =	vadd.f32 v8, v14  }
0x2c4: {  	s8 =	simm.s32 $0x200;
	v13 =	vadd.f32 v13, v15;
	v8 =	vld [tilespmem:s3+$0x360]  }
.LBB2_11:
0x2c5: {  	s23 =	sshra.s32 s8, $0x2;
	p1 =	sne.s32 s8, $0x1E00;
	v14 =	vmax.f32 v14, $0.0e+00;
	v7 =	vadd.f32 v7, v12;
	v12 =	vld [tilespmem:s3+$0x370]  }
0x2c6: {  	v15 =	vld [tilespmem:s23+$0x3300];
	[tilespmem:s3+$0x300] =	vst v14;
	v13 =	vmax.f32 v13, $0.0e+00;
	v6 =	vadd.f32 v6, v11  }
0x2c7: {  	v16 =	vld [tilespmem:s23+$0x3310];
	[tilespmem:s3+$0x310] =	vst v13;
	v11 =	vmax.f32 v7, $0.0e+00;
	v5 =	vadd.f32 v5, v10  }
0x2c8: {  	v7 =	vld [tilespmem:s23+$0x3320];
	[tilespmem:s3+$0x320] =	vst v11;
	v10 =	vmax.f32 v6, $0.0e+00;
	v4 =	vadd.f32 v4, v9  }
0x2c9: {  	v6 =	vld [tilespmem:s23+$0x3330];
	[tilespmem:s3+$0x330] =	vst v10;
	v9 =	vmax.f32 v5, $0.0e+00;
	v3 =	vadd.f32 v3, v8  }
0x2ca: {  	v5 =	vld [tilespmem:s23+$0x3340];
	[tilespmem:s3+$0x340] =	vst v9;
	v8 =	vmax.f32 v4, $0.0e+00;
	v2 =	vadd.f32 v2, v12  }
0x2cb: {  	v4 =	vld [tilespmem:s23+$0x3350];
	[tilespmem:s3+$0x350] =	vst v8;
	v8 =	vmax.f32 v3, $0.0e+00  }
0x2cc: {  	v3 =	vld [tilespmem:s23+$0x3360];
	[tilespmem:s3+$0x360] =	vst v8;
	v8 =	vmax.f32 v2, $0.0e+00  }
0x2cd: {  	v2 =	vld [tilespmem:s23+$0x3370];
	[tilespmem:s3+$0x370] =	vst v8;
	s3 =	smov.u32 s23  }
0x2ce: {  	v8 =	vld [tilespmem:s3+$0x300]  }
0x2cf: {  	v13 =	vld [tilespmem:s3+$0x310]  }
.Ltmp5:
0x2d0: {  	v12 =	vld [tilespmem:s3+$0x320];
	(pc) =	sbr.rel @p1 .LBB2_11-.Ltmp5, $4  }
0x2d1: {  	v11 =	vld [tilespmem:s3+$0x330]  }
0x2d2: {  	v10 =	vld [tilespmem:s3+$0x340]  }
0x2d3: {  	v14 =	vadd.f32 v15, v8;
	v9 =	vld [tilespmem:s3+$0x350]  }
0x2d4: {  	s8 =	sadd.s32 $0x200, s8;
	v13 =	vadd.f32 v16, v13;
	v8 =	vld [tilespmem:s3+$0x360]  }
0x2d5: {  	v14 =	vmax.f32 v14, $0.0e+00;
	v7 =	vadd.f32 v7, v12;
	v63 =	vld [tilespmem:s3+$0x370]  }
0x2d6: {  	[tilespmem:s3+$0x300] =	vst v14;
	v13 =	vmax.f32 v13, $0.0e+00;
	v6 =	vadd.f32 v6, v11  }
0x2d7: {  	[tilespmem:s3+$0x310] =	vst v13;
	v7 =	vmax.f32 v7, $0.0e+00;
	v5 =	vadd.f32 v5, v10  }
0x2d8: {  	[tilespmem:s3+$0x320] =	vst v7;
	v6 =	vmax.f32 v6, $0.0e+00;
	v4 =	vadd.f32 v4, v9  }
0x2d9: {  	[tilespmem:s3+$0x330] =	vst v6;
	v5 =	vmax.f32 v5, $0.0e+00;
	v3 =	vadd.f32 v3, v8  }
0x2da: {  	[tilespmem:s3+$0x340] =	vst v5;
	v4 =	vmax.f32 v4, $0.0e+00;
	v2 =	vadd.f32 v2, v63  }
0x2db: {  	[tilespmem:s3+$0x350] =	vst v4;
	v3 =	vmax.f32 v3, $0.0e+00  }
0x2dc: {  	[tilespmem:s3+$0x360] =	vst v3;
	v2 =	vmax.f32 v2, $0.0e+00  }
0x2dd: {  	[tilespmem:s3+$0x370] =	vst v2  }
0x2de: {  	[spmem:s2] =	stream.indirect.scatter.add.f32 [tilespmem:s12], [sflag:$0x9], $0x80, s25, s28, $0xb8;
	[tilespmem:$0x1C300] =	vst v63  }
0x2df: {  	_ =	swait.ge [sflag:s29], $0x800  }
0x2e0: {  	[sflag:s29] =	ssyncset.done $0x0  }
0x2e1: {  	[sflag:s29] =	ssyncadd.s32 $0xFFFFF800  }
0x2e2: {  	v2 =	vld [tilespmem:$0x280];
	_ =	sdelay $0x7  }
0x2e3: {  	[tilespmem:v2+s21+$0x0] =	vst.idx.add.f32.msk $0xffff, v1  }
0x2e4: {  	[bflag:$0x0] =	sbarrier.arrive $0xFFFF  }
0x2e5: {  	s23 =	rddreg [dreg:$0xc]  }
0x2e6: {  	s8 =	rddreg [dreg:$0x14]  }
0x2e7: {  	[hbm:s23], [sflag:s10] =	dma.local [spmem:s8], $0x2700  }
0x2e8: {  	_ =	swait.ge [sflag:s29], $0x2700  }
0x2e9: {  	[sflag:s29] =	ssyncset.done $0x0  }
0x2ea: {  	s3 =	rddreg [dreg:$0x10];
	[sflag:s29] =	ssyncadd.s32 $0xFFFFD900  }
0x2eb: {  	[hbm:s3], [sflag:s10] =	dma.local @!p0 [spmem:s24], $0x100  }
0x2ec: {  	s3 =	simm.s32 @!p0 $0x9  }
0x2ed: {  	_ =	swait.ge @!p0 [sflag:s3], $0x100  }
0x2ee: {  	[sflag:s3] =	ssyncset.done @!p0 $0x0  }
0x2ef: {  	s25 =	rddreg [dreg:$0x11];
	[sflag:s3] =	ssyncadd.s32 @!p0 $0xFFFFFF00  }
0x2f0: {  	[hbm4b:s25+s4] =	stream.linear.scatter [tilespmem:s21], [sflag:$0x9], $0x2710, $0x38;
	[tilespmem:$0x1C300] =	vst v63  }
0x2f1: {  	_ =	swait.ge [sflag:s29], $0x2710  }
0x2f2: {  	s22 =	sadd.s32 $0x1, s22;
	s28 =	rddreg [dreg:$0x12]  }
0x2f3: {  	p1 =	sne.s32 s22, s28  }
.Ltmp6:
0x2f4: {  	_ = 	snop;
	(pc) =	sbr.rel @p1 .LBB2_1-.Ltmp6, $3  }
0x2f5: {  	_ =	sdelay $0x1  }
0x2f6: {  	[sflag:s29] =	ssyncset.done $0x0  }
0x2f7: {  	[sflag:s29] =	ssyncadd.s32 $0xFFFFD8F0  }
0x2f8: {  	_ =	sfence.sel $0x180000  }
0x2f9: {  	[bflag:$0x0] =	sbarrier.arrive $0xFFFF  }
0x2fa: {  	_ =	strace $0x90000047  }
0x2fb: {  	s0 =	stileid.u32;
	[bflag:$0x2] =	sbarrier.arrive $0xFFFF  }
0x2fc: {  	p0 =	sne.s32 s0, $0x0;
	s0 =	rddreg [dreg:$0x3]  }
0x2fd: {  	s0 =	sadd.s32 @!p0 $0x100000, s0  }
0x2fe: {  	[sflag:s0] =	ssyncadd.tile.s32 @!p0 $0x1;
	_ =	shalt  }
.Lfunc_end2:
_tile_overlayer_lowered:
.L_overlay_start_2:
0x2ff: {  	(tag) =	ssettag $0x2  }
0x300: {  	s0 =	rddreg [dreg:$0x0];
	s2 =	stileid.u32  }
0x301: {  	s1 =	rddreg [dreg:$0x1];
	p0 =	sne.s32 s2, $0x0  }
0x302: {  	s3 =	rddreg [dreg:$0x2];
	[bflag:$0x3] =	sbarrier.arrive $0xFFFF;
	s2 =	simm.s32 @!p0 $0x1C09  }
0x303: {  	[timem:s3], [sflag:s2] =	dma.local @!p0 [hbm:s0], s1  }
0x304: {  	s0 =	simm.s32 @!p0 $0x9  }
0x305: {  	_ =	swait.ge @!p0 [sflag:s0], s1  }
0x306: {  	s1 =	ssub.s32 @!p0 $0x0, s1;
	[sflag:s0] =	ssyncset.done @!p0 $0x0  }
0x307: {  	[sflag:s0] =	ssyncadd.s32 @!p0 s1  }
0x308: {  	[bflag:$0x3] =	sbarrier.arrive $0xFFFF  }
0x309: {  	_ =	shalt  }

</sc_bundles>
